<compile_context>
chip_gen: v7x
topology: tpu7x:2x2x1
jax: 0.10.2.dev20260603
libtpu: 0.0.44.dev20260713+nightly
codegen_flags: <defaults>
</compile_context>

<pallas_src>
import functools

import jax
import jax.numpy as jnp
from jax import lax
from jax.experimental import pallas as pl
from jax.experimental.pallas import tpu as pltpu
from jax.experimental.pallas import tpu_sc as plsc

N = 10000
D = 256
E = 160000
NPAD = 10112
EPAD = 163840
B = 64
EPT = EPAD // 16
NB1 = EPT // B
EPW = EPAD // 32
NB2 = EPW // B
RPT = NPAD // 16
K1 = 40
K2 = 40
HB = D // 2

_mesh = plsc.VectorSubcoreMesh(core_axis_name="c", subcore_axis_name="s")


@functools.partial(
    pl.kernel,
    mesh=_mesh,
    out_type=(
        jax.ShapeDtypeStruct((NPAD, HB), jnp.float32),
        jax.ShapeDtypeStruct((NPAD, HB), jnp.float32),
        jax.ShapeDtypeStruct((NPAD, HB), jnp.float32),
        jax.ShapeDtypeStruct((NPAD, HB), jnp.float32),
    ),
    scratch_types=(
        pltpu.VMEM((K1, B), jnp.int32),
        pltpu.VMEM((K1, B), jnp.int32),
        pltpu.VMEM((K2, B), jnp.int32),
        pltpu.VMEM((B, HB), jnp.float32),
        pltpu.VMEM((B, HB), jnp.float32),
        pltpu.VMEM_SHARED((NPAD, HB), jnp.float32),
        pltpu.SemaphoreType.DMA,
        pltpu.SemaphoreType.DMA,
    ),
)
def _sc_aggregate(f0_hbm, f1_hbm, src2_hbm, dst2_hbm,
                  acc0_out, acc1_out, deg0_out, deg1_out,
                  src_i, dst_i, dst2_i, rows_a, rows_b,
                  acc_sh, sem_a, sem_b):
    c = lax.axis_index("c")
    s = lax.axis_index("s")
    row0 = s * RPT
    zeros = jnp.zeros((16,), jnp.float32)
    ones = jnp.ones((16,), jnp.float32)
    nfull = RPT // B
    tail = RPT - nfull * B

    def _fill(buf, vec):
        def body(i, carry):
            for j in range(HB // 16):
                buf[i, pl.ds(j * 16, 16)] = vec
            return carry
        lax.fori_loop(0, B, body, 0)

    def _zero_acc():
        for k in range(nfull):
            pltpu.sync_copy(rows_b, acc_sh.at[pl.ds(row0 + k * B, B)])
        pltpu.sync_copy(rows_b.at[pl.ds(0, tail)],
                        acc_sh.at[pl.ds(row0 + nfull * B, tail)])

    def _copy_out(hbm_ref):
        for k in range(nfull):
            r = row0 + k * B
            pltpu.sync_copy(acc_sh.at[pl.ds(r, B)], rows_a)
            pltpu.sync_copy(rows_a, hbm_ref.at[pl.ds(r, B)])
        r = row0 + nfull * B
        pltpu.sync_copy(acc_sh.at[pl.ds(r, tail)], rows_a.at[pl.ds(0, tail)])
        pltpu.sync_copy(rows_a.at[pl.ds(0, tail)], hbm_ref.at[pl.ds(r, tail)])

    _fill(rows_b, zeros)
    _zero_acc()
    plsc.subcore_barrier()

    def _edge_phase(tbl_ref):
        def chunk(nc, carry):
            pltpu.sync_copy(src2_hbm.at[pl.ds(s * NB1 + nc * K1, K1)], src_i)
            pltpu.sync_copy(dst2_hbm.at[pl.ds(s * NB1 + nc * K1, K1)], dst_i)
            pltpu.async_copy(tbl_ref.at[src_i.at[0]], rows_a, sem_a)

            def body(g, carry2):
                i = 2 * g
                pltpu.async_copy(tbl_ref.at[src_i.at[i + 1]], rows_b, sem_b)
                pltpu.make_async_copy(tbl_ref.at[src_i.at[i]], rows_a, sem_a).wait()
                pltpu.sync_copy(rows_a, acc_sh.at[dst_i.at[i]], add=True)

                @pl.when(g < K1 // 2 - 1)
                def _():
                    pltpu.async_copy(tbl_ref.at[src_i.at[i + 2]], rows_a, sem_a)

                pltpu.make_async_copy(tbl_ref.at[src_i.at[i + 1]], rows_b, sem_b).wait()
                pltpu.sync_copy(rows_b, acc_sh.at[dst_i.at[i + 1]], add=True)
                return carry2
            lax.fori_loop(0, K1 // 2, body, 0)
            return carry
        lax.fori_loop(0, NB1 // K1, chunk, 0)

    @pl.when(c == 0)
    def _():
        _edge_phase(f0_hbm)

    @pl.when(c == 1)
    def _():
        _edge_phase(f1_hbm)

    plsc.subcore_barrier()

    @pl.when(c == 0)
    def _():
        _copy_out(acc0_out)

    @pl.when(c == 1)
    def _():
        _copy_out(acc1_out)

    plsc.subcore_barrier()

    _fill(rows_b, zeros)
    _zero_acc()
    _fill(rows_b, ones)
    plsc.subcore_barrier()

    wbase = (c * 16 + s) * NB2

    def _deg_chunk(nc, carry):
        pltpu.sync_copy(dst2_hbm.at[pl.ds(wbase + nc * K2, K2)], dst2_i)

        def fire(i, carry2):
            pltpu.async_copy(rows_b, acc_sh.at[dst2_i.at[i]], sem_b, add=True)
            return carry2
        lax.fori_loop(0, K2, fire, 0)

        def drain(i, carry2):
            pltpu.make_async_copy(rows_b, acc_sh.at[dst2_i.at[i]], sem_b).wait()
            return carry2
        lax.fori_loop(0, K2, drain, 0)
        return carry
    lax.fori_loop(0, NB2 // K2, _deg_chunk, 0)

    plsc.subcore_barrier()

    @pl.when(c == 0)
    def _():
        _copy_out(deg0_out)

    @pl.when(c == 1)
    def _():
        _copy_out(deg1_out)


RB = 1000


def _tc_body(feat_ref, a0_ref, a1_ref, d0_ref, d1_ref, wn_ref, ws_ref, b_ref,
             out_ref):
    x = feat_ref[...]
    d = d0_ref[...][:, 0:1] + d1_ref[...][:, 0:1]
    neigh = jnp.concatenate([a0_ref[...], a1_ref[...]], axis=1)
    agg = jnp.where(d > 0.0, neigh / jnp.maximum(d, 1.0), 0.0)
    hs = lax.dot_general(x, ws_ref[...], (((1,), (1,)), ((), ())),
                         preferred_element_type=jnp.float32)
    hn = lax.dot_general(agg, wn_ref[...], (((1,), (1,)), ((), ())),
                         preferred_element_type=jnp.float32)
    out_ref[...] = hs + hn + b_ref[...]


_tc_combine = pl.pallas_call(
    _tc_body,
    grid=(N // RB,),
    in_specs=[
        pl.BlockSpec((RB, D), lambda i: (i, 0)),
        pl.BlockSpec((RB, HB), lambda i: (i, 0)),
        pl.BlockSpec((RB, HB), lambda i: (i, 0)),
        pl.BlockSpec((RB, HB), lambda i: (i, 0)),
        pl.BlockSpec((RB, HB), lambda i: (i, 0)),
        pl.BlockSpec((D, D), lambda i: (0, 0)),
        pl.BlockSpec((D, D), lambda i: (0, 0)),
        pl.BlockSpec((1, D), lambda i: (0, 0)),
    ],
    out_specs=pl.BlockSpec((RB, D), lambda i: (i, 0)),
    out_shape=jax.ShapeDtypeStruct((N, D), jnp.float32),
)


@jax.jit
def kernel(feat, edge_index, W_neigh, W_self, b_self):
    src = edge_index[0].astype(jnp.int32)
    dst = edge_index[1].astype(jnp.int32)
    pad = EPAD - E
    src = jnp.concatenate([src, jnp.zeros((pad,), jnp.int32)])
    dst = jnp.concatenate([dst, jnp.full((pad,), N, jnp.int32)])
    src2 = src.reshape(EPAD // B, B)
    dst2 = dst.reshape(EPAD // B, B)
    f0 = feat[:, :HB]
    f1 = feat[:, HB:]
    acc0, acc1, deg0, deg1 = _sc_aggregate(f0, f1, src2, dst2)
    return _tc_combine(feat, acc0, acc1, deg0, deg1, W_neigh, W_self,
                       b_self.reshape(1, D))

# --- scband reference (transcript-rebuilt; emitter-appended) ---
"""Pipeline reference for scband-expsageconv-30236569764512 (READ-ONLY COPY).

The authoritative reference and input builder live on the scoring server;
editing this copy changes nothing except your own understanding.
"""

import jax, jax.numpy as jnp
import numpy as np

N_NODES = 10000
N_EDGES = 160000
D_IN = 256
D_OUT = 256


def setup_inputs(seed: int = 0) -> dict:
    key = jax.random.key(seed)
    k1, k2, k3, k4, k5 = jax.random.split(key, 5)
    feat = jax.random.normal(k1, (N_NODES, D_IN), dtype=jnp.float32)
    edge_index = jax.random.randint(k2, (2, N_EDGES), 0, N_NODES, dtype=jnp.int64)
    # xavier_uniform with gain=calculate_gain('relu')=sqrt(2)
    gain = float(np.sqrt(2.0))
    bound = gain * float(np.sqrt(6.0 / (D_IN + D_OUT)))
    W_neigh = jax.random.uniform(k3, (D_OUT, D_IN), dtype=jnp.float32, minval=-bound, maxval=bound)
    W_self = jax.random.uniform(k4, (D_OUT, D_IN), dtype=jnp.float32, minval=-bound, maxval=bound)
    b_self = jax.random.uniform(k5, (D_OUT,), dtype=jnp.float32, minval=-1.0 / np.sqrt(D_IN), maxval=1.0 / np.sqrt(D_IN))
    return {"feat": feat, "edge_index": edge_index, "W_neigh": W_neigh, "W_self": W_self, "b_self": b_self}


def reference(feat, edge_index, W_neigh, W_self, b_self):
    # ref_forward with aggregator_type='mean', feat_drop=0 (identity), no norm/activation.
    # feat_src = feat (full graph, src == dst node set)
    src = edge_index[0]
    dst = edge_index[1]
    # fc_neigh applied on source features, then copy_u -> mean aggregation per dst node
    h_src = feat @ W_neigh.T  # [N, D_OUT]
    msgs = jnp.take(h_src, src, axis=0)  # gather [E, D_OUT]
    neigh_sum = jax.ops.segment_sum(msgs, dst, num_segments=N_NODES)  # scatter-add
    deg = jax.ops.segment_sum(jnp.ones((N_EDGES,), dtype=jnp.float32), dst, num_segments=N_NODES)
    h_neigh = jnp.where(deg[:, None] > 0, neigh_sum / jnp.maximum(deg[:, None], 1.0), 0.0)
    # fc_self on destination features
    h_self = feat @ W_self.T + b_self
    rst = h_self + h_neigh
    return rst

if __name__ == "__main__":
    import jax
    _d = setup_inputs()
    print(jax.jit(kernel)(*tuple(_d.values())))

</pallas_src>

<mosaic_0001>
#map = affine_map<(d0, d1) -> (0, 0)>
module attributes {stable_mosaic.version = 14 : i64} {
  func.func @_sc_aggregate(%arg0: i32, %arg1: i32, %arg2: memref<10000x128xf32, #tpu.memory_space<hbm>>, %arg3: memref<10000x128xf32, #tpu.memory_space<hbm>>, %arg4: memref<2560x64xi32, #tpu.memory_space<hbm>>, %arg5: memref<2560x64xi32, #tpu.memory_space<hbm>>, %arg6: memref<10112x128xf32, #tpu.memory_space<hbm>>, %arg7: memref<10112x128xf32, #tpu.memory_space<hbm>>, %arg8: memref<10112x128xf32, #tpu.memory_space<hbm>>, %arg9: memref<10112x128xf32, #tpu.memory_space<hbm>>, %arg10: memref<40x64xi32, #tpu.memory_space<vmem>>, %arg11: memref<40x64xi32, #tpu.memory_space<vmem>>, %arg12: memref<40x64xi32, #tpu.memory_space<vmem>>, %arg13: memref<64x128xf32, #tpu.memory_space<vmem>>, %arg14: memref<64x128xf32, #tpu.memory_space<vmem>>, %arg15: memref<10112x128xf32, #tpu.memory_space<vmem_shared>>, %arg16: memref<!tpu.dma_semaphore, #tpu.memory_space<semaphore_mem>>, %arg17: memref<!tpu.dma_semaphore, #tpu.memory_space<semaphore_mem>>) attributes {dimension_semantics = [#tpu.dimension_semantics<core_parallel>, #tpu.dimension_semantics<subcore_parallel>], iteration_bounds = array<i64: 2, 16>, scalar_prefetch = 0 : i64, scratch_operands = 8 : i64, tpu.core_type = #tpu.core_type<sc_vector_subcore>, window_params = [{transform_indices = #map}, {transform_indices = #map}, {transform_indices = #map}, {transform_indices = #map}, {transform_indices = #map}, {transform_indices = #map}, {transform_indices = #map}, {transform_indices = #map}]} {
    %mul3A = arith.constant 632 : i32
    %mul3A_0 = arith.muli %arg1, %mul3A : i32
    %broadcast_in_dim3A = arith.constant 0.000000e+00 : f32
    %broadcast_in_dim3A_1 = vector.broadcast %broadcast_in_dim3A : f32 to vector<16xf32>
    %broadcast_in_dim3A_2 = arith.constant 1.000000e+00 : f32
    %broadcast_in_dim3A_3 = vector.broadcast %broadcast_in_dim3A_2 : f32 to vector<16xf32>
    %scan3A = arith.constant 0 : i32
    %scan3A_4 = arith.constant 0 : i32
    %scan3A_5 = arith.constant 64 : i32
    %scan3A_6 = arith.addi %scan3A_4, %scan3A_5 : i32
    %scan3A_7 = arith.constant 1 : i32
    scf.for %scan3A_102 = %scan3A_4 to %scan3A_6 step %scan3A_7  : i32 {
      %swap3A = arith.index_cast %scan3A_102 : i32 to index
      %swap3A_103 = arith.constant 0 : index
      %swap3A_104 = tpu.vector_load %arg14[%swap3A, %swap3A_103] {strides = array<i32>} : memref<64x128xf32, #tpu.memory_space<vmem>>, vector<1x16xf32>,
      %swap3A_105 = vector.shape_cast %swap3A_104 : vector<1x16xf32> to vector<16xf32>
      %swap3A_106 = vector.shape_cast %broadcast_in_dim3A_1 : vector<16xf32> to vector<1x16xf32>
      tpu.vector_store %arg14[%swap3A, %swap3A_103], %swap3A_106 {strides = array<i32>} : memref<64x128xf32, #tpu.memory_space<vmem>>, vector<1x16xf32>,
      %swap3A_107 = arith.index_cast %scan3A_102 : i32 to index
      %swap3A_108 = arith.constant 16 : index
      %swap3A_109 = tpu.vector_load %arg14[%swap3A_107, %swap3A_108] {strides = array<i32>} : memref<64x128xf32, #tpu.memory_space<vmem>>, vector<1x16xf32>,
      %swap3A_110 = vector.shape_cast %swap3A_109 : vector<1x16xf32> to vector<16xf32>
      %swap3A_111 = vector.shape_cast %broadcast_in_dim3A_1 : vector<16xf32> to vector<1x16xf32>
      tpu.vector_store %arg14[%swap3A_107, %swap3A_108], %swap3A_111 {strides = array<i32>} : memref<64x128xf32, #tpu.memory_space<vmem>>, vector<1x16xf32>,
      %swap3A_112 = arith.index_cast %scan3A_102 : i32 to index
      %swap3A_113 = arith.constant 32 : index
      %swap3A_114 = tpu.vector_load %arg14[%swap3A_112, %swap3A_113] {strides = array<i32>} : memref<64x128xf32, #tpu.memory_space<vmem>>, vector<1x16xf32>,
      %swap3A_115 = vector.shape_cast %swap3A_114 : vector<1x16xf32> to vector<16xf32>
      %swap3A_116 = vector.shape_cast %broadcast_in_dim3A_1 : vector<16xf32> to vector<1x16xf32>
      tpu.vector_store %arg14[%swap3A_112, %swap3A_113], %swap3A_116 {strides = array<i32>} : memref<64x128xf32, #tpu.memory_space<vmem>>, vector<1x16xf32>,
      %swap3A_117 = arith.index_cast %scan3A_102 : i32 to index
      %swap3A_118 = arith.constant 48 : index
      %swap3A_119 = tpu.vector_load %arg14[%swap3A_117, %swap3A_118] {strides = array<i32>} : memref<64x128xf32, #tpu.memory_space<vmem>>, vector<1x16xf32>,
      %swap3A_120 = vector.shape_cast %swap3A_119 : vector<1x16xf32> to vector<16xf32>
      %swap3A_121 = vector.shape_cast %broadcast_in_dim3A_1 : vector<16xf32> to vector<1x16xf32>
      tpu.vector_store %arg14[%swap3A_117, %swap3A_118], %swap3A_121 {strides = array<i32>} : memref<64x128xf32, #tpu.memory_space<vmem>>, vector<1x16xf32>,
      %swap3A_122 = arith.index_cast %scan3A_102 : i32 to index
      %swap3A_123 = arith.constant 64 : index
      %swap3A_124 = tpu.vector_load %arg14[%swap3A_122, %swap3A_123] {strides = array<i32>} : memref<64x128xf32, #tpu.memory_space<vmem>>, vector<1x16xf32>,
      %swap3A_125 = vector.shape_cast %swap3A_124 : vector<1x16xf32> to vector<16xf32>
      %swap3A_126 = vector.shape_cast %broadcast_in_dim3A_1 : vector<16xf32> to vector<1x16xf32>
      tpu.vector_store %arg14[%swap3A_122, %swap3A_123], %swap3A_126 {strides = array<i32>} : memref<64x128xf32, #tpu.memory_space<vmem>>, vector<1x16xf32>,
      %swap3A_127 = arith.index_cast %scan3A_102 : i32 to index
      %swap3A_128 = arith.constant 80 : index
      %swap3A_129 = tpu.vector_load %arg14[%swap3A_127, %swap3A_128] {strides = array<i32>} : memref<64x128xf32, #tpu.memory_space<vmem>>, vector<1x16xf32>,
      %swap3A_130 = vector.shape_cast %swap3A_129 : vector<1x16xf32> to vector<16xf32>
      %swap3A_131 = vector.shape_cast %broadcast_in_dim3A_1 : vector<16xf32> to vector<1x16xf32>
      tpu.vector_store %arg14[%swap3A_127, %swap3A_128], %swap3A_131 {strides = array<i32>} : memref<64x128xf32, #tpu.memory_space<vmem>>, vector<1x16xf32>,
      %swap3A_132 = arith.index_cast %scan3A_102 : i32 to index
      %swap3A_133 = arith.constant 96 : index
      %swap3A_134 = tpu.vector_load %arg14[%swap3A_132, %swap3A_133] {strides = array<i32>} : memref<64x128xf32, #tpu.memory_space<vmem>>, vector<1x16xf32>,
      %swap3A_135 = vector.shape_cast %swap3A_134 : vector<1x16xf32> to vector<16xf32>
      %swap3A_136 = vector.shape_cast %broadcast_in_dim3A_1 : vector<16xf32> to vector<1x16xf32>
      tpu.vector_store %arg14[%swap3A_132, %swap3A_133], %swap3A_136 {strides = array<i32>} : memref<64x128xf32, #tpu.memory_space<vmem>>, vector<1x16xf32>,
      %swap3A_137 = arith.index_cast %scan3A_102 : i32 to index
      %swap3A_138 = arith.constant 112 : index
      %swap3A_139 = tpu.vector_load %arg14[%swap3A_137, %swap3A_138] {strides = array<i32>} : memref<64x128xf32, #tpu.memory_space<vmem>>, vector<1x16xf32>,
      %swap3A_140 = vector.shape_cast %swap3A_139 : vector<1x16xf32> to vector<16xf32>
      %swap3A_141 = vector.shape_cast %broadcast_in_dim3A_1 : vector<16xf32> to vector<1x16xf32>
      tpu.vector_store %arg14[%swap3A_137, %swap3A_138], %swap3A_141 {strides = array<i32>} : memref<64x128xf32, #tpu.memory_space<vmem>>, vector<1x16xf32>,
    }
    %scan3A_8 = arith.constant 64 : i32
    %add3A = arith.constant 0 : i32
    %add3A_9 = arith.addi %mul3A_0, %add3A : i32
    "tpu.region"() ({
      %run_scoped3A = tpu.sem_alloc : memref<!tpu.dma_semaphore, #tpu.memory_space<semaphore_mem>>
      %dma_start3A = arith.constant 0 : i32
      %dma_start3A_102 = tpu.memref_slice %arg15[%add3A_9, %dma_start3A] : memref<10112x128xf32, #tpu.memory_space<vmem_shared>> -> memref<64x128xf32, #tpu.memory_space<vmem_shared>>
      %dma_start3A_103 = arith.constant 0 : i32
      %dma_start3A_104 = tpu.memref_slice %arg15[%add3A_9, %dma_start3A_103] : memref<10112x128xf32, #tpu.memory_space<vmem_shared>> -> memref<64x128xf32, #tpu.memory_space<vmem_shared>>
      tpu.enqueue_dma source(%arg14 : memref<64x128xf32, #tpu.memory_space<vmem>>) target(%dma_start3A_104 : memref<64x128xf32, #tpu.memory_space<vmem_shared>>) target_semaphore(%run_scoped3A : memref<!tpu.dma_semaphore, #tpu.memory_space<semaphore_mem>>)
      %dma_wait3A = arith.constant 0 : i32
      %dma_wait3A_105 = tpu.memref_slice %arg15[%add3A_9, %dma_wait3A] : memref<10112x128xf32, #tpu.memory_space<vmem_shared>> -> memref<64x128xf32, #tpu.memory_space<vmem_shared>>
      %dma_wait3A_106 = arith.constant 0 : i32
      %dma_wait3A_107 = tpu.memref_slice %arg15[%add3A_9, %dma_wait3A_106] : memref<10112x128xf32, #tpu.memory_space<vmem_shared>> -> memref<64x128xf32, #tpu.memory_space<vmem_shared>>
      tpu.wait_dma2 semaphore(%run_scoped3A : memref<!tpu.dma_semaphore, #tpu.memory_space<semaphore_mem>>) src(%arg14 : memref<64x128xf32, #tpu.memory_space<vmem>>) dst(%dma_wait3A_107 : memref<64x128xf32, #tpu.memory_space<vmem_shared>>)
      tpu.yield
    }) : () -> ()
    %add3A_10 = arith.constant 64 : i32
    %add3A_11 = arith.addi %mul3A_0, %add3A_10 : i32
    "tpu.region"() ({
      %run_scoped3A = tpu.sem_alloc : memref<!tpu.dma_semaphore, #tpu.memory_space<semaphore_mem>>
      %dma_start3A = arith.constant 0 : i32
      %dma_start3A_102 = tpu.memref_slice %arg15[%add3A_11, %dma_start3A] : memref<10112x128xf32, #tpu.memory_space<vmem_shared>> -> memref<64x128xf32, #tpu.memory_space<vmem_shared>>
      %dma_start3A_103 = arith.constant 0 : i32
      %dma_start3A_104 = tpu.memref_slice %arg15[%add3A_11, %dma_start3A_103] : memref<10112x128xf32, #tpu.memory_space<vmem_shared>> -> memref<64x128xf32, #tpu.memory_space<vmem_shared>>
      tpu.enqueue_dma source(%arg14 : memref<64x128xf32, #tpu.memory_space<vmem>>) target(%dma_start3A_104 : memref<64x128xf32, #tpu.memory_space<vmem_shared>>) target_semaphore(%run_scoped3A : memref<!tpu.dma_semaphore, #tpu.memory_space<semaphore_mem>>)
      %dma_wait3A = arith.constant 0 : i32
      %dma_wait3A_105 = tpu.memref_slice %arg15[%add3A_11, %dma_wait3A] : memref<10112x128xf32, #tpu.memory_space<vmem_shared>> -> memref<64x128xf32, #tpu.memory_space<vmem_shared>>
      %dma_wait3A_106 = arith.constant 0 : i32
      %dma_wait3A_107 = tpu.memref_slice %arg15[%add3A_11, %dma_wait3A_106] : memref<10112x128xf32, #tpu.memory_space<vmem_shared>> -> memref<64x128xf32, #tpu.memory_space<vmem_shared>>
      tpu.wait_dma2 semaphore(%run_scoped3A : memref<!tpu.dma_semaphore, #tpu.memory_space<semaphore_mem>>) src(%arg14 : memref<64x128xf32, #tpu.memory_space<vmem>>) dst(%dma_wait3A_107 : memref<64x128xf32, #tpu.memory_space<vmem_shared>>)
      tpu.yield
    }) : () -> ()
    %add3A_12 = arith.constant 128 : i32
    %add3A_13 = arith.addi %mul3A_0, %add3A_12 : i32
    "tpu.region"() ({
      %run_scoped3A = tpu.sem_alloc : memref<!tpu.dma_semaphore, #tpu.memory_space<semaphore_mem>>
      %dma_start3A = arith.constant 0 : i32
      %dma_start3A_102 = tpu.memref_slice %arg15[%add3A_13, %dma_start3A] : memref<10112x128xf32, #tpu.memory_space<vmem_shared>> -> memref<64x128xf32, #tpu.memory_space<vmem_shared>>
      %dma_start3A_103 = arith.constant 0 : i32
      %dma_start3A_104 = tpu.memref_slice %arg15[%add3A_13, %dma_start3A_103] : memref<10112x128xf32, #tpu.memory_space<vmem_shared>> -> memref<64x128xf32, #tpu.memory_space<vmem_shared>>
      tpu.enqueue_dma source(%arg14 : memref<64x128xf32, #tpu.memory_space<vmem>>) target(%dma_start3A_104 : memref<64x128xf32, #tpu.memory_space<vmem_shared>>) target_semaphore(%run_scoped3A : memref<!tpu.dma_semaphore, #tpu.memory_space<semaphore_mem>>)
      %dma_wait3A = arith.constant 0 : i32
      %dma_wait3A_105 = tpu.memref_slice %arg15[%add3A_13, %dma_wait3A] : memref<10112x128xf32, #tpu.memory_space<vmem_shared>> -> memref<64x128xf32, #tpu.memory_space<vmem_shared>>
      %dma_wait3A_106 = arith.constant 0 : i32
      %dma_wait3A_107 = tpu.memref_slice %arg15[%add3A_13, %dma_wait3A_106] : memref<10112x128xf32, #tpu.memory_space<vmem_shared>> -> memref<64x128xf32, #tpu.memory_space<vmem_shared>>
      tpu.wait_dma2 semaphore(%run_scoped3A : memref<!tpu.dma_semaphore, #tpu.memory_space<semaphore_mem>>) src(%arg14 : memref<64x128xf32, #tpu.memory_space<vmem>>) dst(%dma_wait3A_107 : memref<64x128xf32, #tpu.memory_space<vmem_shared>>)
      tpu.yield
    }) : () -> ()
    %add3A_14 = arith.constant 192 : i32
    %add3A_15 = arith.addi %mul3A_0, %add3A_14 : i32
    "tpu.region"() ({
      %run_scoped3A = tpu.sem_alloc : memref<!tpu.dma_semaphore, #tpu.memory_space<semaphore_mem>>
      %dma_start3A = arith.constant 0 : i32
      %dma_start3A_102 = tpu.memref_slice %arg15[%add3A_15, %dma_start3A] : memref<10112x128xf32, #tpu.memory_space<vmem_shared>> -> memref<64x128xf32, #tpu.memory_space<vmem_shared>>
      %dma_start3A_103 = arith.constant 0 : i32
      %dma_start3A_104 = tpu.memref_slice %arg15[%add3A_15, %dma_start3A_103] : memref<10112x128xf32, #tpu.memory_space<vmem_shared>> -> memref<64x128xf32, #tpu.memory_space<vmem_shared>>
      tpu.enqueue_dma source(%arg14 : memref<64x128xf32, #tpu.memory_space<vmem>>) target(%dma_start3A_104 : memref<64x128xf32, #tpu.memory_space<vmem_shared>>) target_semaphore(%run_scoped3A : memref<!tpu.dma_semaphore, #tpu.memory_space<semaphore_mem>>)
      %dma_wait3A = arith.constant 0 : i32
      %dma_wait3A_105 = tpu.memref_slice %arg15[%add3A_15, %dma_wait3A] : memref<10112x128xf32, #tpu.memory_space<vmem_shared>> -> memref<64x128xf32, #tpu.memory_space<vmem_shared>>
      %dma_wait3A_106 = arith.constant 0 : i32
      %dma_wait3A_107 = tpu.memref_slice %arg15[%add3A_15, %dma_wait3A_106] : memref<10112x128xf32, #tpu.memory_space<vmem_shared>> -> memref<64x128xf32, #tpu.memory_space<vmem_shared>>
      tpu.wait_dma2 semaphore(%run_scoped3A : memref<!tpu.dma_semaphore, #tpu.memory_space<semaphore_mem>>) src(%arg14 : memref<64x128xf32, #tpu.memory_space<vmem>>) dst(%dma_wait3A_107 : memref<64x128xf32, #tpu.memory_space<vmem_shared>>)
      tpu.yield
    }) : () -> ()
    %add3A_16 = arith.constant 256 : i32
    %add3A_17 = arith.addi %mul3A_0, %add3A_16 : i32
    "tpu.region"() ({
      %run_scoped3A = tpu.sem_alloc : memref<!tpu.dma_semaphore, #tpu.memory_space<semaphore_mem>>
      %dma_start3A = arith.constant 0 : i32
      %dma_start3A_102 = tpu.memref_slice %arg15[%add3A_17, %dma_start3A] : memref<10112x128xf32, #tpu.memory_space<vmem_shared>> -> memref<64x128xf32, #tpu.memory_space<vmem_shared>>
      %dma_start3A_103 = arith.constant 0 : i32
      %dma_start3A_104 = tpu.memref_slice %arg15[%add3A_17, %dma_start3A_103] : memref<10112x128xf32, #tpu.memory_space<vmem_shared>> -> memref<64x128xf32, #tpu.memory_space<vmem_shared>>
      tpu.enqueue_dma source(%arg14 : memref<64x128xf32, #tpu.memory_space<vmem>>) target(%dma_start3A_104 : memref<64x128xf32, #tpu.memory_space<vmem_shared>>) target_semaphore(%run_scoped3A : memref<!tpu.dma_semaphore, #tpu.memory_space<semaphore_mem>>)
      %dma_wait3A = arith.constant 0 : i32
      %dma_wait3A_105 = tpu.memref_slice %arg15[%add3A_17, %dma_wait3A] : memref<10112x128xf32, #tpu.memory_space<vmem_shared>> -> memref<64x128xf32, #tpu.memory_space<vmem_shared>>
      %dma_wait3A_106 = arith.constant 0 : i32
      %dma_wait3A_107 = tpu.memref_slice %arg15[%add3A_17, %dma_wait3A_106] : memref<10112x128xf32, #tpu.memory_space<vmem_shared>> -> memref<64x128xf32, #tpu.memory_space<vmem_shared>>
      tpu.wait_dma2 semaphore(%run_scoped3A : memref<!tpu.dma_semaphore, #tpu.memory_space<semaphore_mem>>) src(%arg14 : memref<64x128xf32, #tpu.memory_space<vmem>>) dst(%dma_wait3A_107 : memref<64x128xf32, #tpu.memory_space<vmem_shared>>)
      tpu.yield
    }) : () -> ()
    %add3A_18 = arith.constant 320 : i32
    %add3A_19 = arith.addi %mul3A_0, %add3A_18 : i32
    "tpu.region"() ({
      %run_scoped3A = tpu.sem_alloc : memref<!tpu.dma_semaphore, #tpu.memory_space<semaphore_mem>>
      %dma_start3A = arith.constant 0 : i32
      %dma_start3A_102 = tpu.memref_slice %arg15[%add3A_19, %dma_start3A] : memref<10112x128xf32, #tpu.memory_space<vmem_shared>> -> memref<64x128xf32, #tpu.memory_space<vmem_shared>>
      %dma_start3A_103 = arith.constant 0 : i32
      %dma_start3A_104 = tpu.memref_slice %arg15[%add3A_19, %dma_start3A_103] : memref<10112x128xf32, #tpu.memory_space<vmem_shared>> -> memref<64x128xf32, #tpu.memory_space<vmem_shared>>
      tpu.enqueue_dma source(%arg14 : memref<64x128xf32, #tpu.memory_space<vmem>>) target(%dma_start3A_104 : memref<64x128xf32, #tpu.memory_space<vmem_shared>>) target_semaphore(%run_scoped3A : memref<!tpu.dma_semaphore, #tpu.memory_space<semaphore_mem>>)
      %dma_wait3A = arith.constant 0 : i32
      %dma_wait3A_105 = tpu.memref_slice %arg15[%add3A_19, %dma_wait3A] : memref<10112x128xf32, #tpu.memory_space<vmem_shared>> -> memref<64x128xf32, #tpu.memory_space<vmem_shared>>
      %dma_wait3A_106 = arith.constant 0 : i32
      %dma_wait3A_107 = tpu.memref_slice %arg15[%add3A_19, %dma_wait3A_106] : memref<10112x128xf32, #tpu.memory_space<vmem_shared>> -> memref<64x128xf32, #tpu.memory_space<vmem_shared>>
      tpu.wait_dma2 semaphore(%run_scoped3A : memref<!tpu.dma_semaphore, #tpu.memory_space<semaphore_mem>>) src(%arg14 : memref<64x128xf32, #tpu.memory_space<vmem>>) dst(%dma_wait3A_107 : memref<64x128xf32, #tpu.memory_space<vmem_shared>>)
      tpu.yield
    }) : () -> ()
    %add3A_20 = arith.constant 384 : i32
    %add3A_21 = arith.addi %mul3A_0, %add3A_20 : i32
    "tpu.region"() ({
      %run_scoped3A = tpu.sem_alloc : memref<!tpu.dma_semaphore, #tpu.memory_space<semaphore_mem>>
      %dma_start3A = arith.constant 0 : i32
      %dma_start3A_102 = tpu.memref_slice %arg15[%add3A_21, %dma_start3A] : memref<10112x128xf32, #tpu.memory_space<vmem_shared>> -> memref<64x128xf32, #tpu.memory_space<vmem_shared>>
      %dma_start3A_103 = arith.constant 0 : i32
      %dma_start3A_104 = tpu.memref_slice %arg15[%add3A_21, %dma_start3A_103] : memref<10112x128xf32, #tpu.memory_space<vmem_shared>> -> memref<64x128xf32, #tpu.memory_space<vmem_shared>>
      tpu.enqueue_dma source(%arg14 : memref<64x128xf32, #tpu.memory_space<vmem>>) target(%dma_start3A_104 : memref<64x128xf32, #tpu.memory_space<vmem_shared>>) target_semaphore(%run_scoped3A : memref<!tpu.dma_semaphore, #tpu.memory_space<semaphore_mem>>)
      %dma_wait3A = arith.constant 0 : i32
      %dma_wait3A_105 = tpu.memref_slice %arg15[%add3A_21, %dma_wait3A] : memref<10112x128xf32, #tpu.memory_space<vmem_shared>> -> memref<64x128xf32, #tpu.memory_space<vmem_shared>>
      %dma_wait3A_106 = arith.constant 0 : i32
      %dma_wait3A_107 = tpu.memref_slice %arg15[%add3A_21, %dma_wait3A_106] : memref<10112x128xf32, #tpu.memory_space<vmem_shared>> -> memref<64x128xf32, #tpu.memory_space<vmem_shared>>
      tpu.wait_dma2 semaphore(%run_scoped3A : memref<!tpu.dma_semaphore, #tpu.memory_space<semaphore_mem>>) src(%arg14 : memref<64x128xf32, #tpu.memory_space<vmem>>) dst(%dma_wait3A_107 : memref<64x128xf32, #tpu.memory_space<vmem_shared>>)
      tpu.yield
    }) : () -> ()
    %add3A_22 = arith.constant 448 : i32
    %add3A_23 = arith.addi %mul3A_0, %add3A_22 : i32
    "tpu.region"() ({
      %run_scoped3A = tpu.sem_alloc : memref<!tpu.dma_semaphore, #tpu.memory_space<semaphore_mem>>
      %dma_start3A = arith.constant 0 : i32
      %dma_start3A_102 = tpu.memref_slice %arg15[%add3A_23, %dma_start3A] : memref<10112x128xf32, #tpu.memory_space<vmem_shared>> -> memref<64x128xf32, #tpu.memory_space<vmem_shared>>
      %dma_start3A_103 = arith.constant 0 : i32
      %dma_start3A_104 = tpu.memref_slice %arg15[%add3A_23, %dma_start3A_103] : memref<10112x128xf32, #tpu.memory_space<vmem_shared>> -> memref<64x128xf32, #tpu.memory_space<vmem_shared>>
      tpu.enqueue_dma source(%arg14 : memref<64x128xf32, #tpu.memory_space<vmem>>) target(%dma_start3A_104 : memref<64x128xf32, #tpu.memory_space<vmem_shared>>) target_semaphore(%run_scoped3A : memref<!tpu.dma_semaphore, #tpu.memory_space<semaphore_mem>>)
      %dma_wait3A = arith.constant 0 : i32
      %dma_wait3A_105 = tpu.memref_slice %arg15[%add3A_23, %dma_wait3A] : memref<10112x128xf32, #tpu.memory_space<vmem_shared>> -> memref<64x128xf32, #tpu.memory_space<vmem_shared>>
      %dma_wait3A_106 = arith.constant 0 : i32
      %dma_wait3A_107 = tpu.memref_slice %arg15[%add3A_23, %dma_wait3A_106] : memref<10112x128xf32, #tpu.memory_space<vmem_shared>> -> memref<64x128xf32, #tpu.memory_space<vmem_shared>>
      tpu.wait_dma2 semaphore(%run_scoped3A : memref<!tpu.dma_semaphore, #tpu.memory_space<semaphore_mem>>) src(%arg14 : memref<64x128xf32, #tpu.memory_space<vmem>>) dst(%dma_wait3A_107 : memref<64x128xf32, #tpu.memory_space<vmem_shared>>)
      tpu.yield
    }) : () -> ()
    %add3A_24 = arith.constant 512 : i32
    %add3A_25 = arith.addi %mul3A_0, %add3A_24 : i32
    "tpu.region"() ({
      %run_scoped3A = tpu.sem_alloc : memref<!tpu.dma_semaphore, #tpu.memory_space<semaphore_mem>>
      %dma_start3A = arith.constant 0 : i32
      %dma_start3A_102 = tpu.memref_slice %arg15[%add3A_25, %dma_start3A] : memref<10112x128xf32, #tpu.memory_space<vmem_shared>> -> memref<64x128xf32, #tpu.memory_space<vmem_shared>>
      %dma_start3A_103 = arith.constant 0 : i32
      %dma_start3A_104 = tpu.memref_slice %arg15[%add3A_25, %dma_start3A_103] : memref<10112x128xf32, #tpu.memory_space<vmem_shared>> -> memref<64x128xf32, #tpu.memory_space<vmem_shared>>
      tpu.enqueue_dma source(%arg14 : memref<64x128xf32, #tpu.memory_space<vmem>>) target(%dma_start3A_104 : memref<64x128xf32, #tpu.memory_space<vmem_shared>>) target_semaphore(%run_scoped3A : memref<!tpu.dma_semaphore, #tpu.memory_space<semaphore_mem>>)
      %dma_wait3A = arith.constant 0 : i32
      %dma_wait3A_105 = tpu.memref_slice %arg15[%add3A_25, %dma_wait3A] : memref<10112x128xf32, #tpu.memory_space<vmem_shared>> -> memref<64x128xf32, #tpu.memory_space<vmem_shared>>
      %dma_wait3A_106 = arith.constant 0 : i32
      %dma_wait3A_107 = tpu.memref_slice %arg15[%add3A_25, %dma_wait3A_106] : memref<10112x128xf32, #tpu.memory_space<vmem_shared>> -> memref<64x128xf32, #tpu.memory_space<vmem_shared>>
      tpu.wait_dma2 semaphore(%run_scoped3A : memref<!tpu.dma_semaphore, #tpu.memory_space<semaphore_mem>>) src(%arg14 : memref<64x128xf32, #tpu.memory_space<vmem>>) dst(%dma_wait3A_107 : memref<64x128xf32, #tpu.memory_space<vmem_shared>>)
      tpu.yield
    }) : () -> ()
    %add3A_26 = arith.constant 576 : i32
    %add3A_27 = arith.addi %mul3A_0, %add3A_26 : i32
    "tpu.region"() ({
      %run_scoped3A = tpu.sem_alloc : memref<!tpu.dma_semaphore, #tpu.memory_space<semaphore_mem>>
      %dma_start3A = arith.constant 0 : i32
      %dma_start3A_102 = arith.constant 0 : i32
      %dma_start3A_103 = tpu.memref_slice %arg14[%dma_start3A, %dma_start3A_102] : memref<64x128xf32, #tpu.memory_space<vmem>> -> memref<56x128xf32, #tpu.memory_space<vmem>>
      %dma_start3A_104 = arith.constant 0 : i32
      %dma_start3A_105 = tpu.memref_slice %arg15[%add3A_27, %dma_start3A_104] : memref<10112x128xf32, #tpu.memory_space<vmem_shared>> -> memref<56x128xf32, #tpu.memory_space<vmem_shared>>
      %dma_start3A_106 = arith.constant 0 : i32
      %dma_start3A_107 = tpu.memref_slice %arg15[%add3A_27, %dma_start3A_106] : memref<10112x128xf32, #tpu.memory_space<vmem_shared>> -> memref<56x128xf32, #tpu.memory_space<vmem_shared>>
      %dma_start3A_108 = arith.constant 0 : i32
      %dma_start3A_109 = arith.constant 0 : i32
      %dma_start3A_110 = tpu.memref_slice %arg14[%dma_start3A_108, %dma_start3A_109] : memref<64x128xf32, #tpu.memory_space<vmem>> -> memref<56x128xf32, #tpu.memory_space<vmem>>
      tpu.enqueue_dma source(%dma_start3A_110 : memref<56x128xf32, #tpu.memory_space<vmem>>) target(%dma_start3A_107 : memref<56x128xf32, #tpu.memory_space<vmem_shared>>) target_semaphore(%run_scoped3A : memref<!tpu.dma_semaphore, #tpu.memory_space<semaphore_mem>>)
      %dma_wait3A = arith.constant 0 : i32
      %dma_wait3A_111 = arith.constant 0 : i32
      %dma_wait3A_112 = tpu.memref_slice %arg14[%dma_wait3A, %dma_wait3A_111] : memref<64x128xf32, #tpu.memory_space<vmem>> -> memref<56x128xf32, #tpu.memory_space<vmem>>
      %dma_wait3A_113 = arith.constant 0 : i32
      %dma_wait3A_114 = tpu.memref_slice %arg15[%add3A_27, %dma_wait3A_113] : memref<10112x128xf32, #tpu.memory_space<vmem_shared>> -> memref<56x128xf32, #tpu.memory_space<vmem_shared>>
      %dma_wait3A_115 = arith.constant 0 : i32
      %dma_wait3A_116 = tpu.memref_slice %arg15[%add3A_27, %dma_wait3A_115] : memref<10112x128xf32, #tpu.memory_space<vmem_shared>> -> memref<56x128xf32, #tpu.memory_space<vmem_shared>>
      %dma_wait3A_117 = arith.constant 0 : i32
      %dma_wait3A_118 = arith.constant 0 : i32
      %dma_wait3A_119 = tpu.memref_slice %arg14[%dma_wait3A_117, %dma_wait3A_118] : memref<64x128xf32, #tpu.memory_space<vmem>> -> memref<56x128xf32, #tpu.memory_space<vmem>>
      tpu.wait_dma2 semaphore(%run_scoped3A : memref<!tpu.dma_semaphore, #tpu.memory_space<semaphore_mem>>) src(%dma_wait3A_119 : memref<56x128xf32, #tpu.memory_space<vmem>>) dst(%dma_wait3A_116 : memref<56x128xf32, #tpu.memory_space<vmem_shared>>)
      tpu.yield
    }) : () -> ()
    %barrier3A = arith.constant 0 : index
    tpu.barrier barrier_id(%barrier3A)
    %eq3A = arith.constant 0 : i32
    %eq3A_28 = arith.cmpi eq, %arg0, %eq3A : i32
    %convert_element_type3A = arith.extui %eq3A_28 : i1 to i32
    %cond3A = arith.constant 0 : i32
    %cond3A_29 = arith.cmpi ne, %convert_element_type3A, %cond3A : i32
    scf.if %cond3A_29 {
      %scan3A_102 = arith.constant 0 : i32
      %scan3A_103 = arith.constant 0 : i32
      %scan3A_104 = arith.constant 4 : i32
      %scan3A_105 = arith.addi %scan3A_103, %scan3A_104 : i32
      %scan3A_106 = arith.constant 1 : i32
      scf.for %scan3A_108 = %scan3A_103 to %scan3A_105 step %scan3A_106  : i32 {
        %mul3A_109 = arith.constant 160 : i32
        %mul3A_110 = arith.muli %arg1, %mul3A_109 : i32
        %mul3A_111 = arith.constant 40 : i32
        %mul3A_112 = arith.muli %scan3A_108, %mul3A_111 : i32
        %add3A_113 = arith.addi %mul3A_110, %mul3A_112 : i32
        "tpu.region"() ({
          %run_scoped3A = tpu.sem_alloc : memref<!tpu.dma_semaphore, #tpu.memory_space<semaphore_mem>>
          %dma_start3A_131 = arith.constant 0 : i32
          %dma_start3A_132 = tpu.memref_slice %arg4[%add3A_113, %dma_start3A_131] : memref<2560x64xi32, #tpu.memory_space<hbm>> -> memref<40x64xi32, #tpu.memory_space<hbm>>
          %dma_start3A_133 = arith.constant 0 : i32
          %dma_start3A_134 = tpu.memref_slice %arg4[%add3A_113, %dma_start3A_133] : memref<2560x64xi32, #tpu.memory_space<hbm>> -> memref<40x64xi32, #tpu.memory_space<hbm>>
          tpu.enqueue_dma source(%dma_start3A_134 : memref<40x64xi32, #tpu.memory_space<hbm>>) target(%arg10 : memref<40x64xi32, #tpu.memory_space<vmem>>) target_semaphore(%run_scoped3A : memref<!tpu.dma_semaphore, #tpu.memory_space<semaphore_mem>>)
          %dma_wait3A = arith.constant 0 : i32
          %dma_wait3A_135 = tpu.memref_slice %arg4[%add3A_113, %dma_wait3A] : memref<2560x64xi32, #tpu.memory_space<hbm>> -> memref<40x64xi32, #tpu.memory_space<hbm>>
          %dma_wait3A_136 = arith.constant 0 : i32
          %dma_wait3A_137 = tpu.memref_slice %arg4[%add3A_113, %dma_wait3A_136] : memref<2560x64xi32, #tpu.memory_space<hbm>> -> memref<40x64xi32, #tpu.memory_space<hbm>>
          tpu.wait_dma2 semaphore(%run_scoped3A : memref<!tpu.dma_semaphore, #tpu.memory_space<semaphore_mem>>) src(%dma_wait3A_137 : memref<40x64xi32, #tpu.memory_space<hbm>>) dst(%arg10 : memref<40x64xi32, #tpu.memory_space<vmem>>)
          tpu.yield
        }) : () -> ()
        %mul3A_114 = arith.constant 160 : i32
        %mul3A_115 = arith.muli %arg1, %mul3A_114 : i32
        %mul3A_116 = arith.constant 40 : i32
        %mul3A_117 = arith.muli %scan3A_108, %mul3A_116 : i32
        %add3A_118 = arith.addi %mul3A_115, %mul3A_117 : i32
        "tpu.region"() ({
          %run_scoped3A = tpu.sem_alloc : memref<!tpu.dma_semaphore, #tpu.memory_space<semaphore_mem>>
          %dma_start3A_131 = arith.constant 0 : i32
          %dma_start3A_132 = tpu.memref_slice %arg5[%add3A_118, %dma_start3A_131] : memref<2560x64xi32, #tpu.memory_space<hbm>> -> memref<40x64xi32, #tpu.memory_space<hbm>>
          %dma_start3A_133 = arith.constant 0 : i32
          %dma_start3A_134 = tpu.memref_slice %arg5[%add3A_118, %dma_start3A_133] : memref<2560x64xi32, #tpu.memory_space<hbm>> -> memref<40x64xi32, #tpu.memory_space<hbm>>
          tpu.enqueue_dma source(%dma_start3A_134 : memref<40x64xi32, #tpu.memory_space<hbm>>) target(%arg11 : memref<40x64xi32, #tpu.memory_space<vmem>>) target_semaphore(%run_scoped3A : memref<!tpu.dma_semaphore, #tpu.memory_space<semaphore_mem>>)
          %dma_wait3A = arith.constant 0 : i32
          %dma_wait3A_135 = tpu.memref_slice %arg5[%add3A_118, %dma_wait3A] : memref<2560x64xi32, #tpu.memory_space<hbm>> -> memref<40x64xi32, #tpu.memory_space<hbm>>
          %dma_wait3A_136 = arith.constant 0 : i32
          %dma_wait3A_137 = tpu.memref_slice %arg5[%add3A_118, %dma_wait3A_136] : memref<2560x64xi32, #tpu.memory_space<hbm>> -> memref<40x64xi32, #tpu.memory_space<hbm>>
          tpu.wait_dma2 semaphore(%run_scoped3A : memref<!tpu.dma_semaphore, #tpu.memory_space<semaphore_mem>>) src(%dma_wait3A_137 : memref<40x64xi32, #tpu.memory_space<hbm>>) dst(%arg11 : memref<40x64xi32, #tpu.memory_space<vmem>>)
          tpu.yield
        }) : () -> ()
        %dma_start3A = arith.constant 0 : i32
        %dma_start3A_119 = arith.constant 0 : i32
        %dma_start3A_120 = tpu.memref_slice %arg10[%dma_start3A, %dma_start3A_119] : memref<40x64xi32, #tpu.memory_space<vmem>> -> memref<1x64xi32, #tpu.memory_space<vmem>>
        %dma_start3A_121 = tpu.memref_squeeze %dma_start3A_120 : memref<1x64xi32, #tpu.memory_space<vmem>> -> memref<64xi32, #tpu.memory_space<vmem>>
        %dma_start3A_122 = arith.constant 0 : i32
        %dma_start3A_123 = arith.constant 0 : i32
        %dma_start3A_124 = tpu.memref_slice %arg2[%dma_start3A_122, %dma_start3A_123] : memref<10000x128xf32, #tpu.memory_space<hbm>> -> memref<10000x128xf32, #tpu.memory_space<hbm>>
        tpu.enqueue_indirect_dma source(%dma_start3A_124 : memref<10000x128xf32, #tpu.memory_space<hbm>>) target(%arg13 : memref<64x128xf32, #tpu.memory_space<vmem>>) offsets(%dma_start3A_121 : memref<64xi32, #tpu.memory_space<vmem>>) semaphore(%arg16 : memref<!tpu.dma_semaphore, #tpu.memory_space<semaphore_mem>>)
        %scan3A_125 = arith.constant 0 : i32
        %scan3A_126 = arith.constant 0 : i32
        %scan3A_127 = arith.constant 20 : i32
        %scan3A_128 = arith.addi %scan3A_126, %scan3A_127 : i32
        %scan3A_129 = arith.constant 1 : i32
        scf.for %scan3A_131 = %scan3A_126 to %scan3A_128 step %scan3A_129  : i32 {
          %mul3A_132 = arith.constant 2 : i32
          %mul3A_133 = arith.muli %mul3A_132, %scan3A_131 : i32
          %add3A_134 = arith.constant 1 : i32
          %add3A_135 = arith.addi %mul3A_133, %add3A_134 : i32
          %dma_start3A_136 = arith.constant 0 : i32
          %dma_start3A_137 = tpu.memref_slice %arg10[%add3A_135, %dma_start3A_136] : memref<40x64xi32, #tpu.memory_space<vmem>> -> memref<1x64xi32, #tpu.memory_space<vmem>>
          %dma_start3A_138 = tpu.memref_squeeze %dma_start3A_137 : memref<1x64xi32, #tpu.memory_space<vmem>> -> memref<64xi32, #tpu.memory_space<vmem>>
          %dma_start3A_139 = arith.constant 0 : i32
          %dma_start3A_140 = arith.constant 0 : i32
          %dma_start3A_141 = tpu.memref_slice %arg2[%dma_start3A_139, %dma_start3A_140] : memref<10000x128xf32, #tpu.memory_space<hbm>> -> memref<10000x128xf32, #tpu.memory_space<hbm>>
          tpu.enqueue_indirect_dma source(%dma_start3A_141 : memref<10000x128xf32, #tpu.memory_space<hbm>>) target(%arg14 : memref<64x128xf32, #tpu.memory_space<vmem>>) offsets(%dma_start3A_138 : memref<64xi32, #tpu.memory_space<vmem>>) semaphore(%arg17 : memref<!tpu.dma_semaphore, #tpu.memory_space<semaphore_mem>>)
          %dma_wait3A = arith.constant 0 : i32
          %dma_wait3A_142 = tpu.memref_slice %arg10[%mul3A_133, %dma_wait3A] : memref<40x64xi32, #tpu.memory_space<vmem>> -> memref<1x64xi32, #tpu.memory_space<vmem>>
          %dma_wait3A_143 = tpu.memref_squeeze %dma_wait3A_142 : memref<1x64xi32, #tpu.memory_space<vmem>> -> memref<64xi32, #tpu.memory_space<vmem>>
          %dma_wait3A_144 = arith.constant 0 : i32
          %dma_wait3A_145 = arith.constant 0 : i32
          %dma_wait3A_146 = tpu.memref_slice %arg2[%dma_wait3A_144, %dma_wait3A_145] : memref<10000x128xf32, #tpu.memory_space<hbm>> -> memref<10000x128xf32, #tpu.memory_space<hbm>>
          tpu.wait_indirect_dma semaphore(%arg16 : memref<!tpu.dma_semaphore, #tpu.memory_space<semaphore_mem>>) src(%dma_wait3A_146 : memref<10000x128xf32, #tpu.memory_space<hbm>>) dst(%arg13 : memref<64x128xf32, #tpu.memory_space<vmem>>)
          "tpu.region"() ({
            %run_scoped3A = tpu.sem_alloc : memref<!tpu.dma_semaphore, #tpu.memory_space<semaphore_mem>>
            %dma_start3A_161 = arith.constant 0 : i32
            %dma_start3A_162 = tpu.memref_slice %arg11[%mul3A_133, %dma_start3A_161] : memref<40x64xi32, #tpu.memory_space<vmem>> -> memref<1x64xi32, #tpu.memory_space<vmem>>
            %dma_start3A_163 = tpu.memref_squeeze %dma_start3A_162 : memref<1x64xi32, #tpu.memory_space<vmem>> -> memref<64xi32, #tpu.memory_space<vmem>>
            %dma_start3A_164 = arith.constant 0 : i32
            %dma_start3A_165 = arith.constant 0 : i32
            %dma_start3A_166 = tpu.memref_slice %arg15[%dma_start3A_164, %dma_start3A_165] : memref<10112x128xf32, #tpu.memory_space<vmem_shared>> -> memref<10112x128xf32, #tpu.memory_space<vmem_shared>>
            tpu.enqueue_indirect_dma source(%arg13 : memref<64x128xf32, #tpu.memory_space<vmem>>) target(%dma_start3A_166 : memref<10112x128xf32, #tpu.memory_space<vmem_shared>>) offsets(%dma_start3A_163 : memref<64xi32, #tpu.memory_space<vmem>>) semaphore(%run_scoped3A : memref<!tpu.dma_semaphore, #tpu.memory_space<semaphore_mem>>) {add = true}
            %dma_wait3A_167 = arith.constant 0 : i32
            %dma_wait3A_168 = tpu.memref_slice %arg11[%mul3A_133, %dma_wait3A_167] : memref<40x64xi32, #tpu.memory_space<vmem>> -> memref<1x64xi32, #tpu.memory_space<vmem>>
            %dma_wait3A_169 = tpu.memref_squeeze %dma_wait3A_168 : memref<1x64xi32, #tpu.memory_space<vmem>> -> memref<64xi32, #tpu.memory_space<vmem>>
            %dma_wait3A_170 = arith.constant 0 : i32
            %dma_wait3A_171 = arith.constant 0 : i32
            %dma_wait3A_172 = tpu.memref_slice %arg15[%dma_wait3A_170, %dma_wait3A_171] : memref<10112x128xf32, #tpu.memory_space<vmem_shared>> -> memref<10112x128xf32, #tpu.memory_space<vmem_shared>>
            tpu.wait_indirect_dma semaphore(%run_scoped3A : memref<!tpu.dma_semaphore, #tpu.memory_space<semaphore_mem>>) src(%arg13 : memref<64x128xf32, #tpu.memory_space<vmem>>) dst(%dma_wait3A_172 : memref<10112x128xf32, #tpu.memory_space<vmem_shared>>)
            tpu.yield
          }) : () -> ()
          %lt3A = arith.constant 19 : i32
          %lt3A_147 = arith.cmpi slt, %scan3A_131, %lt3A : i32
          %convert_element_type3A_148 = arith.extui %lt3A_147 : i1 to i32
          %cond3A_149 = arith.constant 0 : i32
          %cond3A_150 = arith.cmpi ne, %convert_element_type3A_148, %cond3A_149 : i32
          scf.if %cond3A_150 {
            %add3A_161 = arith.constant 2 : i32
            %add3A_162 = arith.addi %mul3A_133, %add3A_161 : i32
            %dma_start3A_163 = arith.constant 0 : i32
            %dma_start3A_164 = tpu.memref_slice %arg10[%add3A_162, %dma_start3A_163] : memref<40x64xi32, #tpu.memory_space<vmem>> -> memref<1x64xi32, #tpu.memory_space<vmem>>
            %dma_start3A_165 = tpu.memref_squeeze %dma_start3A_164 : memref<1x64xi32, #tpu.memory_space<vmem>> -> memref<64xi32, #tpu.memory_space<vmem>>
            %dma_start3A_166 = arith.constant 0 : i32
            %dma_start3A_167 = arith.constant 0 : i32
            %dma_start3A_168 = tpu.memref_slice %arg2[%dma_start3A_166, %dma_start3A_167] : memref<10000x128xf32, #tpu.memory_space<hbm>> -> memref<10000x128xf32, #tpu.memory_space<hbm>>
            tpu.enqueue_indirect_dma source(%dma_start3A_168 : memref<10000x128xf32, #tpu.memory_space<hbm>>) target(%arg13 : memref<64x128xf32, #tpu.memory_space<vmem>>) offsets(%dma_start3A_165 : memref<64xi32, #tpu.memory_space<vmem>>) semaphore(%arg16 : memref<!tpu.dma_semaphore, #tpu.memory_space<semaphore_mem>>)
          } else {
          }
          %add3A_151 = arith.constant 1 : i32
          %add3A_152 = arith.addi %mul3A_133, %add3A_151 : i32
          %dma_wait3A_153 = arith.constant 0 : i32
          %dma_wait3A_154 = tpu.memref_slice %arg10[%add3A_152, %dma_wait3A_153] : memref<40x64xi32, #tpu.memory_space<vmem>> -> memref<1x64xi32, #tpu.memory_space<vmem>>
          %dma_wait3A_155 = tpu.memref_squeeze %dma_wait3A_154 : memref<1x64xi32, #tpu.memory_space<vmem>> -> memref<64xi32, #tpu.memory_space<vmem>>
          %dma_wait3A_156 = arith.constant 0 : i32
          %dma_wait3A_157 = arith.constant 0 : i32
          %dma_wait3A_158 = tpu.memref_slice %arg2[%dma_wait3A_156, %dma_wait3A_157] : memref<10000x128xf32, #tpu.memory_space<hbm>> -> memref<10000x128xf32, #tpu.memory_space<hbm>>
          tpu.wait_indirect_dma semaphore(%arg17 : memref<!tpu.dma_semaphore, #tpu.memory_space<semaphore_mem>>) src(%dma_wait3A_158 : memref<10000x128xf32, #tpu.memory_space<hbm>>) dst(%arg14 : memref<64x128xf32, #tpu.memory_space<vmem>>)
          %add3A_159 = arith.constant 1 : i32
          %add3A_160 = arith.addi %mul3A_133, %add3A_159 : i32
          "tpu.region"() ({
            %run_scoped3A = tpu.sem_alloc : memref<!tpu.dma_semaphore, #tpu.memory_space<semaphore_mem>>
            %dma_start3A_161 = arith.constant 0 : i32
            %dma_start3A_162 = tpu.memref_slice %arg11[%add3A_160, %dma_start3A_161] : memref<40x64xi32, #tpu.memory_space<vmem>> -> memref<1x64xi32, #tpu.memory_space<vmem>>
            %dma_start3A_163 = tpu.memref_squeeze %dma_start3A_162 : memref<1x64xi32, #tpu.memory_space<vmem>> -> memref<64xi32, #tpu.memory_space<vmem>>
            %dma_start3A_164 = arith.constant 0 : i32
            %dma_start3A_165 = arith.constant 0 : i32
            %dma_start3A_166 = tpu.memref_slice %arg15[%dma_start3A_164, %dma_start3A_165] : memref<10112x128xf32, #tpu.memory_space<vmem_shared>> -> memref<10112x128xf32, #tpu.memory_space<vmem_shared>>
            tpu.enqueue_indirect_dma source(%arg14 : memref<64x128xf32, #tpu.memory_space<vmem>>) target(%dma_start3A_166 : memref<10112x128xf32, #tpu.memory_space<vmem_shared>>) offsets(%dma_start3A_163 : memref<64xi32, #tpu.memory_space<vmem>>) semaphore(%run_scoped3A : memref<!tpu.dma_semaphore, #tpu.memory_space<semaphore_mem>>) {add = true}
            %dma_wait3A_167 = arith.constant 0 : i32
            %dma_wait3A_168 = tpu.memref_slice %arg11[%add3A_160, %dma_wait3A_167] : memref<40x64xi32, #tpu.memory_space<vmem>> -> memref<1x64xi32, #tpu.memory_space<vmem>>
            %dma_wait3A_169 = tpu.memref_squeeze %dma_wait3A_168 : memref<1x64xi32, #tpu.memory_space<vmem>> -> memref<64xi32, #tpu.memory_space<vmem>>
            %dma_wait3A_170 = arith.constant 0 : i32
            %dma_wait3A_171 = arith.constant 0 : i32
            %dma_wait3A_172 = tpu.memref_slice %arg15[%dma_wait3A_170, %dma_wait3A_171] : memref<10112x128xf32, #tpu.memory_space<vmem_shared>> -> memref<10112x128xf32, #tpu.memory_space<vmem_shared>>
            tpu.wait_indirect_dma semaphore(%run_scoped3A : memref<!tpu.dma_semaphore, #tpu.memory_space<semaphore_mem>>) src(%arg14 : memref<64x128xf32, #tpu.memory_space<vmem>>) dst(%dma_wait3A_172 : memref<10112x128xf32, #tpu.memory_space<vmem_shared>>)
            tpu.yield
          }) : () -> ()
        }
        %scan3A_130 = arith.constant 20 : i32
      }
      %scan3A_107 = arith.constant 4 : i32
    } else {
    }
    %eq3A_30 = arith.constant 1 : i32
    %eq3A_31 = arith.cmpi eq, %arg0, %eq3A_30 : i32
    %convert_element_type3A_32 = arith.extui %eq3A_31 : i1 to i32
    %cond3A_33 = arith.constant 0 : i32
    %cond3A_34 = arith.cmpi ne, %convert_element_type3A_32, %cond3A_33 : i32
    scf.if %cond3A_34 {
      %scan3A_102 = arith.constant 0 : i32
      %scan3A_103 = arith.constant 0 : i32
      %scan3A_104 = arith.constant 4 : i32
      %scan3A_105 = arith.addi %scan3A_103, %scan3A_104 : i32
      %scan3A_106 = arith.constant 1 : i32
      scf.for %scan3A_108 = %scan3A_103 to %scan3A_105 step %scan3A_106  : i32 {
        %mul3A_109 = arith.constant 160 : i32
        %mul3A_110 = arith.muli %arg1, %mul3A_109 : i32
        %mul3A_111 = arith.constant 40 : i32
        %mul3A_112 = arith.muli %scan3A_108, %mul3A_111 : i32
        %add3A_113 = arith.addi %mul3A_110, %mul3A_112 : i32
        "tpu.region"() ({
          %run_scoped3A = tpu.sem_alloc : memref<!tpu.dma_semaphore, #tpu.memory_space<semaphore_mem>>
          %dma_start3A_131 = arith.constant 0 : i32
          %dma_start3A_132 = tpu.memref_slice %arg4[%add3A_113, %dma_start3A_131] : memref<2560x64xi32, #tpu.memory_space<hbm>> -> memref<40x64xi32, #tpu.memory_space<hbm>>
          %dma_start3A_133 = arith.constant 0 : i32
          %dma_start3A_134 = tpu.memref_slice %arg4[%add3A_113, %dma_start3A_133] : memref<2560x64xi32, #tpu.memory_space<hbm>> -> memref<40x64xi32, #tpu.memory_space<hbm>>
          tpu.enqueue_dma source(%dma_start3A_134 : memref<40x64xi32, #tpu.memory_space<hbm>>) target(%arg10 : memref<40x64xi32, #tpu.memory_space<vmem>>) target_semaphore(%run_scoped3A : memref<!tpu.dma_semaphore, #tpu.memory_space<semaphore_mem>>)
          %dma_wait3A = arith.constant 0 : i32
          %dma_wait3A_135 = tpu.memref_slice %arg4[%add3A_113, %dma_wait3A] : memref<2560x64xi32, #tpu.memory_space<hbm>> -> memref<40x64xi32, #tpu.memory_space<hbm>>
          %dma_wait3A_136 = arith.constant 0 : i32
          %dma_wait3A_137 = tpu.memref_slice %arg4[%add3A_113, %dma_wait3A_136] : memref<2560x64xi32, #tpu.memory_space<hbm>> -> memref<40x64xi32, #tpu.memory_space<hbm>>
          tpu.wait_dma2 semaphore(%run_scoped3A : memref<!tpu.dma_semaphore, #tpu.memory_space<semaphore_mem>>) src(%dma_wait3A_137 : memref<40x64xi32, #tpu.memory_space<hbm>>) dst(%arg10 : memref<40x64xi32, #tpu.memory_space<vmem>>)
          tpu.yield
        }) : () -> ()
        %mul3A_114 = arith.constant 160 : i32
        %mul3A_115 = arith.muli %arg1, %mul3A_114 : i32
        %mul3A_116 = arith.constant 40 : i32
        %mul3A_117 = arith.muli %scan3A_108, %mul3A_116 : i32
        %add3A_118 = arith.addi %mul3A_115, %mul3A_117 : i32
        "tpu.region"() ({
          %run_scoped3A = tpu.sem_alloc : memref<!tpu.dma_semaphore, #tpu.memory_space<semaphore_mem>>
          %dma_start3A_131 = arith.constant 0 : i32
          %dma_start3A_132 = tpu.memref_slice %arg5[%add3A_118, %dma_start3A_131] : memref<2560x64xi32, #tpu.memory_space<hbm>> -> memref<40x64xi32, #tpu.memory_space<hbm>>
          %dma_start3A_133 = arith.constant 0 : i32
          %dma_start3A_134 = tpu.memref_slice %arg5[%add3A_118, %dma_start3A_133] : memref<2560x64xi32, #tpu.memory_space<hbm>> -> memref<40x64xi32, #tpu.memory_space<hbm>>
          tpu.enqueue_dma source(%dma_start3A_134 : memref<40x64xi32, #tpu.memory_space<hbm>>) target(%arg11 : memref<40x64xi32, #tpu.memory_space<vmem>>) target_semaphore(%run_scoped3A : memref<!tpu.dma_semaphore, #tpu.memory_space<semaphore_mem>>)
          %dma_wait3A = arith.constant 0 : i32
          %dma_wait3A_135 = tpu.memref_slice %arg5[%add3A_118, %dma_wait3A] : memref<2560x64xi32, #tpu.memory_space<hbm>> -> memref<40x64xi32, #tpu.memory_space<hbm>>
          %dma_wait3A_136 = arith.constant 0 : i32
          %dma_wait3A_137 = tpu.memref_slice %arg5[%add3A_118, %dma_wait3A_136] : memref<2560x64xi32, #tpu.memory_space<hbm>> -> memref<40x64xi32, #tpu.memory_space<hbm>>
          tpu.wait_dma2 semaphore(%run_scoped3A : memref<!tpu.dma_semaphore, #tpu.memory_space<semaphore_mem>>) src(%dma_wait3A_137 : memref<40x64xi32, #tpu.memory_space<hbm>>) dst(%arg11 : memref<40x64xi32, #tpu.memory_space<vmem>>)
          tpu.yield
        }) : () -> ()
        %dma_start3A = arith.constant 0 : i32
        %dma_start3A_119 = arith.constant 0 : i32
        %dma_start3A_120 = tpu.memref_slice %arg10[%dma_start3A, %dma_start3A_119] : memref<40x64xi32, #tpu.memory_space<vmem>> -> memref<1x64xi32, #tpu.memory_space<vmem>>
        %dma_start3A_121 = tpu.memref_squeeze %dma_start3A_120 : memref<1x64xi32, #tpu.memory_space<vmem>> -> memref<64xi32, #tpu.memory_space<vmem>>
        %dma_start3A_122 = arith.constant 0 : i32
        %dma_start3A_123 = arith.constant 0 : i32
        %dma_start3A_124 = tpu.memref_slice %arg3[%dma_start3A_122, %dma_start3A_123] : memref<10000x128xf32, #tpu.memory_space<hbm>> -> memref<10000x128xf32, #tpu.memory_space<hbm>>
        tpu.enqueue_indirect_dma source(%dma_start3A_124 : memref<10000x128xf32, #tpu.memory_space<hbm>>) target(%arg13 : memref<64x128xf32, #tpu.memory_space<vmem>>) offsets(%dma_start3A_121 : memref<64xi32, #tpu.memory_space<vmem>>) semaphore(%arg16 : memref<!tpu.dma_semaphore, #tpu.memory_space<semaphore_mem>>)
        %scan3A_125 = arith.constant 0 : i32
        %scan3A_126 = arith.constant 0 : i32
        %scan3A_127 = arith.constant 20 : i32
        %scan3A_128 = arith.addi %scan3A_126, %scan3A_127 : i32
        %scan3A_129 = arith.constant 1 : i32
        scf.for %scan3A_131 = %scan3A_126 to %scan3A_128 step %scan3A_129  : i32 {
          %mul3A_132 = arith.constant 2 : i32
          %mul3A_133 = arith.muli %mul3A_132, %scan3A_131 : i32
          %add3A_134 = arith.constant 1 : i32
          %add3A_135 = arith.addi %mul3A_133, %add3A_134 : i32
          %dma_start3A_136 = arith.constant 0 : i32
          %dma_start3A_137 = tpu.memref_slice %arg10[%add3A_135, %dma_start3A_136] : memref<40x64xi32, #tpu.memory_space<vmem>> -> memref<1x64xi32, #tpu.memory_space<vmem>>
          %dma_start3A_138 = tpu.memref_squeeze %dma_start3A_137 : memref<1x64xi32, #tpu.memory_space<vmem>> -> memref<64xi32, #tpu.memory_space<vmem>>
          %dma_start3A_139 = arith.constant 0 : i32
          %dma_start3A_140 = arith.constant 0 : i32
          %dma_start3A_141 = tpu.memref_slice %arg3[%dma_start3A_139, %dma_start3A_140] : memref<10000x128xf32, #tpu.memory_space<hbm>> -> memref<10000x128xf32, #tpu.memory_space<hbm>>
          tpu.enqueue_indirect_dma source(%dma_start3A_141 : memref<10000x128xf32, #tpu.memory_space<hbm>>) target(%arg14 : memref<64x128xf32, #tpu.memory_space<vmem>>) offsets(%dma_start3A_138 : memref<64xi32, #tpu.memory_space<vmem>>) semaphore(%arg17 : memref<!tpu.dma_semaphore, #tpu.memory_space<semaphore_mem>>)
          %dma_wait3A = arith.constant 0 : i32
          %dma_wait3A_142 = tpu.memref_slice %arg10[%mul3A_133, %dma_wait3A] : memref<40x64xi32, #tpu.memory_space<vmem>> -> memref<1x64xi32, #tpu.memory_space<vmem>>
          %dma_wait3A_143 = tpu.memref_squeeze %dma_wait3A_142 : memref<1x64xi32, #tpu.memory_space<vmem>> -> memref<64xi32, #tpu.memory_space<vmem>>
          %dma_wait3A_144 = arith.constant 0 : i32
          %dma_wait3A_145 = arith.constant 0 : i32
          %dma_wait3A_146 = tpu.memref_slice %arg3[%dma_wait3A_144, %dma_wait3A_145] : memref<10000x128xf32, #tpu.memory_space<hbm>> -> memref<10000x128xf32, #tpu.memory_space<hbm>>
          tpu.wait_indirect_dma semaphore(%arg16 : memref<!tpu.dma_semaphore, #tpu.memory_space<semaphore_mem>>) src(%dma_wait3A_146 : memref<10000x128xf32, #tpu.memory_space<hbm>>) dst(%arg13 : memref<64x128xf32, #tpu.memory_space<vmem>>)
          "tpu.region"() ({
            %run_scoped3A = tpu.sem_alloc : memref<!tpu.dma_semaphore, #tpu.memory_space<semaphore_mem>>
            %dma_start3A_161 = arith.constant 0 : i32
            %dma_start3A_162 = tpu.memref_slice %arg11[%mul3A_133, %dma_start3A_161] : memref<40x64xi32, #tpu.memory_space<vmem>> -> memref<1x64xi32, #tpu.memory_space<vmem>>
            %dma_start3A_163 = tpu.memref_squeeze %dma_start3A_162 : memref<1x64xi32, #tpu.memory_space<vmem>> -> memref<64xi32, #tpu.memory_space<vmem>>
            %dma_start3A_164 = arith.constant 0 : i32
            %dma_start3A_165 = arith.constant 0 : i32
            %dma_start3A_166 = tpu.memref_slice %arg15[%dma_start3A_164, %dma_start3A_165] : memref<10112x128xf32, #tpu.memory_space<vmem_shared>> -> memref<10112x128xf32, #tpu.memory_space<vmem_shared>>
            tpu.enqueue_indirect_dma source(%arg13 : memref<64x128xf32, #tpu.memory_space<vmem>>) target(%dma_start3A_166 : memref<10112x128xf32, #tpu.memory_space<vmem_shared>>) offsets(%dma_start3A_163 : memref<64xi32, #tpu.memory_space<vmem>>) semaphore(%run_scoped3A : memref<!tpu.dma_semaphore, #tpu.memory_space<semaphore_mem>>) {add = true}
            %dma_wait3A_167 = arith.constant 0 : i32
            %dma_wait3A_168 = tpu.memref_slice %arg11[%mul3A_133, %dma_wait3A_167] : memref<40x64xi32, #tpu.memory_space<vmem>> -> memref<1x64xi32, #tpu.memory_space<vmem>>
            %dma_wait3A_169 = tpu.memref_squeeze %dma_wait3A_168 : memref<1x64xi32, #tpu.memory_space<vmem>> -> memref<64xi32, #tpu.memory_space<vmem>>
            %dma_wait3A_170 = arith.constant 0 : i32
            %dma_wait3A_171 = arith.constant 0 : i32
            %dma_wait3A_172 = tpu.memref_slice %arg15[%dma_wait3A_170, %dma_wait3A_171] : memref<10112x128xf32, #tpu.memory_space<vmem_shared>> -> memref<10112x128xf32, #tpu.memory_space<vmem_shared>>
            tpu.wait_indirect_dma semaphore(%run_scoped3A : memref<!tpu.dma_semaphore, #tpu.memory_space<semaphore_mem>>) src(%arg13 : memref<64x128xf32, #tpu.memory_space<vmem>>) dst(%dma_wait3A_172 : memref<10112x128xf32, #tpu.memory_space<vmem_shared>>)
            tpu.yield
          }) : () -> ()
          %lt3A = arith.constant 19 : i32
          %lt3A_147 = arith.cmpi slt, %scan3A_131, %lt3A : i32
          %convert_element_type3A_148 = arith.extui %lt3A_147 : i1 to i32
          %cond3A_149 = arith.constant 0 : i32
          %cond3A_150 = arith.cmpi ne, %convert_element_type3A_148, %cond3A_149 : i32
          scf.if %cond3A_150 {
            %add3A_161 = arith.constant 2 : i32
            %add3A_162 = arith.addi %mul3A_133, %add3A_161 : i32
            %dma_start3A_163 = arith.constant 0 : i32
            %dma_start3A_164 = tpu.memref_slice %arg10[%add3A_162, %dma_start3A_163] : memref<40x64xi32, #tpu.memory_space<vmem>> -> memref<1x64xi32, #tpu.memory_space<vmem>>
            %dma_start3A_165 = tpu.memref_squeeze %dma_start3A_164 : memref<1x64xi32, #tpu.memory_space<vmem>> -> memref<64xi32, #tpu.memory_space<vmem>>
            %dma_start3A_166 = arith.constant 0 : i32
            %dma_start3A_167 = arith.constant 0 : i32
            %dma_start3A_168 = tpu.memref_slice %arg3[%dma_start3A_166, %dma_start3A_167] : memref<10000x128xf32, #tpu.memory_space<hbm>> -> memref<10000x128xf32, #tpu.memory_space<hbm>>
            tpu.enqueue_indirect_dma source(%dma_start3A_168 : memref<10000x128xf32, #tpu.memory_space<hbm>>) target(%arg13 : memref<64x128xf32, #tpu.memory_space<vmem>>) offsets(%dma_start3A_165 : memref<64xi32, #tpu.memory_space<vmem>>) semaphore(%arg16 : memref<!tpu.dma_semaphore, #tpu.memory_space<semaphore_mem>>)
          } else {
          }
          %add3A_151 = arith.constant 1 : i32
          %add3A_152 = arith.addi %mul3A_133, %add3A_151 : i32
          %dma_wait3A_153 = arith.constant 0 : i32
          %dma_wait3A_154 = tpu.memref_slice %arg10[%add3A_152, %dma_wait3A_153] : memref<40x64xi32, #tpu.memory_space<vmem>> -> memref<1x64xi32, #tpu.memory_space<vmem>>
          %dma_wait3A_155 = tpu.memref_squeeze %dma_wait3A_154 : memref<1x64xi32, #tpu.memory_space<vmem>> -> memref<64xi32, #tpu.memory_space<vmem>>
          %dma_wait3A_156 = arith.constant 0 : i32
          %dma_wait3A_157 = arith.constant 0 : i32
          %dma_wait3A_158 = tpu.memref_slice %arg3[%dma_wait3A_156, %dma_wait3A_157] : memref<10000x128xf32, #tpu.memory_space<hbm>> -> memref<10000x128xf32, #tpu.memory_space<hbm>>
          tpu.wait_indirect_dma semaphore(%arg17 : memref<!tpu.dma_semaphore, #tpu.memory_space<semaphore_mem>>) src(%dma_wait3A_158 : memref<10000x128xf32, #tpu.memory_space<hbm>>) dst(%arg14 : memref<64x128xf32, #tpu.memory_space<vmem>>)
          %add3A_159 = arith.constant 1 : i32
          %add3A_160 = arith.addi %mul3A_133, %add3A_159 : i32
          "tpu.region"() ({
            %run_scoped3A = tpu.sem_alloc : memref<!tpu.dma_semaphore, #tpu.memory_space<semaphore_mem>>
            %dma_start3A_161 = arith.constant 0 : i32
            %dma_start3A_162 = tpu.memref_slice %arg11[%add3A_160, %dma_start3A_161] : memref<40x64xi32, #tpu.memory_space<vmem>> -> memref<1x64xi32, #tpu.memory_space<vmem>>
            %dma_start3A_163 = tpu.memref_squeeze %dma_start3A_162 : memref<1x64xi32, #tpu.memory_space<vmem>> -> memref<64xi32, #tpu.memory_space<vmem>>
            %dma_start3A_164 = arith.constant 0 : i32
            %dma_start3A_165 = arith.constant 0 : i32
            %dma_start3A_166 = tpu.memref_slice %arg15[%dma_start3A_164, %dma_start3A_165] : memref<10112x128xf32, #tpu.memory_space<vmem_shared>> -> memref<10112x128xf32, #tpu.memory_space<vmem_shared>>
            tpu.enqueue_indirect_dma source(%arg14 : memref<64x128xf32, #tpu.memory_space<vmem>>) target(%dma_start3A_166 : memref<10112x128xf32, #tpu.memory_space<vmem_shared>>) offsets(%dma_start3A_163 : memref<64xi32, #tpu.memory_space<vmem>>) semaphore(%run_scoped3A : memref<!tpu.dma_semaphore, #tpu.memory_space<semaphore_mem>>) {add = true}
            %dma_wait3A_167 = arith.constant 0 : i32
            %dma_wait3A_168 = tpu.memref_slice %arg11[%add3A_160, %dma_wait3A_167] : memref<40x64xi32, #tpu.memory_space<vmem>> -> memref<1x64xi32, #tpu.memory_space<vmem>>
            %dma_wait3A_169 = tpu.memref_squeeze %dma_wait3A_168 : memref<1x64xi32, #tpu.memory_space<vmem>> -> memref<64xi32, #tpu.memory_space<vmem>>
            %dma_wait3A_170 = arith.constant 0 : i32
            %dma_wait3A_171 = arith.constant 0 : i32
            %dma_wait3A_172 = tpu.memref_slice %arg15[%dma_wait3A_170, %dma_wait3A_171] : memref<10112x128xf32, #tpu.memory_space<vmem_shared>> -> memref<10112x128xf32, #tpu.memory_space<vmem_shared>>
            tpu.wait_indirect_dma semaphore(%run_scoped3A : memref<!tpu.dma_semaphore, #tpu.memory_space<semaphore_mem>>) src(%arg14 : memref<64x128xf32, #tpu.memory_space<vmem>>) dst(%dma_wait3A_172 : memref<10112x128xf32, #tpu.memory_space<vmem_shared>>)
            tpu.yield
          }) : () -> ()
        }
        %scan3A_130 = arith.constant 20 : i32
      }
      %scan3A_107 = arith.constant 4 : i32
    } else {
    }
    %barrier3A_35 = arith.constant 0 : index
    tpu.barrier barrier_id(%barrier3A_35)
    %eq3A_36 = arith.constant 0 : i32
    %eq3A_37 = arith.cmpi eq, %arg0, %eq3A_36 : i32
    %convert_element_type3A_38 = arith.extui %eq3A_37 : i1 to i32
    %cond3A_39 = arith.constant 0 : i32
    %cond3A_40 = arith.cmpi ne, %convert_element_type3A_38, %cond3A_39 : i32
    scf.if %cond3A_40 {
      %add3A_102 = arith.constant 0 : i32
      %add3A_103 = arith.addi %mul3A_0, %add3A_102 : i32
      "tpu.region"() ({
        %run_scoped3A = tpu.sem_alloc : memref<!tpu.dma_semaphore, #tpu.memory_space<semaphore_mem>>
        %dma_start3A = arith.constant 0 : i32
        %dma_start3A_122 = tpu.memref_slice %arg15[%add3A_103, %dma_start3A] : memref<10112x128xf32, #tpu.memory_space<vmem_shared>> -> memref<64x128xf32, #tpu.memory_space<vmem_shared>>
        %dma_start3A_123 = arith.constant 0 : i32
        %dma_start3A_124 = tpu.memref_slice %arg15[%add3A_103, %dma_start3A_123] : memref<10112x128xf32, #tpu.memory_space<vmem_shared>> -> memref<64x128xf32, #tpu.memory_space<vmem_shared>>
        tpu.enqueue_dma source(%dma_start3A_124 : memref<64x128xf32, #tpu.memory_space<vmem_shared>>) target(%arg13 : memref<64x128xf32, #tpu.memory_space<vmem>>) target_semaphore(%run_scoped3A : memref<!tpu.dma_semaphore, #tpu.memory_space<semaphore_mem>>)
        %dma_wait3A = arith.constant 0 : i32
        %dma_wait3A_125 = tpu.memref_slice %arg15[%add3A_103, %dma_wait3A] : memref<10112x128xf32, #tpu.memory_space<vmem_shared>> -> memref<64x128xf32, #tpu.memory_space<vmem_shared>>
        %dma_wait3A_126 = arith.constant 0 : i32
        %dma_wait3A_127 = tpu.memref_slice %arg15[%add3A_103, %dma_wait3A_126] : memref<10112x128xf32, #tpu.memory_space<vmem_shared>> -> memref<64x128xf32, #tpu.memory_space<vmem_shared>>
        tpu.wait_dma2 semaphore(%run_scoped3A : memref<!tpu.dma_semaphore, #tpu.memory_space<semaphore_mem>>) src(%dma_wait3A_127 : memref<64x128xf32, #tpu.memory_space<vmem_shared>>) dst(%arg13 : memref<64x128xf32, #tpu.memory_space<vmem>>)
        tpu.yield
      }) : () -> ()
      "tpu.region"() ({
        %run_scoped3A = tpu.sem_alloc : memref<!tpu.dma_semaphore, #tpu.memory_space<semaphore_mem>>
        %dma_start3A = arith.constant 0 : i32
        %dma_start3A_122 = tpu.memref_slice %arg6[%add3A_103, %dma_start3A] : memref<10112x128xf32, #tpu.memory_space<hbm>> -> memref<64x128xf32, #tpu.memory_space<hbm>>
        %dma_start3A_123 = arith.constant 0 : i32
        %dma_start3A_124 = tpu.memref_slice %arg6[%add3A_103, %dma_start3A_123] : memref<10112x128xf32, #tpu.memory_space<hbm>> -> memref<64x128xf32, #tpu.memory_space<hbm>>
        tpu.enqueue_dma source(%arg13 : memref<64x128xf32, #tpu.memory_space<vmem>>) target(%dma_start3A_124 : memref<64x128xf32, #tpu.memory_space<hbm>>) target_semaphore(%run_scoped3A : memref<!tpu.dma_semaphore, #tpu.memory_space<semaphore_mem>>)
        %dma_wait3A = arith.constant 0 : i32
        %dma_wait3A_125 = tpu.memref_slice %arg6[%add3A_103, %dma_wait3A] : memref<10112x128xf32, #tpu.memory_space<hbm>> -> memref<64x128xf32, #tpu.memory_space<hbm>>
        %dma_wait3A_126 = arith.constant 0 : i32
        %dma_wait3A_127 = tpu.memref_slice %arg6[%add3A_103, %dma_wait3A_126] : memref<10112x128xf32, #tpu.memory_space<hbm>> -> memref<64x128xf32, #tpu.memory_space<hbm>>
        tpu.wait_dma2 semaphore(%run_scoped3A : memref<!tpu.dma_semaphore, #tpu.memory_space<semaphore_mem>>) src(%arg13 : memref<64x128xf32, #tpu.memory_space<vmem>>) dst(%dma_wait3A_127 : memref<64x128xf32, #tpu.memory_space<hbm>>)
        tpu.yield
      }) : () -> ()
      %add3A_104 = arith.constant 64 : i32
      %add3A_105 = arith.addi %mul3A_0, %add3A_104 : i32
      "tpu.region"() ({
        %run_scoped3A = tpu.sem_alloc : memref<!tpu.dma_semaphore, #tpu.memory_space<semaphore_mem>>
        %dma_start3A = arith.constant 0 : i32
        %dma_start3A_122 = tpu.memref_slice %arg15[%add3A_105, %dma_start3A] : memref<10112x128xf32, #tpu.memory_space<vmem_shared>> -> memref<64x128xf32, #tpu.memory_space<vmem_shared>>
        %dma_start3A_123 = arith.constant 0 : i32
        %dma_start3A_124 = tpu.memref_slice %arg15[%add3A_105, %dma_start3A_123] : memref<10112x128xf32, #tpu.memory_space<vmem_shared>> -> memref<64x128xf32, #tpu.memory_space<vmem_shared>>
        tpu.enqueue_dma source(%dma_start3A_124 : memref<64x128xf32, #tpu.memory_space<vmem_shared>>) target(%arg13 : memref<64x128xf32, #tpu.memory_space<vmem>>) target_semaphore(%run_scoped3A : memref<!tpu.dma_semaphore, #tpu.memory_space<semaphore_mem>>)
        %dma_wait3A = arith.constant 0 : i32
        %dma_wait3A_125 = tpu.memref_slice %arg15[%add3A_105, %dma_wait3A] : memref<10112x128xf32, #tpu.memory_space<vmem_shared>> -> memref<64x128xf32, #tpu.memory_space<vmem_shared>>
        %dma_wait3A_126 = arith.constant 0 : i32
        %dma_wait3A_127 = tpu.memref_slice %arg15[%add3A_105, %dma_wait3A_126] : memref<10112x128xf32, #tpu.memory_space<vmem_shared>> -> memref<64x128xf32, #tpu.memory_space<vmem_shared>>
        tpu.wait_dma2 semaphore(%run_scoped3A : memref<!tpu.dma_semaphore, #tpu.memory_space<semaphore_mem>>) src(%dma_wait3A_127 : memref<64x128xf32, #tpu.memory_space<vmem_shared>>) dst(%arg13 : memref<64x128xf32, #tpu.memory_space<vmem>>)
        tpu.yield
      }) : () -> ()
      "tpu.region"() ({
        %run_scoped3A = tpu.sem_alloc : memref<!tpu.dma_semaphore, #tpu.memory_space<semaphore_mem>>
        %dma_start3A = arith.constant 0 : i32
        %dma_start3A_122 = tpu.memref_slice %arg6[%add3A_105, %dma_start3A] : memref<10112x128xf32, #tpu.memory_space<hbm>> -> memref<64x128xf32, #tpu.memory_space<hbm>>
        %dma_start3A_123 = arith.constant 0 : i32
        %dma_start3A_124 = tpu.memref_slice %arg6[%add3A_105, %dma_start3A_123] : memref<10112x128xf32, #tpu.memory_space<hbm>> -> memref<64x128xf32, #tpu.memory_space<hbm>>
        tpu.enqueue_dma source(%arg13 : memref<64x128xf32, #tpu.memory_space<vmem>>) target(%dma_start3A_124 : memref<64x128xf32, #tpu.memory_space<hbm>>) target_semaphore(%run_scoped3A : memref<!tpu.dma_semaphore, #tpu.memory_space<semaphore_mem>>)
        %dma_wait3A = arith.constant 0 : i32
        %dma_wait3A_125 = tpu.memref_slice %arg6[%add3A_105, %dma_wait3A] : memref<10112x128xf32, #tpu.memory_space<hbm>> -> memref<64x128xf32, #tpu.memory_space<hbm>>
        %dma_wait3A_126 = arith.constant 0 : i32
        %dma_wait3A_127 = tpu.memref_slice %arg6[%add3A_105, %dma_wait3A_126] : memref<10112x128xf32, #tpu.memory_space<hbm>> -> memref<64x128xf32, #tpu.memory_space<hbm>>
        tpu.wait_dma2 semaphore(%run_scoped3A : memref<!tpu.dma_semaphore, #tpu.memory_space<semaphore_mem>>) src(%arg13 : memref<64x128xf32, #tpu.memory_space<vmem>>) dst(%dma_wait3A_127 : memref<64x128xf32, #tpu.memory_space<hbm>>)
        tpu.yield
      }) : () -> ()
      %add3A_106 = arith.constant 128 : i32
      %add3A_107 = arith.addi %mul3A_0, %add3A_106 : i32
      "tpu.region"() ({
        %run_scoped3A = tpu.sem_alloc : memref<!tpu.dma_semaphore, #tpu.memory_space<semaphore_mem>>
        %dma_start3A = arith.constant 0 : i32
        %dma_start3A_122 = tpu.memref_slice %arg15[%add3A_107, %dma_start3A] : memref<10112x128xf32, #tpu.memory_space<vmem_shared>> -> memref<64x128xf32, #tpu.memory_space<vmem_shared>>
        %dma_start3A_123 = arith.constant 0 : i32
        %dma_start3A_124 = tpu.memref_slice %arg15[%add3A_107, %dma_start3A_123] : memref<10112x128xf32, #tpu.memory_space<vmem_shared>> -> memref<64x128xf32, #tpu.memory_space<vmem_shared>>
        tpu.enqueue_dma source(%dma_start3A_124 : memref<64x128xf32, #tpu.memory_space<vmem_shared>>) target(%arg13 : memref<64x128xf32, #tpu.memory_space<vmem>>) target_semaphore(%run_scoped3A : memref<!tpu.dma_semaphore, #tpu.memory_space<semaphore_mem>>)
        %dma_wait3A = arith.constant 0 : i32
        %dma_wait3A_125 = tpu.memref_slice %arg15[%add3A_107, %dma_wait3A] : memref<10112x128xf32, #tpu.memory_space<vmem_shared>> -> memref<64x128xf32, #tpu.memory_space<vmem_shared>>
        %dma_wait3A_126 = arith.constant 0 : i32
        %dma_wait3A_127 = tpu.memref_slice %arg15[%add3A_107, %dma_wait3A_126] : memref<10112x128xf32, #tpu.memory_space<vmem_shared>> -> memref<64x128xf32, #tpu.memory_space<vmem_shared>>
        tpu.wait_dma2 semaphore(%run_scoped3A : memref<!tpu.dma_semaphore, #tpu.memory_space<semaphore_mem>>) src(%dma_wait3A_127 : memref<64x128xf32, #tpu.memory_space<vmem_shared>>) dst(%arg13 : memref<64x128xf32, #tpu.memory_space<vmem>>)
        tpu.yield
      }) : () -> ()
      "tpu.region"() ({
        %run_scoped3A = tpu.sem_alloc : memref<!tpu.dma_semaphore, #tpu.memory_space<semaphore_mem>>
        %dma_start3A = arith.constant 0 : i32
        %dma_start3A_122 = tpu.memref_slice %arg6[%add3A_107, %dma_start3A] : memref<10112x128xf32, #tpu.memory_space<hbm>> -> memref<64x128xf32, #tpu.memory_space<hbm>>
        %dma_start3A_123 = arith.constant 0 : i32
        %dma_start3A_124 = tpu.memref_slice %arg6[%add3A_107, %dma_start3A_123] : memref<10112x128xf32, #tpu.memory_space<hbm>> -> memref<64x128xf32, #tpu.memory_space<hbm>>
        tpu.enqueue_dma source(%arg13 : memref<64x128xf32, #tpu.memory_space<vmem>>) target(%dma_start3A_124 : memref<64x128xf32, #tpu.memory_space<hbm>>) target_semaphore(%run_scoped3A : memref<!tpu.dma_semaphore, #tpu.memory_space<semaphore_mem>>)
        %dma_wait3A = arith.constant 0 : i32
        %dma_wait3A_125 = tpu.memref_slice %arg6[%add3A_107, %dma_wait3A] : memref<10112x128xf32, #tpu.memory_space<hbm>> -> memref<64x128xf32, #tpu.memory_space<hbm>>
        %dma_wait3A_126 = arith.constant 0 : i32
        %dma_wait3A_127 = tpu.memref_slice %arg6[%add3A_107, %dma_wait3A_126] : memref<10112x128xf32, #tpu.memory_space<hbm>> -> memref<64x128xf32, #tpu.memory_space<hbm>>
        tpu.wait_dma2 semaphore(%run_scoped3A : memref<!tpu.dma_semaphore, #tpu.memory_space<semaphore_mem>>) src(%arg13 : memref<64x128xf32, #tpu.memory_space<vmem>>) dst(%dma_wait3A_127 : memref<64x128xf32, #tpu.memory_space<hbm>>)
        tpu.yield
      }) : () -> ()
      %add3A_108 = arith.constant 192 : i32
      %add3A_109 = arith.addi %mul3A_0, %add3A_108 : i32
      "tpu.region"() ({
        %run_scoped3A = tpu.sem_alloc : memref<!tpu.dma_semaphore, #tpu.memory_space<semaphore_mem>>
        %dma_start3A = arith.constant 0 : i32
        %dma_start3A_122 = tpu.memref_slice %arg15[%add3A_109, %dma_start3A] : memref<10112x128xf32, #tpu.memory_space<vmem_shared>> -> memref<64x128xf32, #tpu.memory_space<vmem_shared>>
        %dma_start3A_123 = arith.constant 0 : i32
        %dma_start3A_124 = tpu.memref_slice %arg15[%add3A_109, %dma_start3A_123] : memref<10112x128xf32, #tpu.memory_space<vmem_shared>> -> memref<64x128xf32, #tpu.memory_space<vmem_shared>>
        tpu.enqueue_dma source(%dma_start3A_124 : memref<64x128xf32, #tpu.memory_space<vmem_shared>>) target(%arg13 : memref<64x128xf32, #tpu.memory_space<vmem>>) target_semaphore(%run_scoped3A : memref<!tpu.dma_semaphore, #tpu.memory_space<semaphore_mem>>)
        %dma_wait3A = arith.constant 0 : i32
        %dma_wait3A_125 = tpu.memref_slice %arg15[%add3A_109, %dma_wait3A] : memref<10112x128xf32, #tpu.memory_space<vmem_shared>> -> memref<64x128xf32, #tpu.memory_space<vmem_shared>>
        %dma_wait3A_126 = arith.constant 0 : i32
        %dma_wait3A_127 = tpu.memref_slice %arg15[%add3A_109, %dma_wait3A_126] : memref<10112x128xf32, #tpu.memory_space<vmem_shared>> -> memref<64x128xf32, #tpu.memory_space<vmem_shared>>
        tpu.wait_dma2 semaphore(%run_scoped3A : memref<!tpu.dma_semaphore, #tpu.memory_space<semaphore_mem>>) src(%dma_wait3A_127 : memref<64x128xf32, #tpu.memory_space<vmem_shared>>) dst(%arg13 : memref<64x128xf32, #tpu.memory_space<vmem>>)
        tpu.yield
      }) : () -> ()
      "tpu.region"() ({
        %run_scoped3A = tpu.sem_alloc : memref<!tpu.dma_semaphore, #tpu.memory_space<semaphore_mem>>
        %dma_start3A = arith.constant 0 : i32
        %dma_start3A_122 = tpu.memref_slice %arg6[%add3A_109, %dma_start3A] : memref<10112x128xf32, #tpu.memory_space<hbm>> -> memref<64x128xf32, #tpu.memory_space<hbm>>
        %dma_start3A_123 = arith.constant 0 : i32
        %dma_start3A_124 = tpu.memref_slice %arg6[%add3A_109, %dma_start3A_123] : memref<10112x128xf32, #tpu.memory_space<hbm>> -> memref<64x128xf32, #tpu.memory_space<hbm>>
        tpu.enqueue_dma source(%arg13 : memref<64x128xf32, #tpu.memory_space<vmem>>) target(%dma_start3A_124 : memref<64x128xf32, #tpu.memory_space<hbm>>) target_semaphore(%run_scoped3A : memref<!tpu.dma_semaphore, #tpu.memory_space<semaphore_mem>>)
        %dma_wait3A = arith.constant 0 : i32
        %dma_wait3A_125 = tpu.memref_slice %arg6[%add3A_109, %dma_wait3A] : memref<10112x128xf32, #tpu.memory_space<hbm>> -> memref<64x128xf32, #tpu.memory_space<hbm>>
        %dma_wait3A_126 = arith.constant 0 : i32
        %dma_wait3A_127 = tpu.memref_slice %arg6[%add3A_109, %dma_wait3A_126] : memref<10112x128xf32, #tpu.memory_space<hbm>> -> memref<64x128xf32, #tpu.memory_space<hbm>>
        tpu.wait_dma2 semaphore(%run_scoped3A : memref<!tpu.dma_semaphore, #tpu.memory_space<semaphore_mem>>) src(%arg13 : memref<64x128xf32, #tpu.memory_space<vmem>>) dst(%dma_wait3A_127 : memref<64x128xf32, #tpu.memory_space<hbm>>)
        tpu.yield
      }) : () -> ()
      %add3A_110 = arith.constant 256 : i32
      %add3A_111 = arith.addi %mul3A_0, %add3A_110 : i32
      "tpu.region"() ({
        %run_scoped3A = tpu.sem_alloc : memref<!tpu.dma_semaphore, #tpu.memory_space<semaphore_mem>>
        %dma_start3A = arith.constant 0 : i32
        %dma_start3A_122 = tpu.memref_slice %arg15[%add3A_111, %dma_start3A] : memref<10112x128xf32, #tpu.memory_space<vmem_shared>> -> memref<64x128xf32, #tpu.memory_space<vmem_shared>>
        %dma_start3A_123 = arith.constant 0 : i32
        %dma_start3A_124 = tpu.memref_slice %arg15[%add3A_111, %dma_start3A_123] : memref<10112x128xf32, #tpu.memory_space<vmem_shared>> -> memref<64x128xf32, #tpu.memory_space<vmem_shared>>
        tpu.enqueue_dma source(%dma_start3A_124 : memref<64x128xf32, #tpu.memory_space<vmem_shared>>) target(%arg13 : memref<64x128xf32, #tpu.memory_space<vmem>>) target_semaphore(%run_scoped3A : memref<!tpu.dma_semaphore, #tpu.memory_space<semaphore_mem>>)
        %dma_wait3A = arith.constant 0 : i32
        %dma_wait3A_125 = tpu.memref_slice %arg15[%add3A_111, %dma_wait3A] : memref<10112x128xf32, #tpu.memory_space<vmem_shared>> -> memref<64x128xf32, #tpu.memory_space<vmem_shared>>
        %dma_wait3A_126 = arith.constant 0 : i32
        %dma_wait3A_127 = tpu.memref_slice %arg15[%add3A_111, %dma_wait3A_126] : memref<10112x128xf32, #tpu.memory_space<vmem_shared>> -> memref<64x128xf32, #tpu.memory_space<vmem_shared>>
        tpu.wait_dma2 semaphore(%run_scoped3A : memref<!tpu.dma_semaphore, #tpu.memory_space<semaphore_mem>>) src(%dma_wait3A_127 : memref<64x128xf32, #tpu.memory_space<vmem_shared>>) dst(%arg13 : memref<64x128xf32, #tpu.memory_space<vmem>>)
        tpu.yield
      }) : () -> ()
      "tpu.region"() ({
        %run_scoped3A = tpu.sem_alloc : memref<!tpu.dma_semaphore, #tpu.memory_space<semaphore_mem>>
        %dma_start3A = arith.constant 0 : i32
        %dma_start3A_122 = tpu.memref_slice %arg6[%add3A_111, %dma_start3A] : memref<10112x128xf32, #tpu.memory_space<hbm>> -> memref<64x128xf32, #tpu.memory_space<hbm>>
        %dma_start3A_123 = arith.constant 0 : i32
        %dma_start3A_124 = tpu.memref_slice %arg6[%add3A_111, %dma_start3A_123] : memref<10112x128xf32, #tpu.memory_space<hbm>> -> memref<64x128xf32, #tpu.memory_space<hbm>>
        tpu.enqueue_dma source(%arg13 : memref<64x128xf32, #tpu.memory_space<vmem>>) target(%dma_start3A_124 : memref<64x128xf32, #tpu.memory_space<hbm>>) target_semaphore(%run_scoped3A : memref<!tpu.dma_semaphore, #tpu.memory_space<semaphore_mem>>)
        %dma_wait3A = arith.constant 0 : i32
        %dma_wait3A_125 = tpu.memref_slice %arg6[%add3A_111, %dma_wait3A] : memref<10112x128xf32, #tpu.memory_space<hbm>> -> memref<64x128xf32, #tpu.memory_space<hbm>>
        %dma_wait3A_126 = arith.constant 0 : i32
        %dma_wait3A_127 = tpu.memref_slice %arg6[%add3A_111, %dma_wait3A_126] : memref<10112x128xf32, #tpu.memory_space<hbm>> -> memref<64x128xf32, #tpu.memory_space<hbm>>
        tpu.wait_dma2 semaphore(%run_scoped3A : memref<!tpu.dma_semaphore, #tpu.memory_space<semaphore_mem>>) src(%arg13 : memref<64x128xf32, #tpu.memory_space<vmem>>) dst(%dma_wait3A_127 : memref<64x128xf32, #tpu.memory_space<hbm>>)
        tpu.yield
      }) : () -> ()
      %add3A_112 = arith.constant 320 : i32
      %add3A_113 = arith.addi %mul3A_0, %add3A_112 : i32
      "tpu.region"() ({
        %run_scoped3A = tpu.sem_alloc : memref<!tpu.dma_semaphore, #tpu.memory_space<semaphore_mem>>
        %dma_start3A = arith.constant 0 : i32
        %dma_start3A_122 = tpu.memref_slice %arg15[%add3A_113, %dma_start3A] : memref<10112x128xf32, #tpu.memory_space<vmem_shared>> -> memref<64x128xf32, #tpu.memory_space<vmem_shared>>
        %dma_start3A_123 = arith.constant 0 : i32
        %dma_start3A_124 = tpu.memref_slice %arg15[%add3A_113, %dma_start3A_123] : memref<10112x128xf32, #tpu.memory_space<vmem_shared>> -> memref<64x128xf32, #tpu.memory_space<vmem_shared>>
        tpu.enqueue_dma source(%dma_start3A_124 : memref<64x128xf32, #tpu.memory_space<vmem_shared>>) target(%arg13 : memref<64x128xf32, #tpu.memory_space<vmem>>) target_semaphore(%run_scoped3A : memref<!tpu.dma_semaphore, #tpu.memory_space<semaphore_mem>>)
        %dma_wait3A = arith.constant 0 : i32
        %dma_wait3A_125 = tpu.memref_slice %arg15[%add3A_113, %dma_wait3A] : memref<10112x128xf32, #tpu.memory_space<vmem_shared>> -> memref<64x128xf32, #tpu.memory_space<vmem_shared>>
        %dma_wait3A_126 = arith.constant 0 : i32
        %dma_wait3A_127 = tpu.memref_slice %arg15[%add3A_113, %dma_wait3A_126] : memref<10112x128xf32, #tpu.memory_space<vmem_shared>> -> memref<64x128xf32, #tpu.memory_space<vmem_shared>>
        tpu.wait_dma2 semaphore(%run_scoped3A : memref<!tpu.dma_semaphore, #tpu.memory_space<semaphore_mem>>) src(%dma_wait3A_127 : memref<64x128xf32, #tpu.memory_space<vmem_shared>>) dst(%arg13 : memref<64x128xf32, #tpu.memory_space<vmem>>)
        tpu.yield
      }) : () -> ()
      "tpu.region"() ({
        %run_scoped3A = tpu.sem_alloc : memref<!tpu.dma_semaphore, #tpu.memory_space<semaphore_mem>>
        %dma_start3A = arith.constant 0 : i32
        %dma_start3A_122 = tpu.memref_slice %arg6[%add3A_113, %dma_start3A] : memref<10112x128xf32, #tpu.memory_space<hbm>> -> memref<64x128xf32, #tpu.memory_space<hbm>>
        %dma_start3A_123 = arith.constant 0 : i32
        %dma_start3A_124 = tpu.memref_slice %arg6[%add3A_113, %dma_start3A_123] : memref<10112x128xf32, #tpu.memory_space<hbm>> -> memref<64x128xf32, #tpu.memory_space<hbm>>
        tpu.enqueue_dma source(%arg13 : memref<64x128xf32, #tpu.memory_space<vmem>>) target(%dma_start3A_124 : memref<64x128xf32, #tpu.memory_space<hbm>>) target_semaphore(%run_scoped3A : memref<!tpu.dma_semaphore, #tpu.memory_space<semaphore_mem>>)
        %dma_wait3A = arith.constant 0 : i32
        %dma_wait3A_125 = tpu.memref_slice %arg6[%add3A_113, %dma_wait3A] : memref<10112x128xf32, #tpu.memory_space<hbm>> -> memref<64x128xf32, #tpu.memory_space<hbm>>
        %dma_wait3A_126 = arith.constant 0 : i32
        %dma_wait3A_127 = tpu.memref_slice %arg6[%add3A_113, %dma_wait3A_126] : memref<10112x128xf32, #tpu.memory_space<hbm>> -> memref<64x128xf32, #tpu.memory_space<hbm>>
        tpu.wait_dma2 semaphore(%run_scoped3A : memref<!tpu.dma_semaphore, #tpu.memory_space<semaphore_mem>>) src(%arg13 : memref<64x128xf32, #tpu.memory_space<vmem>>) dst(%dma_wait3A_127 : memref<64x128xf32, #tpu.memory_space<hbm>>)
        tpu.yield
      }) : () -> ()
      %add3A_114 = arith.constant 384 : i32
      %add3A_115 = arith.addi %mul3A_0, %add3A_114 : i32
      "tpu.region"() ({
        %run_scoped3A = tpu.sem_alloc : memref<!tpu.dma_semaphore, #tpu.memory_space<semaphore_mem>>
        %dma_start3A = arith.constant 0 : i32
        %dma_start3A_122 = tpu.memref_slice %arg15[%add3A_115, %dma_start3A] : memref<10112x128xf32, #tpu.memory_space<vmem_shared>> -> memref<64x128xf32, #tpu.memory_space<vmem_shared>>
        %dma_start3A_123 = arith.constant 0 : i32
        %dma_start3A_124 = tpu.memref_slice %arg15[%add3A_115, %dma_start3A_123] : memref<10112x128xf32, #tpu.memory_space<vmem_shared>> -> memref<64x128xf32, #tpu.memory_space<vmem_shared>>
        tpu.enqueue_dma source(%dma_start3A_124 : memref<64x128xf32, #tpu.memory_space<vmem_shared>>) target(%arg13 : memref<64x128xf32, #tpu.memory_space<vmem>>) target_semaphore(%run_scoped3A : memref<!tpu.dma_semaphore, #tpu.memory_space<semaphore_mem>>)
        %dma_wait3A = arith.constant 0 : i32
        %dma_wait3A_125 = tpu.memref_slice %arg15[%add3A_115, %dma_wait3A] : memref<10112x128xf32, #tpu.memory_space<vmem_shared>> -> memref<64x128xf32, #tpu.memory_space<vmem_shared>>
        %dma_wait3A_126 = arith.constant 0 : i32
        %dma_wait3A_127 = tpu.memref_slice %arg15[%add3A_115, %dma_wait3A_126] : memref<10112x128xf32, #tpu.memory_space<vmem_shared>> -> memref<64x128xf32, #tpu.memory_space<vmem_shared>>
        tpu.wait_dma2 semaphore(%run_scoped3A : memref<!tpu.dma_semaphore, #tpu.memory_space<semaphore_mem>>) src(%dma_wait3A_127 : memref<64x128xf32, #tpu.memory_space<vmem_shared>>) dst(%arg13 : memref<64x128xf32, #tpu.memory_space<vmem>>)
        tpu.yield
      }) : () -> ()
      "tpu.region"() ({
        %run_scoped3A = tpu.sem_alloc : memref<!tpu.dma_semaphore, #tpu.memory_space<semaphore_mem>>
        %dma_start3A = arith.constant 0 : i32
        %dma_start3A_122 = tpu.memref_slice %arg6[%add3A_115, %dma_start3A] : memref<10112x128xf32, #tpu.memory_space<hbm>> -> memref<64x128xf32, #tpu.memory_space<hbm>>
        %dma_start3A_123 = arith.constant 0 : i32
        %dma_start3A_124 = tpu.memref_slice %arg6[%add3A_115, %dma_start3A_123] : memref<10112x128xf32, #tpu.memory_space<hbm>> -> memref<64x128xf32, #tpu.memory_space<hbm>>
        tpu.enqueue_dma source(%arg13 : memref<64x128xf32, #tpu.memory_space<vmem>>) target(%dma_start3A_124 : memref<64x128xf32, #tpu.memory_space<hbm>>) target_semaphore(%run_scoped3A : memref<!tpu.dma_semaphore, #tpu.memory_space<semaphore_mem>>)
        %dma_wait3A = arith.constant 0 : i32
        %dma_wait3A_125 = tpu.memref_slice %arg6[%add3A_115, %dma_wait3A] : memref<10112x128xf32, #tpu.memory_space<hbm>> -> memref<64x128xf32, #tpu.memory_space<hbm>>
        %dma_wait3A_126 = arith.constant 0 : i32
        %dma_wait3A_127 = tpu.memref_slice %arg6[%add3A_115, %dma_wait3A_126] : memref<10112x128xf32, #tpu.memory_space<hbm>> -> memref<64x128xf32, #tpu.memory_space<hbm>>
        tpu.wait_dma2 semaphore(%run_scoped3A : memref<!tpu.dma_semaphore, #tpu.memory_space<semaphore_mem>>) src(%arg13 : memref<64x128xf32, #tpu.memory_space<vmem>>) dst(%dma_wait3A_127 : memref<64x128xf32, #tpu.memory_space<hbm>>)
        tpu.yield
      }) : () -> ()
      %add3A_116 = arith.constant 448 : i32
      %add3A_117 = arith.addi %mul3A_0, %add3A_116 : i32
      "tpu.region"() ({
        %run_scoped3A = tpu.sem_alloc : memref<!tpu.dma_semaphore, #tpu.memory_space<semaphore_mem>>
        %dma_start3A = arith.constant 0 : i32
        %dma_start3A_122 = tpu.memref_slice %arg15[%add3A_117, %dma_start3A] : memref<10112x128xf32, #tpu.memory_space<vmem_shared>> -> memref<64x128xf32, #tpu.memory_space<vmem_shared>>
        %dma_start3A_123 = arith.constant 0 : i32
        %dma_start3A_124 = tpu.memref_slice %arg15[%add3A_117, %dma_start3A_123] : memref<10112x128xf32, #tpu.memory_space<vmem_shared>> -> memref<64x128xf32, #tpu.memory_space<vmem_shared>>
        tpu.enqueue_dma source(%dma_start3A_124 : memref<64x128xf32, #tpu.memory_space<vmem_shared>>) target(%arg13 : memref<64x128xf32, #tpu.memory_space<vmem>>) target_semaphore(%run_scoped3A : memref<!tpu.dma_semaphore, #tpu.memory_space<semaphore_mem>>)
        %dma_wait3A = arith.constant 0 : i32
        %dma_wait3A_125 = tpu.memref_slice %arg15[%add3A_117, %dma_wait3A] : memref<10112x128xf32, #tpu.memory_space<vmem_shared>> -> memref<64x128xf32, #tpu.memory_space<vmem_shared>>
        %dma_wait3A_126 = arith.constant 0 : i32
        %dma_wait3A_127 = tpu.memref_slice %arg15[%add3A_117, %dma_wait3A_126] : memref<10112x128xf32, #tpu.memory_space<vmem_shared>> -> memref<64x128xf32, #tpu.memory_space<vmem_shared>>
        tpu.wait_dma2 semaphore(%run_scoped3A : memref<!tpu.dma_semaphore, #tpu.memory_space<semaphore_mem>>) src(%dma_wait3A_127 : memref<64x128xf32, #tpu.memory_space<vmem_shared>>) dst(%arg13 : memref<64x128xf32, #tpu.memory_space<vmem>>)
        tpu.yield
      }) : () -> ()
      "tpu.region"() ({
        %run_scoped3A = tpu.sem_alloc : memref<!tpu.dma_semaphore, #tpu.memory_space<semaphore_mem>>
        %dma_start3A = arith.constant 0 : i32
        %dma_start3A_122 = tpu.memref_slice %arg6[%add3A_117, %dma_start3A] : memref<10112x128xf32, #tpu.memory_space<hbm>> -> memref<64x128xf32, #tpu.memory_space<hbm>>
        %dma_start3A_123 = arith.constant 0 : i32
        %dma_start3A_124 = tpu.memref_slice %arg6[%add3A_117, %dma_start3A_123] : memref<10112x128xf32, #tpu.memory_space<hbm>> -> memref<64x128xf32, #tpu.memory_space<hbm>>
        tpu.enqueue_dma source(%arg13 : memref<64x128xf32, #tpu.memory_space<vmem>>) target(%dma_start3A_124 : memref<64x128xf32, #tpu.memory_space<hbm>>) target_semaphore(%run_scoped3A : memref<!tpu.dma_semaphore, #tpu.memory_space<semaphore_mem>>)
        %dma_wait3A = arith.constant 0 : i32
        %dma_wait3A_125 = tpu.memref_slice %arg6[%add3A_117, %dma_wait3A] : memref<10112x128xf32, #tpu.memory_space<hbm>> -> memref<64x128xf32, #tpu.memory_space<hbm>>
        %dma_wait3A_126 = arith.constant 0 : i32
        %dma_wait3A_127 = tpu.memref_slice %arg6[%add3A_117, %dma_wait3A_126] : memref<10112x128xf32, #tpu.memory_space<hbm>> -> memref<64x128xf32, #tpu.memory_space<hbm>>
        tpu.wait_dma2 semaphore(%run_scoped3A : memref<!tpu.dma_semaphore, #tpu.memory_space<semaphore_mem>>) src(%arg13 : memref<64x128xf32, #tpu.memory_space<vmem>>) dst(%dma_wait3A_127 : memref<64x128xf32, #tpu.memory_space<hbm>>)
        tpu.yield
      }) : () -> ()
      %add3A_118 = arith.constant 512 : i32
      %add3A_119 = arith.addi %mul3A_0, %add3A_118 : i32
      "tpu.region"() ({
        %run_scoped3A = tpu.sem_alloc : memref<!tpu.dma_semaphore, #tpu.memory_space<semaphore_mem>>
        %dma_start3A = arith.constant 0 : i32
        %dma_start3A_122 = tpu.memref_slice %arg15[%add3A_119, %dma_start3A] : memref<10112x128xf32, #tpu.memory_space<vmem_shared>> -> memref<64x128xf32, #tpu.memory_space<vmem_shared>>
        %dma_start3A_123 = arith.constant 0 : i32
        %dma_start3A_124 = tpu.memref_slice %arg15[%add3A_119, %dma_start3A_123] : memref<10112x128xf32, #tpu.memory_space<vmem_shared>> -> memref<64x128xf32, #tpu.memory_space<vmem_shared>>
        tpu.enqueue_dma source(%dma_start3A_124 : memref<64x128xf32, #tpu.memory_space<vmem_shared>>) target(%arg13 : memref<64x128xf32, #tpu.memory_space<vmem>>) target_semaphore(%run_scoped3A : memref<!tpu.dma_semaphore, #tpu.memory_space<semaphore_mem>>)
        %dma_wait3A = arith.constant 0 : i32
        %dma_wait3A_125 = tpu.memref_slice %arg15[%add3A_119, %dma_wait3A] : memref<10112x128xf32, #tpu.memory_space<vmem_shared>> -> memref<64x128xf32, #tpu.memory_space<vmem_shared>>
        %dma_wait3A_126 = arith.constant 0 : i32
        %dma_wait3A_127 = tpu.memref_slice %arg15[%add3A_119, %dma_wait3A_126] : memref<10112x128xf32, #tpu.memory_space<vmem_shared>> -> memref<64x128xf32, #tpu.memory_space<vmem_shared>>
        tpu.wait_dma2 semaphore(%run_scoped3A : memref<!tpu.dma_semaphore, #tpu.memory_space<semaphore_mem>>) src(%dma_wait3A_127 : memref<64x128xf32, #tpu.memory_space<vmem_shared>>) dst(%arg13 : memref<64x128xf32, #tpu.memory_space<vmem>>)
        tpu.yield
      }) : () -> ()
      "tpu.region"() ({
        %run_scoped3A = tpu.sem_alloc : memref<!tpu.dma_semaphore, #tpu.memory_space<semaphore_mem>>
        %dma_start3A = arith.constant 0 : i32
        %dma_start3A_122 = tpu.memref_slice %arg6[%add3A_119, %dma_start3A] : memref<10112x128xf32, #tpu.memory_space<hbm>> -> memref<64x128xf32, #tpu.memory_space<hbm>>
        %dma_start3A_123 = arith.constant 0 : i32
        %dma_start3A_124 = tpu.memref_slice %arg6[%add3A_119, %dma_start3A_123] : memref<10112x128xf32, #tpu.memory_space<hbm>> -> memref<64x128xf32, #tpu.memory_space<hbm>>
        tpu.enqueue_dma source(%arg13 : memref<64x128xf32, #tpu.memory_space<vmem>>) target(%dma_start3A_124 : memref<64x128xf32, #tpu.memory_space<hbm>>) target_semaphore(%run_scoped3A : memref<!tpu.dma_semaphore, #tpu.memory_space<semaphore_mem>>)
        %dma_wait3A = arith.constant 0 : i32
        %dma_wait3A_125 = tpu.memref_slice %arg6[%add3A_119, %dma_wait3A] : memref<10112x128xf32, #tpu.memory_space<hbm>> -> memref<64x128xf32, #tpu.memory_space<hbm>>
        %dma_wait3A_126 = arith.constant 0 : i32
        %dma_wait3A_127 = tpu.memref_slice %arg6[%add3A_119, %dma_wait3A_126] : memref<10112x128xf32, #tpu.memory_space<hbm>> -> memref<64x128xf32, #tpu.memory_space<hbm>>
        tpu.wait_dma2 semaphore(%run_scoped3A : memref<!tpu.dma_semaphore, #tpu.memory_space<semaphore_mem>>) src(%arg13 : memref<64x128xf32, #tpu.memory_space<vmem>>) dst(%dma_wait3A_127 : memref<64x128xf32, #tpu.memory_space<hbm>>)
        tpu.yield
      }) : () -> ()
      %add3A_120 = arith.constant 576 : i32
      %add3A_121 = arith.addi %mul3A_0, %add3A_120 : i32
      "tpu.region"() ({
        %run_scoped3A = tpu.sem_alloc : memref<!tpu.dma_semaphore, #tpu.memory_space<semaphore_mem>>
        %dma_start3A = arith.constant 0 : i32
        %dma_start3A_122 = arith.constant 0 : i32
        %dma_start3A_123 = tpu.memref_slice %arg13[%dma_start3A, %dma_start3A_122] : memref<64x128xf32, #tpu.memory_space<vmem>> -> memref<56x128xf32, #tpu.memory_space<vmem>>
        %dma_start3A_124 = arith.constant 0 : i32
        %dma_start3A_125 = tpu.memref_slice %arg15[%add3A_121, %dma_start3A_124] : memref<10112x128xf32, #tpu.memory_space<vmem_shared>> -> memref<56x128xf32, #tpu.memory_space<vmem_shared>>
        %dma_start3A_126 = arith.constant 0 : i32
        %dma_start3A_127 = arith.constant 0 : i32
        %dma_start3A_128 = tpu.memref_slice %arg13[%dma_start3A_126, %dma_start3A_127] : memref<64x128xf32, #tpu.memory_space<vmem>> -> memref<56x128xf32, #tpu.memory_space<vmem>>
        %dma_start3A_129 = arith.constant 0 : i32
        %dma_start3A_130 = tpu.memref_slice %arg15[%add3A_121, %dma_start3A_129] : memref<10112x128xf32, #tpu.memory_space<vmem_shared>> -> memref<56x128xf32, #tpu.memory_space<vmem_shared>>
        tpu.enqueue_dma source(%dma_start3A_130 : memref<56x128xf32, #tpu.memory_space<vmem_shared>>) target(%dma_start3A_128 : memref<56x128xf32, #tpu.memory_space<vmem>>) target_semaphore(%run_scoped3A : memref<!tpu.dma_semaphore, #tpu.memory_space<semaphore_mem>>)
        %dma_wait3A = arith.constant 0 : i32
        %dma_wait3A_131 = arith.constant 0 : i32
        %dma_wait3A_132 = tpu.memref_slice %arg13[%dma_wait3A, %dma_wait3A_131] : memref<64x128xf32, #tpu.memory_space<vmem>> -> memref<56x128xf32, #tpu.memory_space<vmem>>
        %dma_wait3A_133 = arith.constant 0 : i32
        %dma_wait3A_134 = tpu.memref_slice %arg15[%add3A_121, %dma_wait3A_133] : memref<10112x128xf32, #tpu.memory_space<vmem_shared>> -> memref<56x128xf32, #tpu.memory_space<vmem_shared>>
        %dma_wait3A_135 = arith.constant 0 : i32
        %dma_wait3A_136 = arith.constant 0 : i32
        %dma_wait3A_137 = tpu.memref_slice %arg13[%dma_wait3A_135, %dma_wait3A_136] : memref<64x128xf32, #tpu.memory_space<vmem>> -> memref<56x128xf32, #tpu.memory_space<vmem>>
        %dma_wait3A_138 = arith.constant 0 : i32
        %dma_wait3A_139 = tpu.memref_slice %arg15[%add3A_121, %dma_wait3A_138] : memref<10112x128xf32, #tpu.memory_space<vmem_shared>> -> memref<56x128xf32, #tpu.memory_space<vmem_shared>>
        tpu.wait_dma2 semaphore(%run_scoped3A : memref<!tpu.dma_semaphore, #tpu.memory_space<semaphore_mem>>) src(%dma_wait3A_139 : memref<56x128xf32, #tpu.memory_space<vmem_shared>>) dst(%dma_wait3A_137 : memref<56x128xf32, #tpu.memory_space<vmem>>)
        tpu.yield
      }) : () -> ()
      "tpu.region"() ({
        %run_scoped3A = tpu.sem_alloc : memref<!tpu.dma_semaphore, #tpu.memory_space<semaphore_mem>>
        %dma_start3A = arith.constant 0 : i32
        %dma_start3A_122 = arith.constant 0 : i32
        %dma_start3A_123 = tpu.memref_slice %arg13[%dma_start3A, %dma_start3A_122] : memref<64x128xf32, #tpu.memory_space<vmem>> -> memref<56x128xf32, #tpu.memory_space<vmem>>
        %dma_start3A_124 = arith.constant 0 : i32
        %dma_start3A_125 = tpu.memref_slice %arg6[%add3A_121, %dma_start3A_124] : memref<10112x128xf32, #tpu.memory_space<hbm>> -> memref<56x128xf32, #tpu.memory_space<hbm>>
        %dma_start3A_126 = arith.constant 0 : i32
        %dma_start3A_127 = tpu.memref_slice %arg6[%add3A_121, %dma_start3A_126] : memref<10112x128xf32, #tpu.memory_space<hbm>> -> memref<56x128xf32, #tpu.memory_space<hbm>>
        %dma_start3A_128 = arith.constant 0 : i32
        %dma_start3A_129 = arith.constant 0 : i32
        %dma_start3A_130 = tpu.memref_slice %arg13[%dma_start3A_128, %dma_start3A_129] : memref<64x128xf32, #tpu.memory_space<vmem>> -> memref<56x128xf32, #tpu.memory_space<vmem>>
        tpu.enqueue_dma source(%dma_start3A_130 : memref<56x128xf32, #tpu.memory_space<vmem>>) target(%dma_start3A_127 : memref<56x128xf32, #tpu.memory_space<hbm>>) target_semaphore(%run_scoped3A : memref<!tpu.dma_semaphore, #tpu.memory_space<semaphore_mem>>)
        %dma_wait3A = arith.constant 0 : i32
        %dma_wait3A_131 = arith.constant 0 : i32
        %dma_wait3A_132 = tpu.memref_slice %arg13[%dma_wait3A, %dma_wait3A_131] : memref<64x128xf32, #tpu.memory_space<vmem>> -> memref<56x128xf32, #tpu.memory_space<vmem>>
        %dma_wait3A_133 = arith.constant 0 : i32
        %dma_wait3A_134 = tpu.memref_slice %arg6[%add3A_121, %dma_wait3A_133] : memref<10112x128xf32, #tpu.memory_space<hbm>> -> memref<56x128xf32, #tpu.memory_space<hbm>>
        %dma_wait3A_135 = arith.constant 0 : i32
        %dma_wait3A_136 = tpu.memref_slice %arg6[%add3A_121, %dma_wait3A_135] : memref<10112x128xf32, #tpu.memory_space<hbm>> -> memref<56x128xf32, #tpu.memory_space<hbm>>
        %dma_wait3A_137 = arith.constant 0 : i32
        %dma_wait3A_138 = arith.constant 0 : i32
        %dma_wait3A_139 = tpu.memref_slice %arg13[%dma_wait3A_137, %dma_wait3A_138] : memref<64x128xf32, #tpu.memory_space<vmem>> -> memref<56x128xf32, #tpu.memory_space<vmem>>
        tpu.wait_dma2 semaphore(%run_scoped3A : memref<!tpu.dma_semaphore, #tpu.memory_space<semaphore_mem>>) src(%dma_wait3A_139 : memref<56x128xf32, #tpu.memory_space<vmem>>) dst(%dma_wait3A_136 : memref<56x128xf32, #tpu.memory_space<hbm>>)
        tpu.yield
      }) : () -> ()
    } else {
    }
    %eq3A_41 = arith.constant 1 : i32
    %eq3A_42 = arith.cmpi eq, %arg0, %eq3A_41 : i32
    %convert_element_type3A_43 = arith.extui %eq3A_42 : i1 to i32
    %cond3A_44 = arith.constant 0 : i32
    %cond3A_45 = arith.cmpi ne, %convert_element_type3A_43, %cond3A_44 : i32
    scf.if %cond3A_45 {
      %add3A_102 = arith.constant 0 : i32
      %add3A_103 = arith.addi %mul3A_0, %add3A_102 : i32
      "tpu.region"() ({
        %run_scoped3A = tpu.sem_alloc : memref<!tpu.dma_semaphore, #tpu.memory_space<semaphore_mem>>
        %dma_start3A = arith.constant 0 : i32
        %dma_start3A_122 = tpu.memref_slice %arg15[%add3A_103, %dma_start3A] : memref<10112x128xf32, #tpu.memory_space<vmem_shared>> -> memref<64x128xf32, #tpu.memory_space<vmem_shared>>
        %dma_start3A_123 = arith.constant 0 : i32
        %dma_start3A_124 = tpu.memref_slice %arg15[%add3A_103, %dma_start3A_123] : memref<10112x128xf32, #tpu.memory_space<vmem_shared>> -> memref<64x128xf32, #tpu.memory_space<vmem_shared>>
        tpu.enqueue_dma source(%dma_start3A_124 : memref<64x128xf32, #tpu.memory_space<vmem_shared>>) target(%arg13 : memref<64x128xf32, #tpu.memory_space<vmem>>) target_semaphore(%run_scoped3A : memref<!tpu.dma_semaphore, #tpu.memory_space<semaphore_mem>>)
        %dma_wait3A = arith.constant 0 : i32
        %dma_wait3A_125 = tpu.memref_slice %arg15[%add3A_103, %dma_wait3A] : memref<10112x128xf32, #tpu.memory_space<vmem_shared>> -> memref<64x128xf32, #tpu.memory_space<vmem_shared>>
        %dma_wait3A_126 = arith.constant 0 : i32
        %dma_wait3A_127 = tpu.memref_slice %arg15[%add3A_103, %dma_wait3A_126] : memref<10112x128xf32, #tpu.memory_space<vmem_shared>> -> memref<64x128xf32, #tpu.memory_space<vmem_shared>>
        tpu.wait_dma2 semaphore(%run_scoped3A : memref<!tpu.dma_semaphore, #tpu.memory_space<semaphore_mem>>) src(%dma_wait3A_127 : memref<64x128xf32, #tpu.memory_space<vmem_shared>>) dst(%arg13 : memref<64x128xf32, #tpu.memory_space<vmem>>)
        tpu.yield
      }) : () -> ()
      "tpu.region"() ({
        %run_scoped3A = tpu.sem_alloc : memref<!tpu.dma_semaphore, #tpu.memory_space<semaphore_mem>>
        %dma_start3A = arith.constant 0 : i32
        %dma_start3A_122 = tpu.memref_slice %arg7[%add3A_103, %dma_start3A] : memref<10112x128xf32, #tpu.memory_space<hbm>> -> memref<64x128xf32, #tpu.memory_space<hbm>>
        %dma_start3A_123 = arith.constant 0 : i32
        %dma_start3A_124 = tpu.memref_slice %arg7[%add3A_103, %dma_start3A_123] : memref<10112x128xf32, #tpu.memory_space<hbm>> -> memref<64x128xf32, #tpu.memory_space<hbm>>
        tpu.enqueue_dma source(%arg13 : memref<64x128xf32, #tpu.memory_space<vmem>>) target(%dma_start3A_124 : memref<64x128xf32, #tpu.memory_space<hbm>>) target_semaphore(%run_scoped3A : memref<!tpu.dma_semaphore, #tpu.memory_space<semaphore_mem>>)
        %dma_wait3A = arith.constant 0 : i32
        %dma_wait3A_125 = tpu.memref_slice %arg7[%add3A_103, %dma_wait3A] : memref<10112x128xf32, #tpu.memory_space<hbm>> -> memref<64x128xf32, #tpu.memory_space<hbm>>
        %dma_wait3A_126 = arith.constant 0 : i32
        %dma_wait3A_127 = tpu.memref_slice %arg7[%add3A_103, %dma_wait3A_126] : memref<10112x128xf32, #tpu.memory_space<hbm>> -> memref<64x128xf32, #tpu.memory_space<hbm>>
        tpu.wait_dma2 semaphore(%run_scoped3A : memref<!tpu.dma_semaphore, #tpu.memory_space<semaphore_mem>>) src(%arg13 : memref<64x128xf32, #tpu.memory_space<vmem>>) dst(%dma_wait3A_127 : memref<64x128xf32, #tpu.memory_space<hbm>>)
        tpu.yield
      }) : () -> ()
      %add3A_104 = arith.constant 64 : i32
      %add3A_105 = arith.addi %mul3A_0, %add3A_104 : i32
      "tpu.region"() ({
        %run_scoped3A = tpu.sem_alloc : memref<!tpu.dma_semaphore, #tpu.memory_space<semaphore_mem>>
        %dma_start3A = arith.constant 0 : i32
        %dma_start3A_122 = tpu.memref_slice %arg15[%add3A_105, %dma_start3A] : memref<10112x128xf32, #tpu.memory_space<vmem_shared>> -> memref<64x128xf32, #tpu.memory_space<vmem_shared>>
        %dma_start3A_123 = arith.constant 0 : i32
        %dma_start3A_124 = tpu.memref_slice %arg15[%add3A_105, %dma_start3A_123] : memref<10112x128xf32, #tpu.memory_space<vmem_shared>> -> memref<64x128xf32, #tpu.memory_space<vmem_shared>>
        tpu.enqueue_dma source(%dma_start3A_124 : memref<64x128xf32, #tpu.memory_space<vmem_shared>>) target(%arg13 : memref<64x128xf32, #tpu.memory_space<vmem>>) target_semaphore(%run_scoped3A : memref<!tpu.dma_semaphore, #tpu.memory_space<semaphore_mem>>)
        %dma_wait3A = arith.constant 0 : i32
        %dma_wait3A_125 = tpu.memref_slice %arg15[%add3A_105, %dma_wait3A] : memref<10112x128xf32, #tpu.memory_space<vmem_shared>> -> memref<64x128xf32, #tpu.memory_space<vmem_shared>>
        %dma_wait3A_126 = arith.constant 0 : i32
        %dma_wait3A_127 = tpu.memref_slice %arg15[%add3A_105, %dma_wait3A_126] : memref<10112x128xf32, #tpu.memory_space<vmem_shared>> -> memref<64x128xf32, #tpu.memory_space<vmem_shared>>
        tpu.wait_dma2 semaphore(%run_scoped3A : memref<!tpu.dma_semaphore, #tpu.memory_space<semaphore_mem>>) src(%dma_wait3A_127 : memref<64x128xf32, #tpu.memory_space<vmem_shared>>) dst(%arg13 : memref<64x128xf32, #tpu.memory_space<vmem>>)
        tpu.yield
      }) : () -> ()
      "tpu.region"() ({
        %run_scoped3A = tpu.sem_alloc : memref<!tpu.dma_semaphore, #tpu.memory_space<semaphore_mem>>
        %dma_start3A = arith.constant 0 : i32
        %dma_start3A_122 = tpu.memref_slice %arg7[%add3A_105, %dma_start3A] : memref<10112x128xf32, #tpu.memory_space<hbm>> -> memref<64x128xf32, #tpu.memory_space<hbm>>
        %dma_start3A_123 = arith.constant 0 : i32
        %dma_start3A_124 = tpu.memref_slice %arg7[%add3A_105, %dma_start3A_123] : memref<10112x128xf32, #tpu.memory_space<hbm>> -> memref<64x128xf32, #tpu.memory_space<hbm>>
        tpu.enqueue_dma source(%arg13 : memref<64x128xf32, #tpu.memory_space<vmem>>) target(%dma_start3A_124 : memref<64x128xf32, #tpu.memory_space<hbm>>) target_semaphore(%run_scoped3A : memref<!tpu.dma_semaphore, #tpu.memory_space<semaphore_mem>>)
        %dma_wait3A = arith.constant 0 : i32
        %dma_wait3A_125 = tpu.memref_slice %arg7[%add3A_105, %dma_wait3A] : memref<10112x128xf32, #tpu.memory_space<hbm>> -> memref<64x128xf32, #tpu.memory_space<hbm>>
        %dma_wait3A_126 = arith.constant 0 : i32
        %dma_wait3A_127 = tpu.memref_slice %arg7[%add3A_105, %dma_wait3A_126] : memref<10112x128xf32, #tpu.memory_space<hbm>> -> memref<64x128xf32, #tpu.memory_space<hbm>>
        tpu.wait_dma2 semaphore(%run_scoped3A : memref<!tpu.dma_semaphore, #tpu.memory_space<semaphore_mem>>) src(%arg13 : memref<64x128xf32, #tpu.memory_space<vmem>>) dst(%dma_wait3A_127 : memref<64x128xf32, #tpu.memory_space<hbm>>)
        tpu.yield
      }) : () -> ()
      %add3A_106 = arith.constant 128 : i32
      %add3A_107 = arith.addi %mul3A_0, %add3A_106 : i32
      "tpu.region"() ({
        %run_scoped3A = tpu.sem_alloc : memref<!tpu.dma_semaphore, #tpu.memory_space<semaphore_mem>>
        %dma_start3A = arith.constant 0 : i32
        %dma_start3A_122 = tpu.memref_slice %arg15[%add3A_107, %dma_start3A] : memref<10112x128xf32, #tpu.memory_space<vmem_shared>> -> memref<64x128xf32, #tpu.memory_space<vmem_shared>>
        %dma_start3A_123 = arith.constant 0 : i32
        %dma_start3A_124 = tpu.memref_slice %arg15[%add3A_107, %dma_start3A_123] : memref<10112x128xf32, #tpu.memory_space<vmem_shared>> -> memref<64x128xf32, #tpu.memory_space<vmem_shared>>
        tpu.enqueue_dma source(%dma_start3A_124 : memref<64x128xf32, #tpu.memory_space<vmem_shared>>) target(%arg13 : memref<64x128xf32, #tpu.memory_space<vmem>>) target_semaphore(%run_scoped3A : memref<!tpu.dma_semaphore, #tpu.memory_space<semaphore_mem>>)
        %dma_wait3A = arith.constant 0 : i32
        %dma_wait3A_125 = tpu.memref_slice %arg15[%add3A_107, %dma_wait3A] : memref<10112x128xf32, #tpu.memory_space<vmem_shared>> -> memref<64x128xf32, #tpu.memory_space<vmem_shared>>
        %dma_wait3A_126 = arith.constant 0 : i32
        %dma_wait3A_127 = tpu.memref_slice %arg15[%add3A_107, %dma_wait3A_126] : memref<10112x128xf32, #tpu.memory_space<vmem_shared>> -> memref<64x128xf32, #tpu.memory_space<vmem_shared>>
        tpu.wait_dma2 semaphore(%run_scoped3A : memref<!tpu.dma_semaphore, #tpu.memory_space<semaphore_mem>>) src(%dma_wait3A_127 : memref<64x128xf32, #tpu.memory_space<vmem_shared>>) dst(%arg13 : memref<64x128xf32, #tpu.memory_space<vmem>>)
        tpu.yield
      }) : () -> ()
      "tpu.region"() ({
        %run_scoped3A = tpu.sem_alloc : memref<!tpu.dma_semaphore, #tpu.memory_space<semaphore_mem>>
        %dma_start3A = arith.constant 0 : i32
        %dma_start3A_122 = tpu.memref_slice %arg7[%add3A_107, %dma_start3A] : memref<10112x128xf32, #tpu.memory_space<hbm>> -> memref<64x128xf32, #tpu.memory_space<hbm>>
        %dma_start3A_123 = arith.constant 0 : i32
        %dma_start3A_124 = tpu.memref_slice %arg7[%add3A_107, %dma_start3A_123] : memref<10112x128xf32, #tpu.memory_space<hbm>> -> memref<64x128xf32, #tpu.memory_space<hbm>>
        tpu.enqueue_dma source(%arg13 : memref<64x128xf32, #tpu.memory_space<vmem>>) target(%dma_start3A_124 : memref<64x128xf32, #tpu.memory_space<hbm>>) target_semaphore(%run_scoped3A : memref<!tpu.dma_semaphore, #tpu.memory_space<semaphore_mem>>)
        %dma_wait3A = arith.constant 0 : i32
        %dma_wait3A_125 = tpu.memref_slice %arg7[%add3A_107, %dma_wait3A] : memref<10112x128xf32, #tpu.memory_space<hbm>> -> memref<64x128xf32, #tpu.memory_space<hbm>>
        %dma_wait3A_126 = arith.constant 0 : i32
        %dma_wait3A_127 = tpu.memref_slice %arg7[%add3A_107, %dma_wait3A_126] : memref<10112x128xf32, #tpu.memory_space<hbm>> -> memref<64x128xf32, #tpu.memory_space<hbm>>
        tpu.wait_dma2 semaphore(%run_scoped3A : memref<!tpu.dma_semaphore, #tpu.memory_space<semaphore_mem>>) src(%arg13 : memref<64x128xf32, #tpu.memory_space<vmem>>) dst(%dma_wait3A_127 : memref<64x128xf32, #tpu.memory_space<hbm>>)
        tpu.yield
      }) : () -> ()
      %add3A_108 = arith.constant 192 : i32
      %add3A_109 = arith.addi %mul3A_0, %add3A_108 : i32
      "tpu.region"() ({
        %run_scoped3A = tpu.sem_alloc : memref<!tpu.dma_semaphore, #tpu.memory_space<semaphore_mem>>
        %dma_start3A = arith.constant 0 : i32
        %dma_start3A_122 = tpu.memref_slice %arg15[%add3A_109, %dma_start3A] : memref<10112x128xf32, #tpu.memory_space<vmem_shared>> -> memref<64x128xf32, #tpu.memory_space<vmem_shared>>
        %dma_start3A_123 = arith.constant 0 : i32
        %dma_start3A_124 = tpu.memref_slice %arg15[%add3A_109, %dma_start3A_123] : memref<10112x128xf32, #tpu.memory_space<vmem_shared>> -> memref<64x128xf32, #tpu.memory_space<vmem_shared>>
        tpu.enqueue_dma source(%dma_start3A_124 : memref<64x128xf32, #tpu.memory_space<vmem_shared>>) target(%arg13 : memref<64x128xf32, #tpu.memory_space<vmem>>) target_semaphore(%run_scoped3A : memref<!tpu.dma_semaphore, #tpu.memory_space<semaphore_mem>>)
        %dma_wait3A = arith.constant 0 : i32
        %dma_wait3A_125 = tpu.memref_slice %arg15[%add3A_109, %dma_wait3A] : memref<10112x128xf32, #tpu.memory_space<vmem_shared>> -> memref<64x128xf32, #tpu.memory_space<vmem_shared>>
        %dma_wait3A_126 = arith.constant 0 : i32
        %dma_wait3A_127 = tpu.memref_slice %arg15[%add3A_109, %dma_wait3A_126] : memref<10112x128xf32, #tpu.memory_space<vmem_shared>> -> memref<64x128xf32, #tpu.memory_space<vmem_shared>>
        tpu.wait_dma2 semaphore(%run_scoped3A : memref<!tpu.dma_semaphore, #tpu.memory_space<semaphore_mem>>) src(%dma_wait3A_127 : memref<64x128xf32, #tpu.memory_space<vmem_shared>>) dst(%arg13 : memref<64x128xf32, #tpu.memory_space<vmem>>)
        tpu.yield
      }) : () -> ()
      "tpu.region"() ({
        %run_scoped3A = tpu.sem_alloc : memref<!tpu.dma_semaphore, #tpu.memory_space<semaphore_mem>>
        %dma_start3A = arith.constant 0 : i32
        %dma_start3A_122 = tpu.memref_slice %arg7[%add3A_109, %dma_start3A] : memref<10112x128xf32, #tpu.memory_space<hbm>> -> memref<64x128xf32, #tpu.memory_space<hbm>>
        %dma_start3A_123 = arith.constant 0 : i32
        %dma_start3A_124 = tpu.memref_slice %arg7[%add3A_109, %dma_start3A_123] : memref<10112x128xf32, #tpu.memory_space<hbm>> -> memref<64x128xf32, #tpu.memory_space<hbm>>
        tpu.enqueue_dma source(%arg13 : memref<64x128xf32, #tpu.memory_space<vmem>>) target(%dma_start3A_124 : memref<64x128xf32, #tpu.memory_space<hbm>>) target_semaphore(%run_scoped3A : memref<!tpu.dma_semaphore, #tpu.memory_space<semaphore_mem>>)
        %dma_wait3A = arith.constant 0 : i32
        %dma_wait3A_125 = tpu.memref_slice %arg7[%add3A_109, %dma_wait3A] : memref<10112x128xf32, #tpu.memory_space<hbm>> -> memref<64x128xf32, #tpu.memory_space<hbm>>
        %dma_wait3A_126 = arith.constant 0 : i32
        %dma_wait3A_127 = tpu.memref_slice %arg7[%add3A_109, %dma_wait3A_126] : memref<10112x128xf32, #tpu.memory_space<hbm>> -> memref<64x128xf32, #tpu.memory_space<hbm>>
        tpu.wait_dma2 semaphore(%run_scoped3A : memref<!tpu.dma_semaphore, #tpu.memory_space<semaphore_mem>>) src(%arg13 : memref<64x128xf32, #tpu.memory_space<vmem>>) dst(%dma_wait3A_127 : memref<64x128xf32, #tpu.memory_space<hbm>>)
        tpu.yield
      }) : () -> ()
      %add3A_110 = arith.constant 256 : i32
      %add3A_111 = arith.addi %mul3A_0, %add3A_110 : i32
      "tpu.region"() ({
        %run_scoped3A = tpu.sem_alloc : memref<!tpu.dma_semaphore, #tpu.memory_space<semaphore_mem>>
        %dma_start3A = arith.constant 0 : i32
        %dma_start3A_122 = tpu.memref_slice %arg15[%add3A_111, %dma_start3A] : memref<10112x128xf32, #tpu.memory_space<vmem_shared>> -> memref<64x128xf32, #tpu.memory_space<vmem_shared>>
        %dma_start3A_123 = arith.constant 0 : i32
        %dma_start3A_124 = tpu.memref_slice %arg15[%add3A_111, %dma_start3A_123] : memref<10112x128xf32, #tpu.memory_space<vmem_shared>> -> memref<64x128xf32, #tpu.memory_space<vmem_shared>>
        tpu.enqueue_dma source(%dma_start3A_124 : memref<64x128xf32, #tpu.memory_space<vmem_shared>>) target(%arg13 : memref<64x128xf32, #tpu.memory_space<vmem>>) target_semaphore(%run_scoped3A : memref<!tpu.dma_semaphore, #tpu.memory_space<semaphore_mem>>)
        %dma_wait3A = arith.constant 0 : i32
        %dma_wait3A_125 = tpu.memref_slice %arg15[%add3A_111, %dma_wait3A] : memref<10112x128xf32, #tpu.memory_space<vmem_shared>> -> memref<64x128xf32, #tpu.memory_space<vmem_shared>>
        %dma_wait3A_126 = arith.constant 0 : i32
        %dma_wait3A_127 = tpu.memref_slice %arg15[%add3A_111, %dma_wait3A_126] : memref<10112x128xf32, #tpu.memory_space<vmem_shared>> -> memref<64x128xf32, #tpu.memory_space<vmem_shared>>
        tpu.wait_dma2 semaphore(%run_scoped3A : memref<!tpu.dma_semaphore, #tpu.memory_space<semaphore_mem>>) src(%dma_wait3A_127 : memref<64x128xf32, #tpu.memory_space<vmem_shared>>) dst(%arg13 : memref<64x128xf32, #tpu.memory_space<vmem>>)
        tpu.yield
      }) : () -> ()
      "tpu.region"() ({
        %run_scoped3A = tpu.sem_alloc : memref<!tpu.dma_semaphore, #tpu.memory_space<semaphore_mem>>
        %dma_start3A = arith.constant 0 : i32
        %dma_start3A_122 = tpu.memref_slice %arg7[%add3A_111, %dma_start3A] : memref<10112x128xf32, #tpu.memory_space<hbm>> -> memref<64x128xf32, #tpu.memory_space<hbm>>
        %dma_start3A_123 = arith.constant 0 : i32
        %dma_start3A_124 = tpu.memref_slice %arg7[%add3A_111, %dma_start3A_123] : memref<10112x128xf32, #tpu.memory_space<hbm>> -> memref<64x128xf32, #tpu.memory_space<hbm>>
        tpu.enqueue_dma source(%arg13 : memref<64x128xf32, #tpu.memory_space<vmem>>) target(%dma_start3A_124 : memref<64x128xf32, #tpu.memory_space<hbm>>) target_semaphore(%run_scoped3A : memref<!tpu.dma_semaphore, #tpu.memory_space<semaphore_mem>>)
        %dma_wait3A = arith.constant 0 : i32
        %dma_wait3A_125 = tpu.memref_slice %arg7[%add3A_111, %dma_wait3A] : memref<10112x128xf32, #tpu.memory_space<hbm>> -> memref<64x128xf32, #tpu.memory_space<hbm>>
        %dma_wait3A_126 = arith.constant 0 : i32
        %dma_wait3A_127 = tpu.memref_slice %arg7[%add3A_111, %dma_wait3A_126] : memref<10112x128xf32, #tpu.memory_space<hbm>> -> memref<64x128xf32, #tpu.memory_space<hbm>>
        tpu.wait_dma2 semaphore(%run_scoped3A : memref<!tpu.dma_semaphore, #tpu.memory_space<semaphore_mem>>) src(%arg13 : memref<64x128xf32, #tpu.memory_space<vmem>>) dst(%dma_wait3A_127 : memref<64x128xf32, #tpu.memory_space<hbm>>)
        tpu.yield
      }) : () -> ()
      %add3A_112 = arith.constant 320 : i32
      %add3A_113 = arith.addi %mul3A_0, %add3A_112 : i32
      "tpu.region"() ({
        %run_scoped3A = tpu.sem_alloc : memref<!tpu.dma_semaphore, #tpu.memory_space<semaphore_mem>>
        %dma_start3A = arith.constant 0 : i32
        %dma_start3A_122 = tpu.memref_slice %arg15[%add3A_113, %dma_start3A] : memref<10112x128xf32, #tpu.memory_space<vmem_shared>> -> memref<64x128xf32, #tpu.memory_space<vmem_shared>>
        %dma_start3A_123 = arith.constant 0 : i32
        %dma_start3A_124 = tpu.memref_slice %arg15[%add3A_113, %dma_start3A_123] : memref<10112x128xf32, #tpu.memory_space<vmem_shared>> -> memref<64x128xf32, #tpu.memory_space<vmem_shared>>
        tpu.enqueue_dma source(%dma_start3A_124 : memref<64x128xf32, #tpu.memory_space<vmem_shared>>) target(%arg13 : memref<64x128xf32, #tpu.memory_space<vmem>>) target_semaphore(%run_scoped3A : memref<!tpu.dma_semaphore, #tpu.memory_space<semaphore_mem>>)
        %dma_wait3A = arith.constant 0 : i32
        %dma_wait3A_125 = tpu.memref_slice %arg15[%add3A_113, %dma_wait3A] : memref<10112x128xf32, #tpu.memory_space<vmem_shared>> -> memref<64x128xf32, #tpu.memory_space<vmem_shared>>
        %dma_wait3A_126 = arith.constant 0 : i32
        %dma_wait3A_127 = tpu.memref_slice %arg15[%add3A_113, %dma_wait3A_126] : memref<10112x128xf32, #tpu.memory_space<vmem_shared>> -> memref<64x128xf32, #tpu.memory_space<vmem_shared>>
        tpu.wait_dma2 semaphore(%run_scoped3A : memref<!tpu.dma_semaphore, #tpu.memory_space<semaphore_mem>>) src(%dma_wait3A_127 : memref<64x128xf32, #tpu.memory_space<vmem_shared>>) dst(%arg13 : memref<64x128xf32, #tpu.memory_space<vmem>>)
        tpu.yield
      }) : () -> ()
      "tpu.region"() ({
        %run_scoped3A = tpu.sem_alloc : memref<!tpu.dma_semaphore, #tpu.memory_space<semaphore_mem>>
        %dma_start3A = arith.constant 0 : i32
        %dma_start3A_122 = tpu.memref_slice %arg7[%add3A_113, %dma_start3A] : memref<10112x128xf32, #tpu.memory_space<hbm>> -> memref<64x128xf32, #tpu.memory_space<hbm>>
        %dma_start3A_123 = arith.constant 0 : i32
        %dma_start3A_124 = tpu.memref_slice %arg7[%add3A_113, %dma_start3A_123] : memref<10112x128xf32, #tpu.memory_space<hbm>> -> memref<64x128xf32, #tpu.memory_space<hbm>>
        tpu.enqueue_dma source(%arg13 : memref<64x128xf32, #tpu.memory_space<vmem>>) target(%dma_start3A_124 : memref<64x128xf32, #tpu.memory_space<hbm>>) target_semaphore(%run_scoped3A : memref<!tpu.dma_semaphore, #tpu.memory_space<semaphore_mem>>)
        %dma_wait3A = arith.constant 0 : i32
        %dma_wait3A_125 = tpu.memref_slice %arg7[%add3A_113, %dma_wait3A] : memref<10112x128xf32, #tpu.memory_space<hbm>> -> memref<64x128xf32, #tpu.memory_space<hbm>>
        %dma_wait3A_126 = arith.constant 0 : i32
        %dma_wait3A_127 = tpu.memref_slice %arg7[%add3A_113, %dma_wait3A_126] : memref<10112x128xf32, #tpu.memory_space<hbm>> -> memref<64x128xf32, #tpu.memory_space<hbm>>
        tpu.wait_dma2 semaphore(%run_scoped3A : memref<!tpu.dma_semaphore, #tpu.memory_space<semaphore_mem>>) src(%arg13 : memref<64x128xf32, #tpu.memory_space<vmem>>) dst(%dma_wait3A_127 : memref<64x128xf32, #tpu.memory_space<hbm>>)
        tpu.yield
      }) : () -> ()
      %add3A_114 = arith.constant 384 : i32
      %add3A_115 = arith.addi %mul3A_0, %add3A_114 : i32
      "tpu.region"() ({
        %run_scoped3A = tpu.sem_alloc : memref<!tpu.dma_semaphore, #tpu.memory_space<semaphore_mem>>
        %dma_start3A = arith.constant 0 : i32
        %dma_start3A_122 = tpu.memref_slice %arg15[%add3A_115, %dma_start3A] : memref<10112x128xf32, #tpu.memory_space<vmem_shared>> -> memref<64x128xf32, #tpu.memory_space<vmem_shared>>
        %dma_start3A_123 = arith.constant 0 : i32
        %dma_start3A_124 = tpu.memref_slice %arg15[%add3A_115, %dma_start3A_123] : memref<10112x128xf32, #tpu.memory_space<vmem_shared>> -> memref<64x128xf32, #tpu.memory_space<vmem_shared>>
        tpu.enqueue_dma source(%dma_start3A_124 : memref<64x128xf32, #tpu.memory_space<vmem_shared>>) target(%arg13 : memref<64x128xf32, #tpu.memory_space<vmem>>) target_semaphore(%run_scoped3A : memref<!tpu.dma_semaphore, #tpu.memory_space<semaphore_mem>>)
        %dma_wait3A = arith.constant 0 : i32
        %dma_wait3A_125 = tpu.memref_slice %arg15[%add3A_115, %dma_wait3A] : memref<10112x128xf32, #tpu.memory_space<vmem_shared>> -> memref<64x128xf32, #tpu.memory_space<vmem_shared>>
        %dma_wait3A_126 = arith.constant 0 : i32
        %dma_wait3A_127 = tpu.memref_slice %arg15[%add3A_115, %dma_wait3A_126] : memref<10112x128xf32, #tpu.memory_space<vmem_shared>> -> memref<64x128xf32, #tpu.memory_space<vmem_shared>>
        tpu.wait_dma2 semaphore(%run_scoped3A : memref<!tpu.dma_semaphore, #tpu.memory_space<semaphore_mem>>) src(%dma_wait3A_127 : memref<64x128xf32, #tpu.memory_space<vmem_shared>>) dst(%arg13 : memref<64x128xf32, #tpu.memory_space<vmem>>)
        tpu.yield
      }) : () -> ()
      "tpu.region"() ({
        %run_scoped3A = tpu.sem_alloc : memref<!tpu.dma_semaphore, #tpu.memory_space<semaphore_mem>>
        %dma_start3A = arith.constant 0 : i32
        %dma_start3A_122 = tpu.memref_slice %arg7[%add3A_115, %dma_start3A] : memref<10112x128xf32, #tpu.memory_space<hbm>> -> memref<64x128xf32, #tpu.memory_space<hbm>>
        %dma_start3A_123 = arith.constant 0 : i32
        %dma_start3A_124 = tpu.memref_slice %arg7[%add3A_115, %dma_start3A_123] : memref<10112x128xf32, #tpu.memory_space<hbm>> -> memref<64x128xf32, #tpu.memory_space<hbm>>
        tpu.enqueue_dma source(%arg13 : memref<64x128xf32, #tpu.memory_space<vmem>>) target(%dma_start3A_124 : memref<64x128xf32, #tpu.memory_space<hbm>>) target_semaphore(%run_scoped3A : memref<!tpu.dma_semaphore, #tpu.memory_space<semaphore_mem>>)
        %dma_wait3A = arith.constant 0 : i32
        %dma_wait3A_125 = tpu.memref_slice %arg7[%add3A_115, %dma_wait3A] : memref<10112x128xf32, #tpu.memory_space<hbm>> -> memref<64x128xf32, #tpu.memory_space<hbm>>
        %dma_wait3A_126 = arith.constant 0 : i32
        %dma_wait3A_127 = tpu.memref_slice %arg7[%add3A_115, %dma_wait3A_126] : memref<10112x128xf32, #tpu.memory_space<hbm>> -> memref<64x128xf32, #tpu.memory_space<hbm>>
        tpu.wait_dma2 semaphore(%run_scoped3A : memref<!tpu.dma_semaphore, #tpu.memory_space<semaphore_mem>>) src(%arg13 : memref<64x128xf32, #tpu.memory_space<vmem>>) dst(%dma_wait3A_127 : memref<64x128xf32, #tpu.memory_space<hbm>>)
        tpu.yield
      }) : () -> ()
      %add3A_116 = arith.constant 448 : i32
      %add3A_117 = arith.addi %mul3A_0, %add3A_116 : i32
      "tpu.region"() ({
        %run_scoped3A = tpu.sem_alloc : memref<!tpu.dma_semaphore, #tpu.memory_space<semaphore_mem>>
        %dma_start3A = arith.constant 0 : i32
        %dma_start3A_122 = tpu.memref_slice %arg15[%add3A_117, %dma_start3A] : memref<10112x128xf32, #tpu.memory_space<vmem_shared>> -> memref<64x128xf32, #tpu.memory_space<vmem_shared>>
        %dma_start3A_123 = arith.constant 0 : i32
        %dma_start3A_124 = tpu.memref_slice %arg15[%add3A_117, %dma_start3A_123] : memref<10112x128xf32, #tpu.memory_space<vmem_shared>> -> memref<64x128xf32, #tpu.memory_space<vmem_shared>>
        tpu.enqueue_dma source(%dma_start3A_124 : memref<64x128xf32, #tpu.memory_space<vmem_shared>>) target(%arg13 : memref<64x128xf32, #tpu.memory_space<vmem>>) target_semaphore(%run_scoped3A : memref<!tpu.dma_semaphore, #tpu.memory_space<semaphore_mem>>)
        %dma_wait3A = arith.constant 0 : i32
        %dma_wait3A_125 = tpu.memref_slice %arg15[%add3A_117, %dma_wait3A] : memref<10112x128xf32, #tpu.memory_space<vmem_shared>> -> memref<64x128xf32, #tpu.memory_space<vmem_shared>>
        %dma_wait3A_126 = arith.constant 0 : i32
        %dma_wait3A_127 = tpu.memref_slice %arg15[%add3A_117, %dma_wait3A_126] : memref<10112x128xf32, #tpu.memory_space<vmem_shared>> -> memref<64x128xf32, #tpu.memory_space<vmem_shared>>
        tpu.wait_dma2 semaphore(%run_scoped3A : memref<!tpu.dma_semaphore, #tpu.memory_space<semaphore_mem>>) src(%dma_wait3A_127 : memref<64x128xf32, #tpu.memory_space<vmem_shared>>) dst(%arg13 : memref<64x128xf32, #tpu.memory_space<vmem>>)
        tpu.yield
      }) : () -> ()
      "tpu.region"() ({
        %run_scoped3A = tpu.sem_alloc : memref<!tpu.dma_semaphore, #tpu.memory_space<semaphore_mem>>
        %dma_start3A = arith.constant 0 : i32
        %dma_start3A_122 = tpu.memref_slice %arg7[%add3A_117, %dma_start3A] : memref<10112x128xf32, #tpu.memory_space<hbm>> -> memref<64x128xf32, #tpu.memory_space<hbm>>
        %dma_start3A_123 = arith.constant 0 : i32
        %dma_start3A_124 = tpu.memref_slice %arg7[%add3A_117, %dma_start3A_123] : memref<10112x128xf32, #tpu.memory_space<hbm>> -> memref<64x128xf32, #tpu.memory_space<hbm>>
        tpu.enqueue_dma source(%arg13 : memref<64x128xf32, #tpu.memory_space<vmem>>) target(%dma_start3A_124 : memref<64x128xf32, #tpu.memory_space<hbm>>) target_semaphore(%run_scoped3A : memref<!tpu.dma_semaphore, #tpu.memory_space<semaphore_mem>>)
        %dma_wait3A = arith.constant 0 : i32
        %dma_wait3A_125 = tpu.memref_slice %arg7[%add3A_117, %dma_wait3A] : memref<10112x128xf32, #tpu.memory_space<hbm>> -> memref<64x128xf32, #tpu.memory_space<hbm>>
        %dma_wait3A_126 = arith.constant 0 : i32
        %dma_wait3A_127 = tpu.memref_slice %arg7[%add3A_117, %dma_wait3A_126] : memref<10112x128xf32, #tpu.memory_space<hbm>> -> memref<64x128xf32, #tpu.memory_space<hbm>>
        tpu.wait_dma2 semaphore(%run_scoped3A : memref<!tpu.dma_semaphore, #tpu.memory_space<semaphore_mem>>) src(%arg13 : memref<64x128xf32, #tpu.memory_space<vmem>>) dst(%dma_wait3A_127 : memref<64x128xf32, #tpu.memory_space<hbm>>)
        tpu.yield
      }) : () -> ()
      %add3A_118 = arith.constant 512 : i32
      %add3A_119 = arith.addi %mul3A_0, %add3A_118 : i32
      "tpu.region"() ({
        %run_scoped3A = tpu.sem_alloc : memref<!tpu.dma_semaphore, #tpu.memory_space<semaphore_mem>>
        %dma_start3A = arith.constant 0 : i32
        %dma_start3A_122 = tpu.memref_slice %arg15[%add3A_119, %dma_start3A] : memref<10112x128xf32, #tpu.memory_space<vmem_shared>> -> memref<64x128xf32, #tpu.memory_space<vmem_shared>>
        %dma_start3A_123 = arith.constant 0 : i32
        %dma_start3A_124 = tpu.memref_slice %arg15[%add3A_119, %dma_start3A_123] : memref<10112x128xf32, #tpu.memory_space<vmem_shared>> -> memref<64x128xf32, #tpu.memory_space<vmem_shared>>
        tpu.enqueue_dma source(%dma_start3A_124 : memref<64x128xf32, #tpu.memory_space<vmem_shared>>) target(%arg13 : memref<64x128xf32, #tpu.memory_space<vmem>>) target_semaphore(%run_scoped3A : memref<!tpu.dma_semaphore, #tpu.memory_space<semaphore_mem>>)
        %dma_wait3A = arith.constant 0 : i32
        %dma_wait3A_125 = tpu.memref_slice %arg15[%add3A_119, %dma_wait3A] : memref<10112x128xf32, #tpu.memory_space<vmem_shared>> -> memref<64x128xf32, #tpu.memory_space<vmem_shared>>
        %dma_wait3A_126 = arith.constant 0 : i32
        %dma_wait3A_127 = tpu.memref_slice %arg15[%add3A_119, %dma_wait3A_126] : memref<10112x128xf32, #tpu.memory_space<vmem_shared>> -> memref<64x128xf32, #tpu.memory_space<vmem_shared>>
        tpu.wait_dma2 semaphore(%run_scoped3A : memref<!tpu.dma_semaphore, #tpu.memory_space<semaphore_mem>>) src(%dma_wait3A_127 : memref<64x128xf32, #tpu.memory_space<vmem_shared>>) dst(%arg13 : memref<64x128xf32, #tpu.memory_space<vmem>>)
        tpu.yield
      }) : () -> ()
      "tpu.region"() ({
        %run_scoped3A = tpu.sem_alloc : memref<!tpu.dma_semaphore, #tpu.memory_space<semaphore_mem>>
        %dma_start3A = arith.constant 0 : i32
        %dma_start3A_122 = tpu.memref_slice %arg7[%add3A_119, %dma_start3A] : memref<10112x128xf32, #tpu.memory_space<hbm>> -> memref<64x128xf32, #tpu.memory_space<hbm>>
        %dma_start3A_123 = arith.constant 0 : i32
        %dma_start3A_124 = tpu.memref_slice %arg7[%add3A_119, %dma_start3A_123] : memref<10112x128xf32, #tpu.memory_space<hbm>> -> memref<64x128xf32, #tpu.memory_space<hbm>>
        tpu.enqueue_dma source(%arg13 : memref<64x128xf32, #tpu.memory_space<vmem>>) target(%dma_start3A_124 : memref<64x128xf32, #tpu.memory_space<hbm>>) target_semaphore(%run_scoped3A : memref<!tpu.dma_semaphore, #tpu.memory_space<semaphore_mem>>)
        %dma_wait3A = arith.constant 0 : i32
        %dma_wait3A_125 = tpu.memref_slice %arg7[%add3A_119, %dma_wait3A] : memref<10112x128xf32, #tpu.memory_space<hbm>> -> memref<64x128xf32, #tpu.memory_space<hbm>>
        %dma_wait3A_126 = arith.constant 0 : i32
        %dma_wait3A_127 = tpu.memref_slice %arg7[%add3A_119, %dma_wait3A_126] : memref<10112x128xf32, #tpu.memory_space<hbm>> -> memref<64x128xf32, #tpu.memory_space<hbm>>
        tpu.wait_dma2 semaphore(%run_scoped3A : memref<!tpu.dma_semaphore, #tpu.memory_space<semaphore_mem>>) src(%arg13 : memref<64x128xf32, #tpu.memory_space<vmem>>) dst(%dma_wait3A_127 : memref<64x128xf32, #tpu.memory_space<hbm>>)
        tpu.yield
      }) : () -> ()
      %add3A_120 = arith.constant 576 : i32
      %add3A_121 = arith.addi %mul3A_0, %add3A_120 : i32
      "tpu.region"() ({
        %run_scoped3A = tpu.sem_alloc : memref<!tpu.dma_semaphore, #tpu.memory_space<semaphore_mem>>
        %dma_start3A = arith.constant 0 : i32
        %dma_start3A_122 = arith.constant 0 : i32
        %dma_start3A_123 = tpu.memref_slice %arg13[%dma_start3A, %dma_start3A_122] : memref<64x128xf32, #tpu.memory_space<vmem>> -> memref<56x128xf32, #tpu.memory_space<vmem>>
        %dma_start3A_124 = arith.constant 0 : i32
        %dma_start3A_125 = tpu.memref_slice %arg15[%add3A_121, %dma_start3A_124] : memref<10112x128xf32, #tpu.memory_space<vmem_shared>> -> memref<56x128xf32, #tpu.memory_space<vmem_shared>>
        %dma_start3A_126 = arith.constant 0 : i32
        %dma_start3A_127 = arith.constant 0 : i32
        %dma_start3A_128 = tpu.memref_slice %arg13[%dma_start3A_126, %dma_start3A_127] : memref<64x128xf32, #tpu.memory_space<vmem>> -> memref<56x128xf32, #tpu.memory_space<vmem>>
        %dma_start3A_129 = arith.constant 0 : i32
        %dma_start3A_130 = tpu.memref_slice %arg15[%add3A_121, %dma_start3A_129] : memref<10112x128xf32, #tpu.memory_space<vmem_shared>> -> memref<56x128xf32, #tpu.memory_space<vmem_shared>>
        tpu.enqueue_dma source(%dma_start3A_130 : memref<56x128xf32, #tpu.memory_space<vmem_shared>>) target(%dma_start3A_128 : memref<56x128xf32, #tpu.memory_space<vmem>>) target_semaphore(%run_scoped3A : memref<!tpu.dma_semaphore, #tpu.memory_space<semaphore_mem>>)
        %dma_wait3A = arith.constant 0 : i32
        %dma_wait3A_131 = arith.constant 0 : i32
        %dma_wait3A_132 = tpu.memref_slice %arg13[%dma_wait3A, %dma_wait3A_131] : memref<64x128xf32, #tpu.memory_space<vmem>> -> memref<56x128xf32, #tpu.memory_space<vmem>>
        %dma_wait3A_133 = arith.constant 0 : i32
        %dma_wait3A_134 = tpu.memref_slice %arg15[%add3A_121, %dma_wait3A_133] : memref<10112x128xf32, #tpu.memory_space<vmem_shared>> -> memref<56x128xf32, #tpu.memory_space<vmem_shared>>
        %dma_wait3A_135 = arith.constant 0 : i32
        %dma_wait3A_136 = arith.constant 0 : i32
        %dma_wait3A_137 = tpu.memref_slice %arg13[%dma_wait3A_135, %dma_wait3A_136] : memref<64x128xf32, #tpu.memory_space<vmem>> -> memref<56x128xf32, #tpu.memory_space<vmem>>
        %dma_wait3A_138 = arith.constant 0 : i32
        %dma_wait3A_139 = tpu.memref_slice %arg15[%add3A_121, %dma_wait3A_138] : memref<10112x128xf32, #tpu.memory_space<vmem_shared>> -> memref<56x128xf32, #tpu.memory_space<vmem_shared>>
        tpu.wait_dma2 semaphore(%run_scoped3A : memref<!tpu.dma_semaphore, #tpu.memory_space<semaphore_mem>>) src(%dma_wait3A_139 : memref<56x128xf32, #tpu.memory_space<vmem_shared>>) dst(%dma_wait3A_137 : memref<56x128xf32, #tpu.memory_space<vmem>>)
        tpu.yield
      }) : () -> ()
      "tpu.region"() ({
        %run_scoped3A = tpu.sem_alloc : memref<!tpu.dma_semaphore, #tpu.memory_space<semaphore_mem>>
        %dma_start3A = arith.constant 0 : i32
        %dma_start3A_122 = arith.constant 0 : i32
        %dma_start3A_123 = tpu.memref_slice %arg13[%dma_start3A, %dma_start3A_122] : memref<64x128xf32, #tpu.memory_space<vmem>> -> memref<56x128xf32, #tpu.memory_space<vmem>>
        %dma_start3A_124 = arith.constant 0 : i32
        %dma_start3A_125 = tpu.memref_slice %arg7[%add3A_121, %dma_start3A_124] : memref<10112x128xf32, #tpu.memory_space<hbm>> -> memref<56x128xf32, #tpu.memory_space<hbm>>
        %dma_start3A_126 = arith.constant 0 : i32
        %dma_start3A_127 = tpu.memref_slice %arg7[%add3A_121, %dma_start3A_126] : memref<10112x128xf32, #tpu.memory_space<hbm>> -> memref<56x128xf32, #tpu.memory_space<hbm>>
        %dma_start3A_128 = arith.constant 0 : i32
        %dma_start3A_129 = arith.constant 0 : i32
        %dma_start3A_130 = tpu.memref_slice %arg13[%dma_start3A_128, %dma_start3A_129] : memref<64x128xf32, #tpu.memory_space<vmem>> -> memref<56x128xf32, #tpu.memory_space<vmem>>
        tpu.enqueue_dma source(%dma_start3A_130 : memref<56x128xf32, #tpu.memory_space<vmem>>) target(%dma_start3A_127 : memref<56x128xf32, #tpu.memory_space<hbm>>) target_semaphore(%run_scoped3A : memref<!tpu.dma_semaphore, #tpu.memory_space<semaphore_mem>>)
        %dma_wait3A = arith.constant 0 : i32
        %dma_wait3A_131 = arith.constant 0 : i32
        %dma_wait3A_132 = tpu.memref_slice %arg13[%dma_wait3A, %dma_wait3A_131] : memref<64x128xf32, #tpu.memory_space<vmem>> -> memref<56x128xf32, #tpu.memory_space<vmem>>
        %dma_wait3A_133 = arith.constant 0 : i32
        %dma_wait3A_134 = tpu.memref_slice %arg7[%add3A_121, %dma_wait3A_133] : memref<10112x128xf32, #tpu.memory_space<hbm>> -> memref<56x128xf32, #tpu.memory_space<hbm>>
        %dma_wait3A_135 = arith.constant 0 : i32
        %dma_wait3A_136 = tpu.memref_slice %arg7[%add3A_121, %dma_wait3A_135] : memref<10112x128xf32, #tpu.memory_space<hbm>> -> memref<56x128xf32, #tpu.memory_space<hbm>>
        %dma_wait3A_137 = arith.constant 0 : i32
        %dma_wait3A_138 = arith.constant 0 : i32
        %dma_wait3A_139 = tpu.memref_slice %arg13[%dma_wait3A_137, %dma_wait3A_138] : memref<64x128xf32, #tpu.memory_space<vmem>> -> memref<56x128xf32, #tpu.memory_space<vmem>>
        tpu.wait_dma2 semaphore(%run_scoped3A : memref<!tpu.dma_semaphore, #tpu.memory_space<semaphore_mem>>) src(%dma_wait3A_139 : memref<56x128xf32, #tpu.memory_space<vmem>>) dst(%dma_wait3A_136 : memref<56x128xf32, #tpu.memory_space<hbm>>)
        tpu.yield
      }) : () -> ()
    } else {
    }
    %barrier3A_46 = arith.constant 0 : index
    tpu.barrier barrier_id(%barrier3A_46)
    %scan3A_47 = arith.constant 0 : i32
    %scan3A_48 = arith.constant 0 : i32
    %scan3A_49 = arith.constant 64 : i32
    %scan3A_50 = arith.addi %scan3A_48, %scan3A_49 : i32
    %scan3A_51 = arith.constant 1 : i32
    scf.for %scan3A_102 = %scan3A_48 to %scan3A_50 step %scan3A_51  : i32 {
      %swap3A = arith.index_cast %scan3A_102 : i32 to index
      %swap3A_103 = arith.constant 0 : index
      %swap3A_104 = tpu.vector_load %arg14[%swap3A, %swap3A_103] {strides = array<i32>} : memref<64x128xf32, #tpu.memory_space<vmem>>, vector<1x16xf32>,
      %swap3A_105 = vector.shape_cast %swap3A_104 : vector<1x16xf32> to vector<16xf32>
      %swap3A_106 = vector.shape_cast %broadcast_in_dim3A_1 : vector<16xf32> to vector<1x16xf32>
      tpu.vector_store %arg14[%swap3A, %swap3A_103], %swap3A_106 {strides = array<i32>} : memref<64x128xf32, #tpu.memory_space<vmem>>, vector<1x16xf32>,
      %swap3A_107 = arith.index_cast %scan3A_102 : i32 to index
      %swap3A_108 = arith.constant 16 : index
      %swap3A_109 = tpu.vector_load %arg14[%swap3A_107, %swap3A_108] {strides = array<i32>} : memref<64x128xf32, #tpu.memory_space<vmem>>, vector<1x16xf32>,
      %swap3A_110 = vector.shape_cast %swap3A_109 : vector<1x16xf32> to vector<16xf32>
      %swap3A_111 = vector.shape_cast %broadcast_in_dim3A_1 : vector<16xf32> to vector<1x16xf32>
      tpu.vector_store %arg14[%swap3A_107, %swap3A_108], %swap3A_111 {strides = array<i32>} : memref<64x128xf32, #tpu.memory_space<vmem>>, vector<1x16xf32>,
      %swap3A_112 = arith.index_cast %scan3A_102 : i32 to index
      %swap3A_113 = arith.constant 32 : index
      %swap3A_114 = tpu.vector_load %arg14[%swap3A_112, %swap3A_113] {strides = array<i32>} : memref<64x128xf32, #tpu.memory_space<vmem>>, vector<1x16xf32>,
      %swap3A_115 = vector.shape_cast %swap3A_114 : vector<1x16xf32> to vector<16xf32>
      %swap3A_116 = vector.shape_cast %broadcast_in_dim3A_1 : vector<16xf32> to vector<1x16xf32>
      tpu.vector_store %arg14[%swap3A_112, %swap3A_113], %swap3A_116 {strides = array<i32>} : memref<64x128xf32, #tpu.memory_space<vmem>>, vector<1x16xf32>,
      %swap3A_117 = arith.index_cast %scan3A_102 : i32 to index
      %swap3A_118 = arith.constant 48 : index
      %swap3A_119 = tpu.vector_load %arg14[%swap3A_117, %swap3A_118] {strides = array<i32>} : memref<64x128xf32, #tpu.memory_space<vmem>>, vector<1x16xf32>,
      %swap3A_120 = vector.shape_cast %swap3A_119 : vector<1x16xf32> to vector<16xf32>
      %swap3A_121 = vector.shape_cast %broadcast_in_dim3A_1 : vector<16xf32> to vector<1x16xf32>
      tpu.vector_store %arg14[%swap3A_117, %swap3A_118], %swap3A_121 {strides = array<i32>} : memref<64x128xf32, #tpu.memory_space<vmem>>, vector<1x16xf32>,
      %swap3A_122 = arith.index_cast %scan3A_102 : i32 to index
      %swap3A_123 = arith.constant 64 : index
      %swap3A_124 = tpu.vector_load %arg14[%swap3A_122, %swap3A_123] {strides = array<i32>} : memref<64x128xf32, #tpu.memory_space<vmem>>, vector<1x16xf32>,
      %swap3A_125 = vector.shape_cast %swap3A_124 : vector<1x16xf32> to vector<16xf32>
      %swap3A_126 = vector.shape_cast %broadcast_in_dim3A_1 : vector<16xf32> to vector<1x16xf32>
      tpu.vector_store %arg14[%swap3A_122, %swap3A_123], %swap3A_126 {strides = array<i32>} : memref<64x128xf32, #tpu.memory_space<vmem>>, vector<1x16xf32>,
      %swap3A_127 = arith.index_cast %scan3A_102 : i32 to index
      %swap3A_128 = arith.constant 80 : index
      %swap3A_129 = tpu.vector_load %arg14[%swap3A_127, %swap3A_128] {strides = array<i32>} : memref<64x128xf32, #tpu.memory_space<vmem>>, vector<1x16xf32>,
      %swap3A_130 = vector.shape_cast %swap3A_129 : vector<1x16xf32> to vector<16xf32>
      %swap3A_131 = vector.shape_cast %broadcast_in_dim3A_1 : vector<16xf32> to vector<1x16xf32>
      tpu.vector_store %arg14[%swap3A_127, %swap3A_128], %swap3A_131 {strides = array<i32>} : memref<64x128xf32, #tpu.memory_space<vmem>>, vector<1x16xf32>,
      %swap3A_132 = arith.index_cast %scan3A_102 : i32 to index
      %swap3A_133 = arith.constant 96 : index
      %swap3A_134 = tpu.vector_load %arg14[%swap3A_132, %swap3A_133] {strides = array<i32>} : memref<64x128xf32, #tpu.memory_space<vmem>>, vector<1x16xf32>,
      %swap3A_135 = vector.shape_cast %swap3A_134 : vector<1x16xf32> to vector<16xf32>
      %swap3A_136 = vector.shape_cast %broadcast_in_dim3A_1 : vector<16xf32> to vector<1x16xf32>
      tpu.vector_store %arg14[%swap3A_132, %swap3A_133], %swap3A_136 {strides = array<i32>} : memref<64x128xf32, #tpu.memory_space<vmem>>, vector<1x16xf32>,
      %swap3A_137 = arith.index_cast %scan3A_102 : i32 to index
      %swap3A_138 = arith.constant 112 : index
      %swap3A_139 = tpu.vector_load %arg14[%swap3A_137, %swap3A_138] {strides = array<i32>} : memref<64x128xf32, #tpu.memory_space<vmem>>, vector<1x16xf32>,
      %swap3A_140 = vector.shape_cast %swap3A_139 : vector<1x16xf32> to vector<16xf32>
      %swap3A_141 = vector.shape_cast %broadcast_in_dim3A_1 : vector<16xf32> to vector<1x16xf32>
      tpu.vector_store %arg14[%swap3A_137, %swap3A_138], %swap3A_141 {strides = array<i32>} : memref<64x128xf32, #tpu.memory_space<vmem>>, vector<1x16xf32>,
    }
    %scan3A_52 = arith.constant 64 : i32
    %add3A_53 = arith.constant 0 : i32
    %add3A_54 = arith.addi %mul3A_0, %add3A_53 : i32
    "tpu.region"() ({
      %run_scoped3A = tpu.sem_alloc : memref<!tpu.dma_semaphore, #tpu.memory_space<semaphore_mem>>
      %dma_start3A = arith.constant 0 : i32
      %dma_start3A_102 = tpu.memref_slice %arg15[%add3A_54, %dma_start3A] : memref<10112x128xf32, #tpu.memory_space<vmem_shared>> -> memref<64x128xf32, #tpu.memory_space<vmem_shared>>
      %dma_start3A_103 = arith.constant 0 : i32
      %dma_start3A_104 = tpu.memref_slice %arg15[%add3A_54, %dma_start3A_103] : memref<10112x128xf32, #tpu.memory_space<vmem_shared>> -> memref<64x128xf32, #tpu.memory_space<vmem_shared>>
      tpu.enqueue_dma source(%arg14 : memref<64x128xf32, #tpu.memory_space<vmem>>) target(%dma_start3A_104 : memref<64x128xf32, #tpu.memory_space<vmem_shared>>) target_semaphore(%run_scoped3A : memref<!tpu.dma_semaphore, #tpu.memory_space<semaphore_mem>>)
      %dma_wait3A = arith.constant 0 : i32
      %dma_wait3A_105 = tpu.memref_slice %arg15[%add3A_54, %dma_wait3A] : memref<10112x128xf32, #tpu.memory_space<vmem_shared>> -> memref<64x128xf32, #tpu.memory_space<vmem_shared>>
      %dma_wait3A_106 = arith.constant 0 : i32
      %dma_wait3A_107 = tpu.memref_slice %arg15[%add3A_54, %dma_wait3A_106] : memref<10112x128xf32, #tpu.memory_space<vmem_shared>> -> memref<64x128xf32, #tpu.memory_space<vmem_shared>>
      tpu.wait_dma2 semaphore(%run_scoped3A : memref<!tpu.dma_semaphore, #tpu.memory_space<semaphore_mem>>) src(%arg14 : memref<64x128xf32, #tpu.memory_space<vmem>>) dst(%dma_wait3A_107 : memref<64x128xf32, #tpu.memory_space<vmem_shared>>)
      tpu.yield
    }) : () -> ()
    %add3A_55 = arith.constant 64 : i32
    %add3A_56 = arith.addi %mul3A_0, %add3A_55 : i32
    "tpu.region"() ({
      %run_scoped3A = tpu.sem_alloc : memref<!tpu.dma_semaphore, #tpu.memory_space<semaphore_mem>>
      %dma_start3A = arith.constant 0 : i32
      %dma_start3A_102 = tpu.memref_slice %arg15[%add3A_56, %dma_start3A] : memref<10112x128xf32, #tpu.memory_space<vmem_shared>> -> memref<64x128xf32, #tpu.memory_space<vmem_shared>>
      %dma_start3A_103 = arith.constant 0 : i32
      %dma_start3A_104 = tpu.memref_slice %arg15[%add3A_56, %dma_start3A_103] : memref<10112x128xf32, #tpu.memory_space<vmem_shared>> -> memref<64x128xf32, #tpu.memory_space<vmem_shared>>
      tpu.enqueue_dma source(%arg14 : memref<64x128xf32, #tpu.memory_space<vmem>>) target(%dma_start3A_104 : memref<64x128xf32, #tpu.memory_space<vmem_shared>>) target_semaphore(%run_scoped3A : memref<!tpu.dma_semaphore, #tpu.memory_space<semaphore_mem>>)
      %dma_wait3A = arith.constant 0 : i32
      %dma_wait3A_105 = tpu.memref_slice %arg15[%add3A_56, %dma_wait3A] : memref<10112x128xf32, #tpu.memory_space<vmem_shared>> -> memref<64x128xf32, #tpu.memory_space<vmem_shared>>
      %dma_wait3A_106 = arith.constant 0 : i32
      %dma_wait3A_107 = tpu.memref_slice %arg15[%add3A_56, %dma_wait3A_106] : memref<10112x128xf32, #tpu.memory_space<vmem_shared>> -> memref<64x128xf32, #tpu.memory_space<vmem_shared>>
      tpu.wait_dma2 semaphore(%run_scoped3A : memref<!tpu.dma_semaphore, #tpu.memory_space<semaphore_mem>>) src(%arg14 : memref<64x128xf32, #tpu.memory_space<vmem>>) dst(%dma_wait3A_107 : memref<64x128xf32, #tpu.memory_space<vmem_shared>>)
      tpu.yield
    }) : () -> ()
    %add3A_57 = arith.constant 128 : i32
    %add3A_58 = arith.addi %mul3A_0, %add3A_57 : i32
    "tpu.region"() ({
      %run_scoped3A = tpu.sem_alloc : memref<!tpu.dma_semaphore, #tpu.memory_space<semaphore_mem>>
      %dma_start3A = arith.constant 0 : i32
      %dma_start3A_102 = tpu.memref_slice %arg15[%add3A_58, %dma_start3A] : memref<10112x128xf32, #tpu.memory_space<vmem_shared>> -> memref<64x128xf32, #tpu.memory_space<vmem_shared>>
      %dma_start3A_103 = arith.constant 0 : i32
      %dma_start3A_104 = tpu.memref_slice %arg15[%add3A_58, %dma_start3A_103] : memref<10112x128xf32, #tpu.memory_space<vmem_shared>> -> memref<64x128xf32, #tpu.memory_space<vmem_shared>>
      tpu.enqueue_dma source(%arg14 : memref<64x128xf32, #tpu.memory_space<vmem>>) target(%dma_start3A_104 : memref<64x128xf32, #tpu.memory_space<vmem_shared>>) target_semaphore(%run_scoped3A : memref<!tpu.dma_semaphore, #tpu.memory_space<semaphore_mem>>)
      %dma_wait3A = arith.constant 0 : i32
      %dma_wait3A_105 = tpu.memref_slice %arg15[%add3A_58, %dma_wait3A] : memref<10112x128xf32, #tpu.memory_space<vmem_shared>> -> memref<64x128xf32, #tpu.memory_space<vmem_shared>>
      %dma_wait3A_106 = arith.constant 0 : i32
      %dma_wait3A_107 = tpu.memref_slice %arg15[%add3A_58, %dma_wait3A_106] : memref<10112x128xf32, #tpu.memory_space<vmem_shared>> -> memref<64x128xf32, #tpu.memory_space<vmem_shared>>
      tpu.wait_dma2 semaphore(%run_scoped3A : memref<!tpu.dma_semaphore, #tpu.memory_space<semaphore_mem>>) src(%arg14 : memref<64x128xf32, #tpu.memory_space<vmem>>) dst(%dma_wait3A_107 : memref<64x128xf32, #tpu.memory_space<vmem_shared>>)
      tpu.yield
    }) : () -> ()
    %add3A_59 = arith.constant 192 : i32
    %add3A_60 = arith.addi %mul3A_0, %add3A_59 : i32
    "tpu.region"() ({
      %run_scoped3A = tpu.sem_alloc : memref<!tpu.dma_semaphore, #tpu.memory_space<semaphore_mem>>
      %dma_start3A = arith.constant 0 : i32
      %dma_start3A_102 = tpu.memref_slice %arg15[%add3A_60, %dma_start3A] : memref<10112x128xf32, #tpu.memory_space<vmem_shared>> -> memref<64x128xf32, #tpu.memory_space<vmem_shared>>
      %dma_start3A_103 = arith.constant 0 : i32
      %dma_start3A_104 = tpu.memref_slice %arg15[%add3A_60, %dma_start3A_103] : memref<10112x128xf32, #tpu.memory_space<vmem_shared>> -> memref<64x128xf32, #tpu.memory_space<vmem_shared>>
      tpu.enqueue_dma source(%arg14 : memref<64x128xf32, #tpu.memory_space<vmem>>) target(%dma_start3A_104 : memref<64x128xf32, #tpu.memory_space<vmem_shared>>) target_semaphore(%run_scoped3A : memref<!tpu.dma_semaphore, #tpu.memory_space<semaphore_mem>>)
      %dma_wait3A = arith.constant 0 : i32
      %dma_wait3A_105 = tpu.memref_slice %arg15[%add3A_60, %dma_wait3A] : memref<10112x128xf32, #tpu.memory_space<vmem_shared>> -> memref<64x128xf32, #tpu.memory_space<vmem_shared>>
      %dma_wait3A_106 = arith.constant 0 : i32
      %dma_wait3A_107 = tpu.memref_slice %arg15[%add3A_60, %dma_wait3A_106] : memref<10112x128xf32, #tpu.memory_space<vmem_shared>> -> memref<64x128xf32, #tpu.memory_space<vmem_shared>>
      tpu.wait_dma2 semaphore(%run_scoped3A : memref<!tpu.dma_semaphore, #tpu.memory_space<semaphore_mem>>) src(%arg14 : memref<64x128xf32, #tpu.memory_space<vmem>>) dst(%dma_wait3A_107 : memref<64x128xf32, #tpu.memory_space<vmem_shared>>)
      tpu.yield
    }) : () -> ()
    %add3A_61 = arith.constant 256 : i32
    %add3A_62 = arith.addi %mul3A_0, %add3A_61 : i32
    "tpu.region"() ({
      %run_scoped3A = tpu.sem_alloc : memref<!tpu.dma_semaphore, #tpu.memory_space<semaphore_mem>>
      %dma_start3A = arith.constant 0 : i32
      %dma_start3A_102 = tpu.memref_slice %arg15[%add3A_62, %dma_start3A] : memref<10112x128xf32, #tpu.memory_space<vmem_shared>> -> memref<64x128xf32, #tpu.memory_space<vmem_shared>>
      %dma_start3A_103 = arith.constant 0 : i32
      %dma_start3A_104 = tpu.memref_slice %arg15[%add3A_62, %dma_start3A_103] : memref<10112x128xf32, #tpu.memory_space<vmem_shared>> -> memref<64x128xf32, #tpu.memory_space<vmem_shared>>
      tpu.enqueue_dma source(%arg14 : memref<64x128xf32, #tpu.memory_space<vmem>>) target(%dma_start3A_104 : memref<64x128xf32, #tpu.memory_space<vmem_shared>>) target_semaphore(%run_scoped3A : memref<!tpu.dma_semaphore, #tpu.memory_space<semaphore_mem>>)
      %dma_wait3A = arith.constant 0 : i32
      %dma_wait3A_105 = tpu.memref_slice %arg15[%add3A_62, %dma_wait3A] : memref<10112x128xf32, #tpu.memory_space<vmem_shared>> -> memref<64x128xf32, #tpu.memory_space<vmem_shared>>
      %dma_wait3A_106 = arith.constant 0 : i32
      %dma_wait3A_107 = tpu.memref_slice %arg15[%add3A_62, %dma_wait3A_106] : memref<10112x128xf32, #tpu.memory_space<vmem_shared>> -> memref<64x128xf32, #tpu.memory_space<vmem_shared>>
      tpu.wait_dma2 semaphore(%run_scoped3A : memref<!tpu.dma_semaphore, #tpu.memory_space<semaphore_mem>>) src(%arg14 : memref<64x128xf32, #tpu.memory_space<vmem>>) dst(%dma_wait3A_107 : memref<64x128xf32, #tpu.memory_space<vmem_shared>>)
      tpu.yield
    }) : () -> ()
    %add3A_63 = arith.constant 320 : i32
    %add3A_64 = arith.addi %mul3A_0, %add3A_63 : i32
    "tpu.region"() ({
      %run_scoped3A = tpu.sem_alloc : memref<!tpu.dma_semaphore, #tpu.memory_space<semaphore_mem>>
      %dma_start3A = arith.constant 0 : i32
      %dma_start3A_102 = tpu.memref_slice %arg15[%add3A_64, %dma_start3A] : memref<10112x128xf32, #tpu.memory_space<vmem_shared>> -> memref<64x128xf32, #tpu.memory_space<vmem_shared>>
      %dma_start3A_103 = arith.constant 0 : i32
      %dma_start3A_104 = tpu.memref_slice %arg15[%add3A_64, %dma_start3A_103] : memref<10112x128xf32, #tpu.memory_space<vmem_shared>> -> memref<64x128xf32, #tpu.memory_space<vmem_shared>>
      tpu.enqueue_dma source(%arg14 : memref<64x128xf32, #tpu.memory_space<vmem>>) target(%dma_start3A_104 : memref<64x128xf32, #tpu.memory_space<vmem_shared>>) target_semaphore(%run_scoped3A : memref<!tpu.dma_semaphore, #tpu.memory_space<semaphore_mem>>)
      %dma_wait3A = arith.constant 0 : i32
      %dma_wait3A_105 = tpu.memref_slice %arg15[%add3A_64, %dma_wait3A] : memref<10112x128xf32, #tpu.memory_space<vmem_shared>> -> memref<64x128xf32, #tpu.memory_space<vmem_shared>>
      %dma_wait3A_106 = arith.constant 0 : i32
      %dma_wait3A_107 = tpu.memref_slice %arg15[%add3A_64, %dma_wait3A_106] : memref<10112x128xf32, #tpu.memory_space<vmem_shared>> -> memref<64x128xf32, #tpu.memory_space<vmem_shared>>
      tpu.wait_dma2 semaphore(%run_scoped3A : memref<!tpu.dma_semaphore, #tpu.memory_space<semaphore_mem>>) src(%arg14 : memref<64x128xf32, #tpu.memory_space<vmem>>) dst(%dma_wait3A_107 : memref<64x128xf32, #tpu.memory_space<vmem_shared>>)
      tpu.yield
    }) : () -> ()
    %add3A_65 = arith.constant 384 : i32
    %add3A_66 = arith.addi %mul3A_0, %add3A_65 : i32
    "tpu.region"() ({
      %run_scoped3A = tpu.sem_alloc : memref<!tpu.dma_semaphore, #tpu.memory_space<semaphore_mem>>
      %dma_start3A = arith.constant 0 : i32
      %dma_start3A_102 = tpu.memref_slice %arg15[%add3A_66, %dma_start3A] : memref<10112x128xf32, #tpu.memory_space<vmem_shared>> -> memref<64x128xf32, #tpu.memory_space<vmem_shared>>
      %dma_start3A_103 = arith.constant 0 : i32
      %dma_start3A_104 = tpu.memref_slice %arg15[%add3A_66, %dma_start3A_103] : memref<10112x128xf32, #tpu.memory_space<vmem_shared>> -> memref<64x128xf32, #tpu.memory_space<vmem_shared>>
      tpu.enqueue_dma source(%arg14 : memref<64x128xf32, #tpu.memory_space<vmem>>) target(%dma_start3A_104 : memref<64x128xf32, #tpu.memory_space<vmem_shared>>) target_semaphore(%run_scoped3A : memref<!tpu.dma_semaphore, #tpu.memory_space<semaphore_mem>>)
      %dma_wait3A = arith.constant 0 : i32
      %dma_wait3A_105 = tpu.memref_slice %arg15[%add3A_66, %dma_wait3A] : memref<10112x128xf32, #tpu.memory_space<vmem_shared>> -> memref<64x128xf32, #tpu.memory_space<vmem_shared>>
      %dma_wait3A_106 = arith.constant 0 : i32
      %dma_wait3A_107 = tpu.memref_slice %arg15[%add3A_66, %dma_wait3A_106] : memref<10112x128xf32, #tpu.memory_space<vmem_shared>> -> memref<64x128xf32, #tpu.memory_space<vmem_shared>>
      tpu.wait_dma2 semaphore(%run_scoped3A : memref<!tpu.dma_semaphore, #tpu.memory_space<semaphore_mem>>) src(%arg14 : memref<64x128xf32, #tpu.memory_space<vmem>>) dst(%dma_wait3A_107 : memref<64x128xf32, #tpu.memory_space<vmem_shared>>)
      tpu.yield
    }) : () -> ()
    %add3A_67 = arith.constant 448 : i32
    %add3A_68 = arith.addi %mul3A_0, %add3A_67 : i32
    "tpu.region"() ({
      %run_scoped3A = tpu.sem_alloc : memref<!tpu.dma_semaphore, #tpu.memory_space<semaphore_mem>>
      %dma_start3A = arith.constant 0 : i32
      %dma_start3A_102 = tpu.memref_slice %arg15[%add3A_68, %dma_start3A] : memref<10112x128xf32, #tpu.memory_space<vmem_shared>> -> memref<64x128xf32, #tpu.memory_space<vmem_shared>>
      %dma_start3A_103 = arith.constant 0 : i32
      %dma_start3A_104 = tpu.memref_slice %arg15[%add3A_68, %dma_start3A_103] : memref<10112x128xf32, #tpu.memory_space<vmem_shared>> -> memref<64x128xf32, #tpu.memory_space<vmem_shared>>
      tpu.enqueue_dma source(%arg14 : memref<64x128xf32, #tpu.memory_space<vmem>>) target(%dma_start3A_104 : memref<64x128xf32, #tpu.memory_space<vmem_shared>>) target_semaphore(%run_scoped3A : memref<!tpu.dma_semaphore, #tpu.memory_space<semaphore_mem>>)
      %dma_wait3A = arith.constant 0 : i32
      %dma_wait3A_105 = tpu.memref_slice %arg15[%add3A_68, %dma_wait3A] : memref<10112x128xf32, #tpu.memory_space<vmem_shared>> -> memref<64x128xf32, #tpu.memory_space<vmem_shared>>
      %dma_wait3A_106 = arith.constant 0 : i32
      %dma_wait3A_107 = tpu.memref_slice %arg15[%add3A_68, %dma_wait3A_106] : memref<10112x128xf32, #tpu.memory_space<vmem_shared>> -> memref<64x128xf32, #tpu.memory_space<vmem_shared>>
      tpu.wait_dma2 semaphore(%run_scoped3A : memref<!tpu.dma_semaphore, #tpu.memory_space<semaphore_mem>>) src(%arg14 : memref<64x128xf32, #tpu.memory_space<vmem>>) dst(%dma_wait3A_107 : memref<64x128xf32, #tpu.memory_space<vmem_shared>>)
      tpu.yield
    }) : () -> ()
    %add3A_69 = arith.constant 512 : i32
    %add3A_70 = arith.addi %mul3A_0, %add3A_69 : i32
    "tpu.region"() ({
      %run_scoped3A = tpu.sem_alloc : memref<!tpu.dma_semaphore, #tpu.memory_space<semaphore_mem>>
      %dma_start3A = arith.constant 0 : i32
      %dma_start3A_102 = tpu.memref_slice %arg15[%add3A_70, %dma_start3A] : memref<10112x128xf32, #tpu.memory_space<vmem_shared>> -> memref<64x128xf32, #tpu.memory_space<vmem_shared>>
      %dma_start3A_103 = arith.constant 0 : i32
      %dma_start3A_104 = tpu.memref_slice %arg15[%add3A_70, %dma_start3A_103] : memref<10112x128xf32, #tpu.memory_space<vmem_shared>> -> memref<64x128xf32, #tpu.memory_space<vmem_shared>>
      tpu.enqueue_dma source(%arg14 : memref<64x128xf32, #tpu.memory_space<vmem>>) target(%dma_start3A_104 : memref<64x128xf32, #tpu.memory_space<vmem_shared>>) target_semaphore(%run_scoped3A : memref<!tpu.dma_semaphore, #tpu.memory_space<semaphore_mem>>)
      %dma_wait3A = arith.constant 0 : i32
      %dma_wait3A_105 = tpu.memref_slice %arg15[%add3A_70, %dma_wait3A] : memref<10112x128xf32, #tpu.memory_space<vmem_shared>> -> memref<64x128xf32, #tpu.memory_space<vmem_shared>>
      %dma_wait3A_106 = arith.constant 0 : i32
      %dma_wait3A_107 = tpu.memref_slice %arg15[%add3A_70, %dma_wait3A_106] : memref<10112x128xf32, #tpu.memory_space<vmem_shared>> -> memref<64x128xf32, #tpu.memory_space<vmem_shared>>
      tpu.wait_dma2 semaphore(%run_scoped3A : memref<!tpu.dma_semaphore, #tpu.memory_space<semaphore_mem>>) src(%arg14 : memref<64x128xf32, #tpu.memory_space<vmem>>) dst(%dma_wait3A_107 : memref<64x128xf32, #tpu.memory_space<vmem_shared>>)
      tpu.yield
    }) : () -> ()
    %add3A_71 = arith.constant 576 : i32
    %add3A_72 = arith.addi %mul3A_0, %add3A_71 : i32
    "tpu.region"() ({
      %run_scoped3A = tpu.sem_alloc : memref<!tpu.dma_semaphore, #tpu.memory_space<semaphore_mem>>
      %dma_start3A = arith.constant 0 : i32
      %dma_start3A_102 = arith.constant 0 : i32
      %dma_start3A_103 = tpu.memref_slice %arg14[%dma_start3A, %dma_start3A_102] : memref<64x128xf32, #tpu.memory_space<vmem>> -> memref<56x128xf32, #tpu.memory_space<vmem>>
      %dma_start3A_104 = arith.constant 0 : i32
      %dma_start3A_105 = tpu.memref_slice %arg15[%add3A_72, %dma_start3A_104] : memref<10112x128xf32, #tpu.memory_space<vmem_shared>> -> memref<56x128xf32, #tpu.memory_space<vmem_shared>>
      %dma_start3A_106 = arith.constant 0 : i32
      %dma_start3A_107 = tpu.memref_slice %arg15[%add3A_72, %dma_start3A_106] : memref<10112x128xf32, #tpu.memory_space<vmem_shared>> -> memref<56x128xf32, #tpu.memory_space<vmem_shared>>
      %dma_start3A_108 = arith.constant 0 : i32
      %dma_start3A_109 = arith.constant 0 : i32
      %dma_start3A_110 = tpu.memref_slice %arg14[%dma_start3A_108, %dma_start3A_109] : memref<64x128xf32, #tpu.memory_space<vmem>> -> memref<56x128xf32, #tpu.memory_space<vmem>>
      tpu.enqueue_dma source(%dma_start3A_110 : memref<56x128xf32, #tpu.memory_space<vmem>>) target(%dma_start3A_107 : memref<56x128xf32, #tpu.memory_space<vmem_shared>>) target_semaphore(%run_scoped3A : memref<!tpu.dma_semaphore, #tpu.memory_space<semaphore_mem>>)
      %dma_wait3A = arith.constant 0 : i32
      %dma_wait3A_111 = arith.constant 0 : i32
      %dma_wait3A_112 = tpu.memref_slice %arg14[%dma_wait3A, %dma_wait3A_111] : memref<64x128xf32, #tpu.memory_space<vmem>> -> memref<56x128xf32, #tpu.memory_space<vmem>>
      %dma_wait3A_113 = arith.constant 0 : i32
      %dma_wait3A_114 = tpu.memref_slice %arg15[%add3A_72, %dma_wait3A_113] : memref<10112x128xf32, #tpu.memory_space<vmem_shared>> -> memref<56x128xf32, #tpu.memory_space<vmem_shared>>
      %dma_wait3A_115 = arith.constant 0 : i32
      %dma_wait3A_116 = tpu.memref_slice %arg15[%add3A_72, %dma_wait3A_115] : memref<10112x128xf32, #tpu.memory_space<vmem_shared>> -> memref<56x128xf32, #tpu.memory_space<vmem_shared>>
      %dma_wait3A_117 = arith.constant 0 : i32
      %dma_wait3A_118 = arith.constant 0 : i32
      %dma_wait3A_119 = tpu.memref_slice %arg14[%dma_wait3A_117, %dma_wait3A_118] : memref<64x128xf32, #tpu.memory_space<vmem>> -> memref<56x128xf32, #tpu.memory_space<vmem>>
      tpu.wait_dma2 semaphore(%run_scoped3A : memref<!tpu.dma_semaphore, #tpu.memory_space<semaphore_mem>>) src(%dma_wait3A_119 : memref<56x128xf32, #tpu.memory_space<vmem>>) dst(%dma_wait3A_116 : memref<56x128xf32, #tpu.memory_space<vmem_shared>>)
      tpu.yield
    }) : () -> ()
    %scan3A_73 = arith.constant 0 : i32
    %scan3A_74 = arith.constant 0 : i32
    %scan3A_75 = arith.constant 64 : i32
    %scan3A_76 = arith.addi %scan3A_74, %scan3A_75 : i32
    %scan3A_77 = arith.constant 1 : i32
    scf.for %scan3A_102 = %scan3A_74 to %scan3A_76 step %scan3A_77  : i32 {
      %swap3A = arith.index_cast %scan3A_102 : i32 to index
      %swap3A_103 = arith.constant 0 : index
      %swap3A_104 = tpu.vector_load %arg14[%swap3A, %swap3A_103] {strides = array<i32>} : memref<64x128xf32, #tpu.memory_space<vmem>>, vector<1x16xf32>,
      %swap3A_105 = vector.shape_cast %swap3A_104 : vector<1x16xf32> to vector<16xf32>
      %swap3A_106 = vector.shape_cast %broadcast_in_dim3A_3 : vector<16xf32> to vector<1x16xf32>
      tpu.vector_store %arg14[%swap3A, %swap3A_103], %swap3A_106 {strides = array<i32>} : memref<64x128xf32, #tpu.memory_space<vmem>>, vector<1x16xf32>,
      %swap3A_107 = arith.index_cast %scan3A_102 : i32 to index
      %swap3A_108 = arith.constant 16 : index
      %swap3A_109 = tpu.vector_load %arg14[%swap3A_107, %swap3A_108] {strides = array<i32>} : memref<64x128xf32, #tpu.memory_space<vmem>>, vector<1x16xf32>,
      %swap3A_110 = vector.shape_cast %swap3A_109 : vector<1x16xf32> to vector<16xf32>
      %swap3A_111 = vector.shape_cast %broadcast_in_dim3A_3 : vector<16xf32> to vector<1x16xf32>
      tpu.vector_store %arg14[%swap3A_107, %swap3A_108], %swap3A_111 {strides = array<i32>} : memref<64x128xf32, #tpu.memory_space<vmem>>, vector<1x16xf32>,
      %swap3A_112 = arith.index_cast %scan3A_102 : i32 to index
      %swap3A_113 = arith.constant 32 : index
      %swap3A_114 = tpu.vector_load %arg14[%swap3A_112, %swap3A_113] {strides = array<i32>} : memref<64x128xf32, #tpu.memory_space<vmem>>, vector<1x16xf32>,
      %swap3A_115 = vector.shape_cast %swap3A_114 : vector<1x16xf32> to vector<16xf32>
      %swap3A_116 = vector.shape_cast %broadcast_in_dim3A_3 : vector<16xf32> to vector<1x16xf32>
      tpu.vector_store %arg14[%swap3A_112, %swap3A_113], %swap3A_116 {strides = array<i32>} : memref<64x128xf32, #tpu.memory_space<vmem>>, vector<1x16xf32>,
      %swap3A_117 = arith.index_cast %scan3A_102 : i32 to index
      %swap3A_118 = arith.constant 48 : index
      %swap3A_119 = tpu.vector_load %arg14[%swap3A_117, %swap3A_118] {strides = array<i32>} : memref<64x128xf32, #tpu.memory_space<vmem>>, vector<1x16xf32>,
      %swap3A_120 = vector.shape_cast %swap3A_119 : vector<1x16xf32> to vector<16xf32>
      %swap3A_121 = vector.shape_cast %broadcast_in_dim3A_3 : vector<16xf32> to vector<1x16xf32>
      tpu.vector_store %arg14[%swap3A_117, %swap3A_118], %swap3A_121 {strides = array<i32>} : memref<64x128xf32, #tpu.memory_space<vmem>>, vector<1x16xf32>,
      %swap3A_122 = arith.index_cast %scan3A_102 : i32 to index
      %swap3A_123 = arith.constant 64 : index
      %swap3A_124 = tpu.vector_load %arg14[%swap3A_122, %swap3A_123] {strides = array<i32>} : memref<64x128xf32, #tpu.memory_space<vmem>>, vector<1x16xf32>,
      %swap3A_125 = vector.shape_cast %swap3A_124 : vector<1x16xf32> to vector<16xf32>
      %swap3A_126 = vector.shape_cast %broadcast_in_dim3A_3 : vector<16xf32> to vector<1x16xf32>
      tpu.vector_store %arg14[%swap3A_122, %swap3A_123], %swap3A_126 {strides = array<i32>} : memref<64x128xf32, #tpu.memory_space<vmem>>, vector<1x16xf32>,
      %swap3A_127 = arith.index_cast %scan3A_102 : i32 to index
      %swap3A_128 = arith.constant 80 : index
      %swap3A_129 = tpu.vector_load %arg14[%swap3A_127, %swap3A_128] {strides = array<i32>} : memref<64x128xf32, #tpu.memory_space<vmem>>, vector<1x16xf32>,
      %swap3A_130 = vector.shape_cast %swap3A_129 : vector<1x16xf32> to vector<16xf32>
      %swap3A_131 = vector.shape_cast %broadcast_in_dim3A_3 : vector<16xf32> to vector<1x16xf32>
      tpu.vector_store %arg14[%swap3A_127, %swap3A_128], %swap3A_131 {strides = array<i32>} : memref<64x128xf32, #tpu.memory_space<vmem>>, vector<1x16xf32>,
      %swap3A_132 = arith.index_cast %scan3A_102 : i32 to index
      %swap3A_133 = arith.constant 96 : index
      %swap3A_134 = tpu.vector_load %arg14[%swap3A_132, %swap3A_133] {strides = array<i32>} : memref<64x128xf32, #tpu.memory_space<vmem>>, vector<1x16xf32>,
      %swap3A_135 = vector.shape_cast %swap3A_134 : vector<1x16xf32> to vector<16xf32>
      %swap3A_136 = vector.shape_cast %broadcast_in_dim3A_3 : vector<16xf32> to vector<1x16xf32>
      tpu.vector_store %arg14[%swap3A_132, %swap3A_133], %swap3A_136 {strides = array<i32>} : memref<64x128xf32, #tpu.memory_space<vmem>>, vector<1x16xf32>,
      %swap3A_137 = arith.index_cast %scan3A_102 : i32 to index
      %swap3A_138 = arith.constant 112 : index
      %swap3A_139 = tpu.vector_load %arg14[%swap3A_137, %swap3A_138] {strides = array<i32>} : memref<64x128xf32, #tpu.memory_space<vmem>>, vector<1x16xf32>,
      %swap3A_140 = vector.shape_cast %swap3A_139 : vector<1x16xf32> to vector<16xf32>
      %swap3A_141 = vector.shape_cast %broadcast_in_dim3A_3 : vector<16xf32> to vector<1x16xf32>
      tpu.vector_store %arg14[%swap3A_137, %swap3A_138], %swap3A_141 {strides = array<i32>} : memref<64x128xf32, #tpu.memory_space<vmem>>, vector<1x16xf32>,
    }
    %scan3A_78 = arith.constant 64 : i32
    %barrier3A_79 = arith.constant 0 : index
    tpu.barrier barrier_id(%barrier3A_79)
    %mul3A_80 = arith.constant 16 : i32
    %mul3A_81 = arith.muli %arg0, %mul3A_80 : i32
    %add3A_82 = arith.addi %mul3A_81, %arg1 : i32
    %mul3A_83 = arith.constant 80 : i32
    %mul3A_84 = arith.muli %add3A_82, %mul3A_83 : i32
    %scan3A_85 = arith.constant 0 : i32
    %scan3A_86 = arith.constant 0 : i32
    %scan3A_87 = arith.constant 2 : i32
    %scan3A_88 = arith.addi %scan3A_86, %scan3A_87 : i32
    %scan3A_89 = arith.constant 1 : i32
    scf.for %scan3A_102 = %scan3A_86 to %scan3A_88 step %scan3A_89  : i32 {
      %mul3A_103 = arith.constant 40 : i32
      %mul3A_104 = arith.muli %scan3A_102, %mul3A_103 : i32
      %add3A_105 = arith.addi %mul3A_84, %mul3A_104 : i32
      "tpu.region"() ({
        %run_scoped3A = tpu.sem_alloc : memref<!tpu.dma_semaphore, #tpu.memory_space<semaphore_mem>>
        %dma_start3A = arith.constant 0 : i32
        %dma_start3A_118 = tpu.memref_slice %arg5[%add3A_105, %dma_start3A] : memref<2560x64xi32, #tpu.memory_space<hbm>> -> memref<40x64xi32, #tpu.memory_space<hbm>>
        %dma_start3A_119 = arith.constant 0 : i32
        %dma_start3A_120 = tpu.memref_slice %arg5[%add3A_105, %dma_start3A_119] : memref<2560x64xi32, #tpu.memory_space<hbm>> -> memref<40x64xi32, #tpu.memory_space<hbm>>
        tpu.enqueue_dma source(%dma_start3A_120 : memref<40x64xi32, #tpu.memory_space<hbm>>) target(%arg12 : memref<40x64xi32, #tpu.memory_space<vmem>>) target_semaphore(%run_scoped3A : memref<!tpu.dma_semaphore, #tpu.memory_space<semaphore_mem>>)
        %dma_wait3A = arith.constant 0 : i32
        %dma_wait3A_121 = tpu.memref_slice %arg5[%add3A_105, %dma_wait3A] : memref<2560x64xi32, #tpu.memory_space<hbm>> -> memref<40x64xi32, #tpu.memory_space<hbm>>
        %dma_wait3A_122 = arith.constant 0 : i32
        %dma_wait3A_123 = tpu.memref_slice %arg5[%add3A_105, %dma_wait3A_122] : memref<2560x64xi32, #tpu.memory_space<hbm>> -> memref<40x64xi32, #tpu.memory_space<hbm>>
        tpu.wait_dma2 semaphore(%run_scoped3A : memref<!tpu.dma_semaphore, #tpu.memory_space<semaphore_mem>>) src(%dma_wait3A_123 : memref<40x64xi32, #tpu.memory_space<hbm>>) dst(%arg12 : memref<40x64xi32, #tpu.memory_space<vmem>>)
        tpu.yield
      }) : () -> ()
      %scan3A_106 = arith.constant 0 : i32
      %scan3A_107 = arith.constant 0 : i32
      %scan3A_108 = arith.constant 40 : i32
      %scan3A_109 = arith.addi %scan3A_107, %scan3A_108 : i32
      %scan3A_110 = arith.constant 1 : i32
      scf.for %scan3A_118 = %scan3A_107 to %scan3A_109 step %scan3A_110  : i32 {
        %dma_start3A = arith.constant 0 : i32
        %dma_start3A_119 = tpu.memref_slice %arg12[%scan3A_118, %dma_start3A] : memref<40x64xi32, #tpu.memory_space<vmem>> -> memref<1x64xi32, #tpu.memory_space<vmem>>
        %dma_start3A_120 = tpu.memref_squeeze %dma_start3A_119 : memref<1x64xi32, #tpu.memory_space<vmem>> -> memref<64xi32, #tpu.memory_space<vmem>>
        %dma_start3A_121 = arith.constant 0 : i32
        %dma_start3A_122 = arith.constant 0 : i32
        %dma_start3A_123 = tpu.memref_slice %arg15[%dma_start3A_121, %dma_start3A_122] : memref<10112x128xf32, #tpu.memory_space<vmem_shared>> -> memref<10112x128xf32, #tpu.memory_space<vmem_shared>>
        tpu.enqueue_indirect_dma source(%arg14 : memref<64x128xf32, #tpu.memory_space<vmem>>) target(%dma_start3A_123 : memref<10112x128xf32, #tpu.memory_space<vmem_shared>>) offsets(%dma_start3A_120 : memref<64xi32, #tpu.memory_space<vmem>>) semaphore(%arg17 : memref<!tpu.dma_semaphore, #tpu.memory_space<semaphore_mem>>) {add = true}
      }
      %scan3A_111 = arith.constant 40 : i32
      %scan3A_112 = arith.constant 0 : i32
      %scan3A_113 = arith.constant 0 : i32
      %scan3A_114 = arith.constant 40 : i32
      %scan3A_115 = arith.addi %scan3A_113, %scan3A_114 : i32
      %scan3A_116 = arith.constant 1 : i32
      scf.for %scan3A_118 = %scan3A_113 to %scan3A_115 step %scan3A_116  : i32 {
        %dma_wait3A = arith.constant 0 : i32
        %dma_wait3A_119 = tpu.memref_slice %arg12[%scan3A_118, %dma_wait3A] : memref<40x64xi32, #tpu.memory_space<vmem>> -> memref<1x64xi32, #tpu.memory_space<vmem>>
        %dma_wait3A_120 = tpu.memref_squeeze %dma_wait3A_119 : memref<1x64xi32, #tpu.memory_space<vmem>> -> memref<64xi32, #tpu.memory_space<vmem>>
        %dma_wait3A_121 = arith.constant 0 : i32
        %dma_wait3A_122 = arith.constant 0 : i32
        %dma_wait3A_123 = tpu.memref_slice %arg15[%dma_wait3A_121, %dma_wait3A_122] : memref<10112x128xf32, #tpu.memory_space<vmem_shared>> -> memref<10112x128xf32, #tpu.memory_space<vmem_shared>>
        tpu.wait_indirect_dma semaphore(%arg17 : memref<!tpu.dma_semaphore, #tpu.memory_space<semaphore_mem>>) src(%arg14 : memref<64x128xf32, #tpu.memory_space<vmem>>) dst(%dma_wait3A_123 : memref<10112x128xf32, #tpu.memory_space<vmem_shared>>)
      }
      %scan3A_117 = arith.constant 40 : i32
    }
    %scan3A_90 = arith.constant 2 : i32
    %barrier3A_91 = arith.constant 0 : index
    tpu.barrier barrier_id(%barrier3A_91)
    %eq3A_92 = arith.constant 0 : i32
    %eq3A_93 = arith.cmpi eq, %arg0, %eq3A_92 : i32
    %convert_element_type3A_94 = arith.extui %eq3A_93 : i1 to i32
    %cond3A_95 = arith.constant 0 : i32
    %cond3A_96 = arith.cmpi ne, %convert_element_type3A_94, %cond3A_95 : i32
    scf.if %cond3A_96 {
      %add3A_102 = arith.constant 0 : i32
      %add3A_103 = arith.addi %mul3A_0, %add3A_102 : i32
      "tpu.region"() ({
        %run_scoped3A = tpu.sem_alloc : memref<!tpu.dma_semaphore, #tpu.memory_space<semaphore_mem>>
        %dma_start3A = arith.constant 0 : i32
        %dma_start3A_122 = tpu.memref_slice %arg15[%add3A_103, %dma_start3A] : memref<10112x128xf32, #tpu.memory_space<vmem_shared>> -> memref<64x128xf32, #tpu.memory_space<vmem_shared>>
        %dma_start3A_123 = arith.constant 0 : i32
        %dma_start3A_124 = tpu.memref_slice %arg15[%add3A_103, %dma_start3A_123] : memref<10112x128xf32, #tpu.memory_space<vmem_shared>> -> memref<64x128xf32, #tpu.memory_space<vmem_shared>>
        tpu.enqueue_dma source(%dma_start3A_124 : memref<64x128xf32, #tpu.memory_space<vmem_shared>>) target(%arg13 : memref<64x128xf32, #tpu.memory_space<vmem>>) target_semaphore(%run_scoped3A : memref<!tpu.dma_semaphore, #tpu.memory_space<semaphore_mem>>)
        %dma_wait3A = arith.constant 0 : i32
        %dma_wait3A_125 = tpu.memref_slice %arg15[%add3A_103, %dma_wait3A] : memref<10112x128xf32, #tpu.memory_space<vmem_shared>> -> memref<64x128xf32, #tpu.memory_space<vmem_shared>>
        %dma_wait3A_126 = arith.constant 0 : i32
        %dma_wait3A_127 = tpu.memref_slice %arg15[%add3A_103, %dma_wait3A_126] : memref<10112x128xf32, #tpu.memory_space<vmem_shared>> -> memref<64x128xf32, #tpu.memory_space<vmem_shared>>
        tpu.wait_dma2 semaphore(%run_scoped3A : memref<!tpu.dma_semaphore, #tpu.memory_space<semaphore_mem>>) src(%dma_wait3A_127 : memref<64x128xf32, #tpu.memory_space<vmem_shared>>) dst(%arg13 : memref<64x128xf32, #tpu.memory_space<vmem>>)
        tpu.yield
      }) : () -> ()
      "tpu.region"() ({
        %run_scoped3A = tpu.sem_alloc : memref<!tpu.dma_semaphore, #tpu.memory_space<semaphore_mem>>
        %dma_start3A = arith.constant 0 : i32
        %dma_start3A_122 = tpu.memref_slice %arg8[%add3A_103, %dma_start3A] : memref<10112x128xf32, #tpu.memory_space<hbm>> -> memref<64x128xf32, #tpu.memory_space<hbm>>
        %dma_start3A_123 = arith.constant 0 : i32
        %dma_start3A_124 = tpu.memref_slice %arg8[%add3A_103, %dma_start3A_123] : memref<10112x128xf32, #tpu.memory_space<hbm>> -> memref<64x128xf32, #tpu.memory_space<hbm>>
        tpu.enqueue_dma source(%arg13 : memref<64x128xf32, #tpu.memory_space<vmem>>) target(%dma_start3A_124 : memref<64x128xf32, #tpu.memory_space<hbm>>) target_semaphore(%run_scoped3A : memref<!tpu.dma_semaphore, #tpu.memory_space<semaphore_mem>>)
        %dma_wait3A = arith.constant 0 : i32
        %dma_wait3A_125 = tpu.memref_slice %arg8[%add3A_103, %dma_wait3A] : memref<10112x128xf32, #tpu.memory_space<hbm>> -> memref<64x128xf32, #tpu.memory_space<hbm>>
        %dma_wait3A_126 = arith.constant 0 : i32
        %dma_wait3A_127 = tpu.memref_slice %arg8[%add3A_103, %dma_wait3A_126] : memref<10112x128xf32, #tpu.memory_space<hbm>> -> memref<64x128xf32, #tpu.memory_space<hbm>>
        tpu.wait_dma2 semaphore(%run_scoped3A : memref<!tpu.dma_semaphore, #tpu.memory_space<semaphore_mem>>) src(%arg13 : memref<64x128xf32, #tpu.memory_space<vmem>>) dst(%dma_wait3A_127 : memref<64x128xf32, #tpu.memory_space<hbm>>)
        tpu.yield
      }) : () -> ()
      %add3A_104 = arith.constant 64 : i32
      %add3A_105 = arith.addi %mul3A_0, %add3A_104 : i32
      "tpu.region"() ({
        %run_scoped3A = tpu.sem_alloc : memref<!tpu.dma_semaphore, #tpu.memory_space<semaphore_mem>>
        %dma_start3A = arith.constant 0 : i32
        %dma_start3A_122 = tpu.memref_slice %arg15[%add3A_105, %dma_start3A] : memref<10112x128xf32, #tpu.memory_space<vmem_shared>> -> memref<64x128xf32, #tpu.memory_space<vmem_shared>>
        %dma_start3A_123 = arith.constant 0 : i32
        %dma_start3A_124 = tpu.memref_slice %arg15[%add3A_105, %dma_start3A_123] : memref<10112x128xf32, #tpu.memory_space<vmem_shared>> -> memref<64x128xf32, #tpu.memory_space<vmem_shared>>
        tpu.enqueue_dma source(%dma_start3A_124 : memref<64x128xf32, #tpu.memory_space<vmem_shared>>) target(%arg13 : memref<64x128xf32, #tpu.memory_space<vmem>>) target_semaphore(%run_scoped3A : memref<!tpu.dma_semaphore, #tpu.memory_space<semaphore_mem>>)
        %dma_wait3A = arith.constant 0 : i32
        %dma_wait3A_125 = tpu.memref_slice %arg15[%add3A_105, %dma_wait3A] : memref<10112x128xf32, #tpu.memory_space<vmem_shared>> -> memref<64x128xf32, #tpu.memory_space<vmem_shared>>
        %dma_wait3A_126 = arith.constant 0 : i32
        %dma_wait3A_127 = tpu.memref_slice %arg15[%add3A_105, %dma_wait3A_126] : memref<10112x128xf32, #tpu.memory_space<vmem_shared>> -> memref<64x128xf32, #tpu.memory_space<vmem_shared>>
        tpu.wait_dma2 semaphore(%run_scoped3A : memref<!tpu.dma_semaphore, #tpu.memory_space<semaphore_mem>>) src(%dma_wait3A_127 : memref<64x128xf32, #tpu.memory_space<vmem_shared>>) dst(%arg13 : memref<64x128xf32, #tpu.memory_space<vmem>>)
        tpu.yield
      }) : () -> ()
      "tpu.region"() ({
        %run_scoped3A = tpu.sem_alloc : memref<!tpu.dma_semaphore, #tpu.memory_space<semaphore_mem>>
        %dma_start3A = arith.constant 0 : i32
        %dma_start3A_122 = tpu.memref_slice %arg8[%add3A_105, %dma_start3A] : memref<10112x128xf32, #tpu.memory_space<hbm>> -> memref<64x128xf32, #tpu.memory_space<hbm>>
        %dma_start3A_123 = arith.constant 0 : i32
        %dma_start3A_124 = tpu.memref_slice %arg8[%add3A_105, %dma_start3A_123] : memref<10112x128xf32, #tpu.memory_space<hbm>> -> memref<64x128xf32, #tpu.memory_space<hbm>>
        tpu.enqueue_dma source(%arg13 : memref<64x128xf32, #tpu.memory_space<vmem>>) target(%dma_start3A_124 : memref<64x128xf32, #tpu.memory_space<hbm>>) target_semaphore(%run_scoped3A : memref<!tpu.dma_semaphore, #tpu.memory_space<semaphore_mem>>)
        %dma_wait3A = arith.constant 0 : i32
        %dma_wait3A_125 = tpu.memref_slice %arg8[%add3A_105, %dma_wait3A] : memref<10112x128xf32, #tpu.memory_space<hbm>> -> memref<64x128xf32, #tpu.memory_space<hbm>>
        %dma_wait3A_126 = arith.constant 0 : i32
        %dma_wait3A_127 = tpu.memref_slice %arg8[%add3A_105, %dma_wait3A_126] : memref<10112x128xf32, #tpu.memory_space<hbm>> -> memref<64x128xf32, #tpu.memory_space<hbm>>
        tpu.wait_dma2 semaphore(%run_scoped3A : memref<!tpu.dma_semaphore, #tpu.memory_space<semaphore_mem>>) src(%arg13 : memref<64x128xf32, #tpu.memory_space<vmem>>) dst(%dma_wait3A_127 : memref<64x128xf32, #tpu.memory_space<hbm>>)
        tpu.yield
      }) : () -> ()
      %add3A_106 = arith.constant 128 : i32
      %add3A_107 = arith.addi %mul3A_0, %add3A_106 : i32
      "tpu.region"() ({
        %run_scoped3A = tpu.sem_alloc : memref<!tpu.dma_semaphore, #tpu.memory_space<semaphore_mem>>
        %dma_start3A = arith.constant 0 : i32
        %dma_start3A_122 = tpu.memref_slice %arg15[%add3A_107, %dma_start3A] : memref<10112x128xf32, #tpu.memory_space<vmem_shared>> -> memref<64x128xf32, #tpu.memory_space<vmem_shared>>
        %dma_start3A_123 = arith.constant 0 : i32
        %dma_start3A_124 = tpu.memref_slice %arg15[%add3A_107, %dma_start3A_123] : memref<10112x128xf32, #tpu.memory_space<vmem_shared>> -> memref<64x128xf32, #tpu.memory_space<vmem_shared>>
        tpu.enqueue_dma source(%dma_start3A_124 : memref<64x128xf32, #tpu.memory_space<vmem_shared>>) target(%arg13 : memref<64x128xf32, #tpu.memory_space<vmem>>) target_semaphore(%run_scoped3A : memref<!tpu.dma_semaphore, #tpu.memory_space<semaphore_mem>>)
        %dma_wait3A = arith.constant 0 : i32
        %dma_wait3A_125 = tpu.memref_slice %arg15[%add3A_107, %dma_wait3A] : memref<10112x128xf32, #tpu.memory_space<vmem_shared>> -> memref<64x128xf32, #tpu.memory_space<vmem_shared>>
        %dma_wait3A_126 = arith.constant 0 : i32
        %dma_wait3A_127 = tpu.memref_slice %arg15[%add3A_107, %dma_wait3A_126] : memref<10112x128xf32, #tpu.memory_space<vmem_shared>> -> memref<64x128xf32, #tpu.memory_space<vmem_shared>>
        tpu.wait_dma2 semaphore(%run_scoped3A : memref<!tpu.dma_semaphore, #tpu.memory_space<semaphore_mem>>) src(%dma_wait3A_127 : memref<64x128xf32, #tpu.memory_space<vmem_shared>>) dst(%arg13 : memref<64x128xf32, #tpu.memory_space<vmem>>)
        tpu.yield
      }) : () -> ()
      "tpu.region"() ({
        %run_scoped3A = tpu.sem_alloc : memref<!tpu.dma_semaphore, #tpu.memory_space<semaphore_mem>>
        %dma_start3A = arith.constant 0 : i32
        %dma_start3A_122 = tpu.memref_slice %arg8[%add3A_107, %dma_start3A] : memref<10112x128xf32, #tpu.memory_space<hbm>> -> memref<64x128xf32, #tpu.memory_space<hbm>>
        %dma_start3A_123 = arith.constant 0 : i32
        %dma_start3A_124 = tpu.memref_slice %arg8[%add3A_107, %dma_start3A_123] : memref<10112x128xf32, #tpu.memory_space<hbm>> -> memref<64x128xf32, #tpu.memory_space<hbm>>
        tpu.enqueue_dma source(%arg13 : memref<64x128xf32, #tpu.memory_space<vmem>>) target(%dma_start3A_124 : memref<64x128xf32, #tpu.memory_space<hbm>>) target_semaphore(%run_scoped3A : memref<!tpu.dma_semaphore, #tpu.memory_space<semaphore_mem>>)
        %dma_wait3A = arith.constant 0 : i32
        %dma_wait3A_125 = tpu.memref_slice %arg8[%add3A_107, %dma_wait3A] : memref<10112x128xf32, #tpu.memory_space<hbm>> -> memref<64x128xf32, #tpu.memory_space<hbm>>
        %dma_wait3A_126 = arith.constant 0 : i32
        %dma_wait3A_127 = tpu.memref_slice %arg8[%add3A_107, %dma_wait3A_126] : memref<10112x128xf32, #tpu.memory_space<hbm>> -> memref<64x128xf32, #tpu.memory_space<hbm>>
        tpu.wait_dma2 semaphore(%run_scoped3A : memref<!tpu.dma_semaphore, #tpu.memory_space<semaphore_mem>>) src(%arg13 : memref<64x128xf32, #tpu.memory_space<vmem>>) dst(%dma_wait3A_127 : memref<64x128xf32, #tpu.memory_space<hbm>>)
        tpu.yield
      }) : () -> ()
      %add3A_108 = arith.constant 192 : i32
      %add3A_109 = arith.addi %mul3A_0, %add3A_108 : i32
      "tpu.region"() ({
        %run_scoped3A = tpu.sem_alloc : memref<!tpu.dma_semaphore, #tpu.memory_space<semaphore_mem>>
        %dma_start3A = arith.constant 0 : i32
        %dma_start3A_122 = tpu.memref_slice %arg15[%add3A_109, %dma_start3A] : memref<10112x128xf32, #tpu.memory_space<vmem_shared>> -> memref<64x128xf32, #tpu.memory_space<vmem_shared>>
        %dma_start3A_123 = arith.constant 0 : i32
        %dma_start3A_124 = tpu.memref_slice %arg15[%add3A_109, %dma_start3A_123] : memref<10112x128xf32, #tpu.memory_space<vmem_shared>> -> memref<64x128xf32, #tpu.memory_space<vmem_shared>>
        tpu.enqueue_dma source(%dma_start3A_124 : memref<64x128xf32, #tpu.memory_space<vmem_shared>>) target(%arg13 : memref<64x128xf32, #tpu.memory_space<vmem>>) target_semaphore(%run_scoped3A : memref<!tpu.dma_semaphore, #tpu.memory_space<semaphore_mem>>)
        %dma_wait3A = arith.constant 0 : i32
        %dma_wait3A_125 = tpu.memref_slice %arg15[%add3A_109, %dma_wait3A] : memref<10112x128xf32, #tpu.memory_space<vmem_shared>> -> memref<64x128xf32, #tpu.memory_space<vmem_shared>>
        %dma_wait3A_126 = arith.constant 0 : i32
        %dma_wait3A_127 = tpu.memref_slice %arg15[%add3A_109, %dma_wait3A_126] : memref<10112x128xf32, #tpu.memory_space<vmem_shared>> -> memref<64x128xf32, #tpu.memory_space<vmem_shared>>
        tpu.wait_dma2 semaphore(%run_scoped3A : memref<!tpu.dma_semaphore, #tpu.memory_space<semaphore_mem>>) src(%dma_wait3A_127 : memref<64x128xf32, #tpu.memory_space<vmem_shared>>) dst(%arg13 : memref<64x128xf32, #tpu.memory_space<vmem>>)
        tpu.yield
      }) : () -> ()
      "tpu.region"() ({
        %run_scoped3A = tpu.sem_alloc : memref<!tpu.dma_semaphore, #tpu.memory_space<semaphore_mem>>
        %dma_start3A = arith.constant 0 : i32
        %dma_start3A_122 = tpu.memref_slice %arg8[%add3A_109, %dma_start3A] : memref<10112x128xf32, #tpu.memory_space<hbm>> -> memref<64x128xf32, #tpu.memory_space<hbm>>
        %dma_start3A_123 = arith.constant 0 : i32
        %dma_start3A_124 = tpu.memref_slice %arg8[%add3A_109, %dma_start3A_123] : memref<10112x128xf32, #tpu.memory_space<hbm>> -> memref<64x128xf32, #tpu.memory_space<hbm>>
        tpu.enqueue_dma source(%arg13 : memref<64x128xf32, #tpu.memory_space<vmem>>) target(%dma_start3A_124 : memref<64x128xf32, #tpu.memory_space<hbm>>) target_semaphore(%run_scoped3A : memref<!tpu.dma_semaphore, #tpu.memory_space<semaphore_mem>>)
        %dma_wait3A = arith.constant 0 : i32
        %dma_wait3A_125 = tpu.memref_slice %arg8[%add3A_109, %dma_wait3A] : memref<10112x128xf32, #tpu.memory_space<hbm>> -> memref<64x128xf32, #tpu.memory_space<hbm>>
        %dma_wait3A_126 = arith.constant 0 : i32
        %dma_wait3A_127 = tpu.memref_slice %arg8[%add3A_109, %dma_wait3A_126] : memref<10112x128xf32, #tpu.memory_space<hbm>> -> memref<64x128xf32, #tpu.memory_space<hbm>>
        tpu.wait_dma2 semaphore(%run_scoped3A : memref<!tpu.dma_semaphore, #tpu.memory_space<semaphore_mem>>) src(%arg13 : memref<64x128xf32, #tpu.memory_space<vmem>>) dst(%dma_wait3A_127 : memref<64x128xf32, #tpu.memory_space<hbm>>)
        tpu.yield
      }) : () -> ()
      %add3A_110 = arith.constant 256 : i32
      %add3A_111 = arith.addi %mul3A_0, %add3A_110 : i32
      "tpu.region"() ({
        %run_scoped3A = tpu.sem_alloc : memref<!tpu.dma_semaphore, #tpu.memory_space<semaphore_mem>>
        %dma_start3A = arith.constant 0 : i32
        %dma_start3A_122 = tpu.memref_slice %arg15[%add3A_111, %dma_start3A] : memref<10112x128xf32, #tpu.memory_space<vmem_shared>> -> memref<64x128xf32, #tpu.memory_space<vmem_shared>>
        %dma_start3A_123 = arith.constant 0 : i32
        %dma_start3A_124 = tpu.memref_slice %arg15[%add3A_111, %dma_start3A_123] : memref<10112x128xf32, #tpu.memory_space<vmem_shared>> -> memref<64x128xf32, #tpu.memory_space<vmem_shared>>
        tpu.enqueue_dma source(%dma_start3A_124 : memref<64x128xf32, #tpu.memory_space<vmem_shared>>) target(%arg13 : memref<64x128xf32, #tpu.memory_space<vmem>>) target_semaphore(%run_scoped3A : memref<!tpu.dma_semaphore, #tpu.memory_space<semaphore_mem>>)
        %dma_wait3A = arith.constant 0 : i32
        %dma_wait3A_125 = tpu.memref_slice %arg15[%add3A_111, %dma_wait3A] : memref<10112x128xf32, #tpu.memory_space<vmem_shared>> -> memref<64x128xf32, #tpu.memory_space<vmem_shared>>
        %dma_wait3A_126 = arith.constant 0 : i32
        %dma_wait3A_127 = tpu.memref_slice %arg15[%add3A_111, %dma_wait3A_126] : memref<10112x128xf32, #tpu.memory_space<vmem_shared>> -> memref<64x128xf32, #tpu.memory_space<vmem_shared>>
        tpu.wait_dma2 semaphore(%run_scoped3A : memref<!tpu.dma_semaphore, #tpu.memory_space<semaphore_mem>>) src(%dma_wait3A_127 : memref<64x128xf32, #tpu.memory_space<vmem_shared>>) dst(%arg13 : memref<64x128xf32, #tpu.memory_space<vmem>>)
        tpu.yield
      }) : () -> ()
      "tpu.region"() ({
        %run_scoped3A = tpu.sem_alloc : memref<!tpu.dma_semaphore, #tpu.memory_space<semaphore_mem>>
        %dma_start3A = arith.constant 0 : i32
        %dma_start3A_122 = tpu.memref_slice %arg8[%add3A_111, %dma_start3A] : memref<10112x128xf32, #tpu.memory_space<hbm>> -> memref<64x128xf32, #tpu.memory_space<hbm>>
        %dma_start3A_123 = arith.constant 0 : i32
        %dma_start3A_124 = tpu.memref_slice %arg8[%add3A_111, %dma_start3A_123] : memref<10112x128xf32, #tpu.memory_space<hbm>> -> memref<64x128xf32, #tpu.memory_space<hbm>>
        tpu.enqueue_dma source(%arg13 : memref<64x128xf32, #tpu.memory_space<vmem>>) target(%dma_start3A_124 : memref<64x128xf32, #tpu.memory_space<hbm>>) target_semaphore(%run_scoped3A : memref<!tpu.dma_semaphore, #tpu.memory_space<semaphore_mem>>)
        %dma_wait3A = arith.constant 0 : i32
        %dma_wait3A_125 = tpu.memref_slice %arg8[%add3A_111, %dma_wait3A] : memref<10112x128xf32, #tpu.memory_space<hbm>> -> memref<64x128xf32, #tpu.memory_space<hbm>>
        %dma_wait3A_126 = arith.constant 0 : i32
        %dma_wait3A_127 = tpu.memref_slice %arg8[%add3A_111, %dma_wait3A_126] : memref<10112x128xf32, #tpu.memory_space<hbm>> -> memref<64x128xf32, #tpu.memory_space<hbm>>
        tpu.wait_dma2 semaphore(%run_scoped3A : memref<!tpu.dma_semaphore, #tpu.memory_space<semaphore_mem>>) src(%arg13 : memref<64x128xf32, #tpu.memory_space<vmem>>) dst(%dma_wait3A_127 : memref<64x128xf32, #tpu.memory_space<hbm>>)
        tpu.yield
      }) : () -> ()
      %add3A_112 = arith.constant 320 : i32
      %add3A_113 = arith.addi %mul3A_0, %add3A_112 : i32
      "tpu.region"() ({
        %run_scoped3A = tpu.sem_alloc : memref<!tpu.dma_semaphore, #tpu.memory_space<semaphore_mem>>
        %dma_start3A = arith.constant 0 : i32
        %dma_start3A_122 = tpu.memref_slice %arg15[%add3A_113, %dma_start3A] : memref<10112x128xf32, #tpu.memory_space<vmem_shared>> -> memref<64x128xf32, #tpu.memory_space<vmem_shared>>
        %dma_start3A_123 = arith.constant 0 : i32
        %dma_start3A_124 = tpu.memref_slice %arg15[%add3A_113, %dma_start3A_123] : memref<10112x128xf32, #tpu.memory_space<vmem_shared>> -> memref<64x128xf32, #tpu.memory_space<vmem_shared>>
        tpu.enqueue_dma source(%dma_start3A_124 : memref<64x128xf32, #tpu.memory_space<vmem_shared>>) target(%arg13 : memref<64x128xf32, #tpu.memory_space<vmem>>) target_semaphore(%run_scoped3A : memref<!tpu.dma_semaphore, #tpu.memory_space<semaphore_mem>>)
        %dma_wait3A = arith.constant 0 : i32
        %dma_wait3A_125 = tpu.memref_slice %arg15[%add3A_113, %dma_wait3A] : memref<10112x128xf32, #tpu.memory_space<vmem_shared>> -> memref<64x128xf32, #tpu.memory_space<vmem_shared>>
        %dma_wait3A_126 = arith.constant 0 : i32
        %dma_wait3A_127 = tpu.memref_slice %arg15[%add3A_113, %dma_wait3A_126] : memref<10112x128xf32, #tpu.memory_space<vmem_shared>> -> memref<64x128xf32, #tpu.memory_space<vmem_shared>>
        tpu.wait_dma2 semaphore(%run_scoped3A : memref<!tpu.dma_semaphore, #tpu.memory_space<semaphore_mem>>) src(%dma_wait3A_127 : memref<64x128xf32, #tpu.memory_space<vmem_shared>>) dst(%arg13 : memref<64x128xf32, #tpu.memory_space<vmem>>)
        tpu.yield
      }) : () -> ()
      "tpu.region"() ({
        %run_scoped3A = tpu.sem_alloc : memref<!tpu.dma_semaphore, #tpu.memory_space<semaphore_mem>>
        %dma_start3A = arith.constant 0 : i32
        %dma_start3A_122 = tpu.memref_slice %arg8[%add3A_113, %dma_start3A] : memref<10112x128xf32, #tpu.memory_space<hbm>> -> memref<64x128xf32, #tpu.memory_space<hbm>>
        %dma_start3A_123 = arith.constant 0 : i32
        %dma_start3A_124 = tpu.memref_slice %arg8[%add3A_113, %dma_start3A_123] : memref<10112x128xf32, #tpu.memory_space<hbm>> -> memref<64x128xf32, #tpu.memory_space<hbm>>
        tpu.enqueue_dma source(%arg13 : memref<64x128xf32, #tpu.memory_space<vmem>>) target(%dma_start3A_124 : memref<64x128xf32, #tpu.memory_space<hbm>>) target_semaphore(%run_scoped3A : memref<!tpu.dma_semaphore, #tpu.memory_space<semaphore_mem>>)
        %dma_wait3A = arith.constant 0 : i32
        %dma_wait3A_125 = tpu.memref_slice %arg8[%add3A_113, %dma_wait3A] : memref<10112x128xf32, #tpu.memory_space<hbm>> -> memref<64x128xf32, #tpu.memory_space<hbm>>
        %dma_wait3A_126 = arith.constant 0 : i32
        %dma_wait3A_127 = tpu.memref_slice %arg8[%add3A_113, %dma_wait3A_126] : memref<10112x128xf32, #tpu.memory_space<hbm>> -> memref<64x128xf32, #tpu.memory_space<hbm>>
        tpu.wait_dma2 semaphore(%run_scoped3A : memref<!tpu.dma_semaphore, #tpu.memory_space<semaphore_mem>>) src(%arg13 : memref<64x128xf32, #tpu.memory_space<vmem>>) dst(%dma_wait3A_127 : memref<64x128xf32, #tpu.memory_space<hbm>>)
        tpu.yield
      }) : () -> ()
      %add3A_114 = arith.constant 384 : i32
      %add3A_115 = arith.addi %mul3A_0, %add3A_114 : i32
      "tpu.region"() ({
        %run_scoped3A = tpu.sem_alloc : memref<!tpu.dma_semaphore, #tpu.memory_space<semaphore_mem>>
        %dma_start3A = arith.constant 0 : i32
        %dma_start3A_122 = tpu.memref_slice %arg15[%add3A_115, %dma_start3A] : memref<10112x128xf32, #tpu.memory_space<vmem_shared>> -> memref<64x128xf32, #tpu.memory_space<vmem_shared>>
        %dma_start3A_123 = arith.constant 0 : i32
        %dma_start3A_124 = tpu.memref_slice %arg15[%add3A_115, %dma_start3A_123] : memref<10112x128xf32, #tpu.memory_space<vmem_shared>> -> memref<64x128xf32, #tpu.memory_space<vmem_shared>>
        tpu.enqueue_dma source(%dma_start3A_124 : memref<64x128xf32, #tpu.memory_space<vmem_shared>>) target(%arg13 : memref<64x128xf32, #tpu.memory_space<vmem>>) target_semaphore(%run_scoped3A : memref<!tpu.dma_semaphore, #tpu.memory_space<semaphore_mem>>)
        %dma_wait3A = arith.constant 0 : i32
        %dma_wait3A_125 = tpu.memref_slice %arg15[%add3A_115, %dma_wait3A] : memref<10112x128xf32, #tpu.memory_space<vmem_shared>> -> memref<64x128xf32, #tpu.memory_space<vmem_shared>>
        %dma_wait3A_126 = arith.constant 0 : i32
        %dma_wait3A_127 = tpu.memref_slice %arg15[%add3A_115, %dma_wait3A_126] : memref<10112x128xf32, #tpu.memory_space<vmem_shared>> -> memref<64x128xf32, #tpu.memory_space<vmem_shared>>
        tpu.wait_dma2 semaphore(%run_scoped3A : memref<!tpu.dma_semaphore, #tpu.memory_space<semaphore_mem>>) src(%dma_wait3A_127 : memref<64x128xf32, #tpu.memory_space<vmem_shared>>) dst(%arg13 : memref<64x128xf32, #tpu.memory_space<vmem>>)
        tpu.yield
      }) : () -> ()
      "tpu.region"() ({
        %run_scoped3A = tpu.sem_alloc : memref<!tpu.dma_semaphore, #tpu.memory_space<semaphore_mem>>
        %dma_start3A = arith.constant 0 : i32
        %dma_start3A_122 = tpu.memref_slice %arg8[%add3A_115, %dma_start3A] : memref<10112x128xf32, #tpu.memory_space<hbm>> -> memref<64x128xf32, #tpu.memory_space<hbm>>
        %dma_start3A_123 = arith.constant 0 : i32
        %dma_start3A_124 = tpu.memref_slice %arg8[%add3A_115, %dma_start3A_123] : memref<10112x128xf32, #tpu.memory_space<hbm>> -> memref<64x128xf32, #tpu.memory_space<hbm>>
        tpu.enqueue_dma source(%arg13 : memref<64x128xf32, #tpu.memory_space<vmem>>) target(%dma_start3A_124 : memref<64x128xf32, #tpu.memory_space<hbm>>) target_semaphore(%run_scoped3A : memref<!tpu.dma_semaphore, #tpu.memory_space<semaphore_mem>>)
        %dma_wait3A = arith.constant 0 : i32
        %dma_wait3A_125 = tpu.memref_slice %arg8[%add3A_115, %dma_wait3A] : memref<10112x128xf32, #tpu.memory_space<hbm>> -> memref<64x128xf32, #tpu.memory_space<hbm>>
        %dma_wait3A_126 = arith.constant 0 : i32
        %dma_wait3A_127 = tpu.memref_slice %arg8[%add3A_115, %dma_wait3A_126] : memref<10112x128xf32, #tpu.memory_space<hbm>> -> memref<64x128xf32, #tpu.memory_space<hbm>>
        tpu.wait_dma2 semaphore(%run_scoped3A : memref<!tpu.dma_semaphore, #tpu.memory_space<semaphore_mem>>) src(%arg13 : memref<64x128xf32, #tpu.memory_space<vmem>>) dst(%dma_wait3A_127 : memref<64x128xf32, #tpu.memory_space<hbm>>)
        tpu.yield
      }) : () -> ()
      %add3A_116 = arith.constant 448 : i32
      %add3A_117 = arith.addi %mul3A_0, %add3A_116 : i32
      "tpu.region"() ({
        %run_scoped3A = tpu.sem_alloc : memref<!tpu.dma_semaphore, #tpu.memory_space<semaphore_mem>>
        %dma_start3A = arith.constant 0 : i32
        %dma_start3A_122 = tpu.memref_slice %arg15[%add3A_117, %dma_start3A] : memref<10112x128xf32, #tpu.memory_space<vmem_shared>> -> memref<64x128xf32, #tpu.memory_space<vmem_shared>>
        %dma_start3A_123 = arith.constant 0 : i32
        %dma_start3A_124 = tpu.memref_slice %arg15[%add3A_117, %dma_start3A_123] : memref<10112x128xf32, #tpu.memory_space<vmem_shared>> -> memref<64x128xf32, #tpu.memory_space<vmem_shared>>
        tpu.enqueue_dma source(%dma_start3A_124 : memref<64x128xf32, #tpu.memory_space<vmem_shared>>) target(%arg13 : memref<64x128xf32, #tpu.memory_space<vmem>>) target_semaphore(%run_scoped3A : memref<!tpu.dma_semaphore, #tpu.memory_space<semaphore_mem>>)
        %dma_wait3A = arith.constant 0 : i32
        %dma_wait3A_125 = tpu.memref_slice %arg15[%add3A_117, %dma_wait3A] : memref<10112x128xf32, #tpu.memory_space<vmem_shared>> -> memref<64x128xf32, #tpu.memory_space<vmem_shared>>
        %dma_wait3A_126 = arith.constant 0 : i32
        %dma_wait3A_127 = tpu.memref_slice %arg15[%add3A_117, %dma_wait3A_126] : memref<10112x128xf32, #tpu.memory_space<vmem_shared>> -> memref<64x128xf32, #tpu.memory_space<vmem_shared>>
        tpu.wait_dma2 semaphore(%run_scoped3A : memref<!tpu.dma_semaphore, #tpu.memory_space<semaphore_mem>>) src(%dma_wait3A_127 : memref<64x128xf32, #tpu.memory_space<vmem_shared>>) dst(%arg13 : memref<64x128xf32, #tpu.memory_space<vmem>>)
        tpu.yield
      }) : () -> ()
      "tpu.region"() ({
        %run_scoped3A = tpu.sem_alloc : memref<!tpu.dma_semaphore, #tpu.memory_space<semaphore_mem>>
        %dma_start3A = arith.constant 0 : i32
        %dma_start3A_122 = tpu.memref_slice %arg8[%add3A_117, %dma_start3A] : memref<10112x128xf32, #tpu.memory_space<hbm>> -> memref<64x128xf32, #tpu.memory_space<hbm>>
        %dma_start3A_123 = arith.constant 0 : i32
        %dma_start3A_124 = tpu.memref_slice %arg8[%add3A_117, %dma_start3A_123] : memref<10112x128xf32, #tpu.memory_space<hbm>> -> memref<64x128xf32, #tpu.memory_space<hbm>>
        tpu.enqueue_dma source(%arg13 : memref<64x128xf32, #tpu.memory_space<vmem>>) target(%dma_start3A_124 : memref<64x128xf32, #tpu.memory_space<hbm>>) target_semaphore(%run_scoped3A : memref<!tpu.dma_semaphore, #tpu.memory_space<semaphore_mem>>)
        %dma_wait3A = arith.constant 0 : i32
        %dma_wait3A_125 = tpu.memref_slice %arg8[%add3A_117, %dma_wait3A] : memref<10112x128xf32, #tpu.memory_space<hbm>> -> memref<64x128xf32, #tpu.memory_space<hbm>>
        %dma_wait3A_126 = arith.constant 0 : i32
        %dma_wait3A_127 = tpu.memref_slice %arg8[%add3A_117, %dma_wait3A_126] : memref<10112x128xf32, #tpu.memory_space<hbm>> -> memref<64x128xf32, #tpu.memory_space<hbm>>
        tpu.wait_dma2 semaphore(%run_scoped3A : memref<!tpu.dma_semaphore, #tpu.memory_space<semaphore_mem>>) src(%arg13 : memref<64x128xf32, #tpu.memory_space<vmem>>) dst(%dma_wait3A_127 : memref<64x128xf32, #tpu.memory_space<hbm>>)
        tpu.yield
      }) : () -> ()
      %add3A_118 = arith.constant 512 : i32
      %add3A_119 = arith.addi %mul3A_0, %add3A_118 : i32
      "tpu.region"() ({
        %run_scoped3A = tpu.sem_alloc : memref<!tpu.dma_semaphore, #tpu.memory_space<semaphore_mem>>
        %dma_start3A = arith.constant 0 : i32
        %dma_start3A_122 = tpu.memref_slice %arg15[%add3A_119, %dma_start3A] : memref<10112x128xf32, #tpu.memory_space<vmem_shared>> -> memref<64x128xf32, #tpu.memory_space<vmem_shared>>
        %dma_start3A_123 = arith.constant 0 : i32
        %dma_start3A_124 = tpu.memref_slice %arg15[%add3A_119, %dma_start3A_123] : memref<10112x128xf32, #tpu.memory_space<vmem_shared>> -> memref<64x128xf32, #tpu.memory_space<vmem_shared>>
        tpu.enqueue_dma source(%dma_start3A_124 : memref<64x128xf32, #tpu.memory_space<vmem_shared>>) target(%arg13 : memref<64x128xf32, #tpu.memory_space<vmem>>) target_semaphore(%run_scoped3A : memref<!tpu.dma_semaphore, #tpu.memory_space<semaphore_mem>>)
        %dma_wait3A = arith.constant 0 : i32
        %dma_wait3A_125 = tpu.memref_slice %arg15[%add3A_119, %dma_wait3A] : memref<10112x128xf32, #tpu.memory_space<vmem_shared>> -> memref<64x128xf32, #tpu.memory_space<vmem_shared>>
        %dma_wait3A_126 = arith.constant 0 : i32
        %dma_wait3A_127 = tpu.memref_slice %arg15[%add3A_119, %dma_wait3A_126] : memref<10112x128xf32, #tpu.memory_space<vmem_shared>> -> memref<64x128xf32, #tpu.memory_space<vmem_shared>>
        tpu.wait_dma2 semaphore(%run_scoped3A : memref<!tpu.dma_semaphore, #tpu.memory_space<semaphore_mem>>) src(%dma_wait3A_127 : memref<64x128xf32, #tpu.memory_space<vmem_shared>>) dst(%arg13 : memref<64x128xf32, #tpu.memory_space<vmem>>)
        tpu.yield
      }) : () -> ()
      "tpu.region"() ({
        %run_scoped3A = tpu.sem_alloc : memref<!tpu.dma_semaphore, #tpu.memory_space<semaphore_mem>>
        %dma_start3A = arith.constant 0 : i32
        %dma_start3A_122 = tpu.memref_slice %arg8[%add3A_119, %dma_start3A] : memref<10112x128xf32, #tpu.memory_space<hbm>> -> memref<64x128xf32, #tpu.memory_space<hbm>>
        %dma_start3A_123 = arith.constant 0 : i32
        %dma_start3A_124 = tpu.memref_slice %arg8[%add3A_119, %dma_start3A_123] : memref<10112x128xf32, #tpu.memory_space<hbm>> -> memref<64x128xf32, #tpu.memory_space<hbm>>
        tpu.enqueue_dma source(%arg13 : memref<64x128xf32, #tpu.memory_space<vmem>>) target(%dma_start3A_124 : memref<64x128xf32, #tpu.memory_space<hbm>>) target_semaphore(%run_scoped3A : memref<!tpu.dma_semaphore, #tpu.memory_space<semaphore_mem>>)
        %dma_wait3A = arith.constant 0 : i32
        %dma_wait3A_125 = tpu.memref_slice %arg8[%add3A_119, %dma_wait3A] : memref<10112x128xf32, #tpu.memory_space<hbm>> -> memref<64x128xf32, #tpu.memory_space<hbm>>
        %dma_wait3A_126 = arith.constant 0 : i32
        %dma_wait3A_127 = tpu.memref_slice %arg8[%add3A_119, %dma_wait3A_126] : memref<10112x128xf32, #tpu.memory_space<hbm>> -> memref<64x128xf32, #tpu.memory_space<hbm>>
        tpu.wait_dma2 semaphore(%run_scoped3A : memref<!tpu.dma_semaphore, #tpu.memory_space<semaphore_mem>>) src(%arg13 : memref<64x128xf32, #tpu.memory_space<vmem>>) dst(%dma_wait3A_127 : memref<64x128xf32, #tpu.memory_space<hbm>>)
        tpu.yield
      }) : () -> ()
      %add3A_120 = arith.constant 576 : i32
      %add3A_121 = arith.addi %mul3A_0, %add3A_120 : i32
      "tpu.region"() ({
        %run_scoped3A = tpu.sem_alloc : memref<!tpu.dma_semaphore, #tpu.memory_space<semaphore_mem>>
        %dma_start3A = arith.constant 0 : i32
        %dma_start3A_122 = arith.constant 0 : i32
        %dma_start3A_123 = tpu.memref_slice %arg13[%dma_start3A, %dma_start3A_122] : memref<64x128xf32, #tpu.memory_space<vmem>> -> memref<56x128xf32, #tpu.memory_space<vmem>>
        %dma_start3A_124 = arith.constant 0 : i32
        %dma_start3A_125 = tpu.memref_slice %arg15[%add3A_121, %dma_start3A_124] : memref<10112x128xf32, #tpu.memory_space<vmem_shared>> -> memref<56x128xf32, #tpu.memory_space<vmem_shared>>
        %dma_start3A_126 = arith.constant 0 : i32
        %dma_start3A_127 = arith.constant 0 : i32
        %dma_start3A_128 = tpu.memref_slice %arg13[%dma_start3A_126, %dma_start3A_127] : memref<64x128xf32, #tpu.memory_space<vmem>> -> memref<56x128xf32, #tpu.memory_space<vmem>>
        %dma_start3A_129 = arith.constant 0 : i32
        %dma_start3A_130 = tpu.memref_slice %arg15[%add3A_121, %dma_start3A_129] : memref<10112x128xf32, #tpu.memory_space<vmem_shared>> -> memref<56x128xf32, #tpu.memory_space<vmem_shared>>
        tpu.enqueue_dma source(%dma_start3A_130 : memref<56x128xf32, #tpu.memory_space<vmem_shared>>) target(%dma_start3A_128 : memref<56x128xf32, #tpu.memory_space<vmem>>) target_semaphore(%run_scoped3A : memref<!tpu.dma_semaphore, #tpu.memory_space<semaphore_mem>>)
        %dma_wait3A = arith.constant 0 : i32
        %dma_wait3A_131 = arith.constant 0 : i32
        %dma_wait3A_132 = tpu.memref_slice %arg13[%dma_wait3A, %dma_wait3A_131] : memref<64x128xf32, #tpu.memory_space<vmem>> -> memref<56x128xf32, #tpu.memory_space<vmem>>
        %dma_wait3A_133 = arith.constant 0 : i32
        %dma_wait3A_134 = tpu.memref_slice %arg15[%add3A_121, %dma_wait3A_133] : memref<10112x128xf32, #tpu.memory_space<vmem_shared>> -> memref<56x128xf32, #tpu.memory_space<vmem_shared>>
        %dma_wait3A_135 = arith.constant 0 : i32
        %dma_wait3A_136 = arith.constant 0 : i32
        %dma_wait3A_137 = tpu.memref_slice %arg13[%dma_wait3A_135, %dma_wait3A_136] : memref<64x128xf32, #tpu.memory_space<vmem>> -> memref<56x128xf32, #tpu.memory_space<vmem>>
        %dma_wait3A_138 = arith.constant 0 : i32
        %dma_wait3A_139 = tpu.memref_slice %arg15[%add3A_121, %dma_wait3A_138] : memref<10112x128xf32, #tpu.memory_space<vmem_shared>> -> memref<56x128xf32, #tpu.memory_space<vmem_shared>>
        tpu.wait_dma2 semaphore(%run_scoped3A : memref<!tpu.dma_semaphore, #tpu.memory_space<semaphore_mem>>) src(%dma_wait3A_139 : memref<56x128xf32, #tpu.memory_space<vmem_shared>>) dst(%dma_wait3A_137 : memref<56x128xf32, #tpu.memory_space<vmem>>)
        tpu.yield
      }) : () -> ()
      "tpu.region"() ({
        %run_scoped3A = tpu.sem_alloc : memref<!tpu.dma_semaphore, #tpu.memory_space<semaphore_mem>>
        %dma_start3A = arith.constant 0 : i32
        %dma_start3A_122 = arith.constant 0 : i32
        %dma_start3A_123 = tpu.memref_slice %arg13[%dma_start3A, %dma_start3A_122] : memref<64x128xf32, #tpu.memory_space<vmem>> -> memref<56x128xf32, #tpu.memory_space<vmem>>
        %dma_start3A_124 = arith.constant 0 : i32
        %dma_start3A_125 = tpu.memref_slice %arg8[%add3A_121, %dma_start3A_124] : memref<10112x128xf32, #tpu.memory_space<hbm>> -> memref<56x128xf32, #tpu.memory_space<hbm>>
        %dma_start3A_126 = arith.constant 0 : i32
        %dma_start3A_127 = tpu.memref_slice %arg8[%add3A_121, %dma_start3A_126] : memref<10112x128xf32, #tpu.memory_space<hbm>> -> memref<56x128xf32, #tpu.memory_space<hbm>>
        %dma_start3A_128 = arith.constant 0 : i32
        %dma_start3A_129 = arith.constant 0 : i32
        %dma_start3A_130 = tpu.memref_slice %arg13[%dma_start3A_128, %dma_start3A_129] : memref<64x128xf32, #tpu.memory_space<vmem>> -> memref<56x128xf32, #tpu.memory_space<vmem>>
        tpu.enqueue_dma source(%dma_start3A_130 : memref<56x128xf32, #tpu.memory_space<vmem>>) target(%dma_start3A_127 : memref<56x128xf32, #tpu.memory_space<hbm>>) target_semaphore(%run_scoped3A : memref<!tpu.dma_semaphore, #tpu.memory_space<semaphore_mem>>)
        %dma_wait3A = arith.constant 0 : i32
        %dma_wait3A_131 = arith.constant 0 : i32
        %dma_wait3A_132 = tpu.memref_slice %arg13[%dma_wait3A, %dma_wait3A_131] : memref<64x128xf32, #tpu.memory_space<vmem>> -> memref<56x128xf32, #tpu.memory_space<vmem>>
        %dma_wait3A_133 = arith.constant 0 : i32
        %dma_wait3A_134 = tpu.memref_slice %arg8[%add3A_121, %dma_wait3A_133] : memref<10112x128xf32, #tpu.memory_space<hbm>> -> memref<56x128xf32, #tpu.memory_space<hbm>>
        %dma_wait3A_135 = arith.constant 0 : i32
        %dma_wait3A_136 = tpu.memref_slice %arg8[%add3A_121, %dma_wait3A_135] : memref<10112x128xf32, #tpu.memory_space<hbm>> -> memref<56x128xf32, #tpu.memory_space<hbm>>
        %dma_wait3A_137 = arith.constant 0 : i32
        %dma_wait3A_138 = arith.constant 0 : i32
        %dma_wait3A_139 = tpu.memref_slice %arg13[%dma_wait3A_137, %dma_wait3A_138] : memref<64x128xf32, #tpu.memory_space<vmem>> -> memref<56x128xf32, #tpu.memory_space<vmem>>
        tpu.wait_dma2 semaphore(%run_scoped3A : memref<!tpu.dma_semaphore, #tpu.memory_space<semaphore_mem>>) src(%dma_wait3A_139 : memref<56x128xf32, #tpu.memory_space<vmem>>) dst(%dma_wait3A_136 : memref<56x128xf32, #tpu.memory_space<hbm>>)
        tpu.yield
      }) : () -> ()
    } else {
    }
    %eq3A_97 = arith.constant 1 : i32
    %eq3A_98 = arith.cmpi eq, %arg0, %eq3A_97 : i32
    %convert_element_type3A_99 = arith.extui %eq3A_98 : i1 to i32
    %cond3A_100 = arith.constant 0 : i32
    %cond3A_101 = arith.cmpi ne, %convert_element_type3A_99, %cond3A_100 : i32
    scf.if %cond3A_101 {
      %add3A_102 = arith.constant 0 : i32
      %add3A_103 = arith.addi %mul3A_0, %add3A_102 : i32
      "tpu.region"() ({
        %run_scoped3A = tpu.sem_alloc : memref<!tpu.dma_semaphore, #tpu.memory_space<semaphore_mem>>
        %dma_start3A = arith.constant 0 : i32
        %dma_start3A_122 = tpu.memref_slice %arg15[%add3A_103, %dma_start3A] : memref<10112x128xf32, #tpu.memory_space<vmem_shared>> -> memref<64x128xf32, #tpu.memory_space<vmem_shared>>
        %dma_start3A_123 = arith.constant 0 : i32
        %dma_start3A_124 = tpu.memref_slice %arg15[%add3A_103, %dma_start3A_123] : memref<10112x128xf32, #tpu.memory_space<vmem_shared>> -> memref<64x128xf32, #tpu.memory_space<vmem_shared>>
        tpu.enqueue_dma source(%dma_start3A_124 : memref<64x128xf32, #tpu.memory_space<vmem_shared>>) target(%arg13 : memref<64x128xf32, #tpu.memory_space<vmem>>) target_semaphore(%run_scoped3A : memref<!tpu.dma_semaphore, #tpu.memory_space<semaphore_mem>>)
        %dma_wait3A = arith.constant 0 : i32
        %dma_wait3A_125 = tpu.memref_slice %arg15[%add3A_103, %dma_wait3A] : memref<10112x128xf32, #tpu.memory_space<vmem_shared>> -> memref<64x128xf32, #tpu.memory_space<vmem_shared>>
        %dma_wait3A_126 = arith.constant 0 : i32
        %dma_wait3A_127 = tpu.memref_slice %arg15[%add3A_103, %dma_wait3A_126] : memref<10112x128xf32, #tpu.memory_space<vmem_shared>> -> memref<64x128xf32, #tpu.memory_space<vmem_shared>>
        tpu.wait_dma2 semaphore(%run_scoped3A : memref<!tpu.dma_semaphore, #tpu.memory_space<semaphore_mem>>) src(%dma_wait3A_127 : memref<64x128xf32, #tpu.memory_space<vmem_shared>>) dst(%arg13 : memref<64x128xf32, #tpu.memory_space<vmem>>)
        tpu.yield
      }) : () -> ()
      "tpu.region"() ({
        %run_scoped3A = tpu.sem_alloc : memref<!tpu.dma_semaphore, #tpu.memory_space<semaphore_mem>>
        %dma_start3A = arith.constant 0 : i32
        %dma_start3A_122 = tpu.memref_slice %arg9[%add3A_103, %dma_start3A] : memref<10112x128xf32, #tpu.memory_space<hbm>> -> memref<64x128xf32, #tpu.memory_space<hbm>>
        %dma_start3A_123 = arith.constant 0 : i32
        %dma_start3A_124 = tpu.memref_slice %arg9[%add3A_103, %dma_start3A_123] : memref<10112x128xf32, #tpu.memory_space<hbm>> -> memref<64x128xf32, #tpu.memory_space<hbm>>
        tpu.enqueue_dma source(%arg13 : memref<64x128xf32, #tpu.memory_space<vmem>>) target(%dma_start3A_124 : memref<64x128xf32, #tpu.memory_space<hbm>>) target_semaphore(%run_scoped3A : memref<!tpu.dma_semaphore, #tpu.memory_space<semaphore_mem>>)
        %dma_wait3A = arith.constant 0 : i32
        %dma_wait3A_125 = tpu.memref_slice %arg9[%add3A_103, %dma_wait3A] : memref<10112x128xf32, #tpu.memory_space<hbm>> -> memref<64x128xf32, #tpu.memory_space<hbm>>
        %dma_wait3A_126 = arith.constant 0 : i32
        %dma_wait3A_127 = tpu.memref_slice %arg9[%add3A_103, %dma_wait3A_126] : memref<10112x128xf32, #tpu.memory_space<hbm>> -> memref<64x128xf32, #tpu.memory_space<hbm>>
        tpu.wait_dma2 semaphore(%run_scoped3A : memref<!tpu.dma_semaphore, #tpu.memory_space<semaphore_mem>>) src(%arg13 : memref<64x128xf32, #tpu.memory_space<vmem>>) dst(%dma_wait3A_127 : memref<64x128xf32, #tpu.memory_space<hbm>>)
        tpu.yield
      }) : () -> ()
      %add3A_104 = arith.constant 64 : i32
      %add3A_105 = arith.addi %mul3A_0, %add3A_104 : i32
      "tpu.region"() ({
        %run_scoped3A = tpu.sem_alloc : memref<!tpu.dma_semaphore, #tpu.memory_space<semaphore_mem>>
        %dma_start3A = arith.constant 0 : i32
        %dma_start3A_122 = tpu.memref_slice %arg15[%add3A_105, %dma_start3A] : memref<10112x128xf32, #tpu.memory_space<vmem_shared>> -> memref<64x128xf32, #tpu.memory_space<vmem_shared>>
        %dma_start3A_123 = arith.constant 0 : i32
        %dma_start3A_124 = tpu.memref_slice %arg15[%add3A_105, %dma_start3A_123] : memref<10112x128xf32, #tpu.memory_space<vmem_shared>> -> memref<64x128xf32, #tpu.memory_space<vmem_shared>>
        tpu.enqueue_dma source(%dma_start3A_124 : memref<64x128xf32, #tpu.memory_space<vmem_shared>>) target(%arg13 : memref<64x128xf32, #tpu.memory_space<vmem>>) target_semaphore(%run_scoped3A : memref<!tpu.dma_semaphore, #tpu.memory_space<semaphore_mem>>)
        %dma_wait3A = arith.constant 0 : i32
        %dma_wait3A_125 = tpu.memref_slice %arg15[%add3A_105, %dma_wait3A] : memref<10112x128xf32, #tpu.memory_space<vmem_shared>> -> memref<64x128xf32, #tpu.memory_space<vmem_shared>>
        %dma_wait3A_126 = arith.constant 0 : i32
        %dma_wait3A_127 = tpu.memref_slice %arg15[%add3A_105, %dma_wait3A_126] : memref<10112x128xf32, #tpu.memory_space<vmem_shared>> -> memref<64x128xf32, #tpu.memory_space<vmem_shared>>
        tpu.wait_dma2 semaphore(%run_scoped3A : memref<!tpu.dma_semaphore, #tpu.memory_space<semaphore_mem>>) src(%dma_wait3A_127 : memref<64x128xf32, #tpu.memory_space<vmem_shared>>) dst(%arg13 : memref<64x128xf32, #tpu.memory_space<vmem>>)
        tpu.yield
      }) : () -> ()
      "tpu.region"() ({
        %run_scoped3A = tpu.sem_alloc : memref<!tpu.dma_semaphore, #tpu.memory_space<semaphore_mem>>
        %dma_start3A = arith.constant 0 : i32
        %dma_start3A_122 = tpu.memref_slice %arg9[%add3A_105, %dma_start3A] : memref<10112x128xf32, #tpu.memory_space<hbm>> -> memref<64x128xf32, #tpu.memory_space<hbm>>
        %dma_start3A_123 = arith.constant 0 : i32
        %dma_start3A_124 = tpu.memref_slice %arg9[%add3A_105, %dma_start3A_123] : memref<10112x128xf32, #tpu.memory_space<hbm>> -> memref<64x128xf32, #tpu.memory_space<hbm>>
        tpu.enqueue_dma source(%arg13 : memref<64x128xf32, #tpu.memory_space<vmem>>) target(%dma_start3A_124 : memref<64x128xf32, #tpu.memory_space<hbm>>) target_semaphore(%run_scoped3A : memref<!tpu.dma_semaphore, #tpu.memory_space<semaphore_mem>>)
        %dma_wait3A = arith.constant 0 : i32
        %dma_wait3A_125 = tpu.memref_slice %arg9[%add3A_105, %dma_wait3A] : memref<10112x128xf32, #tpu.memory_space<hbm>> -> memref<64x128xf32, #tpu.memory_space<hbm>>
        %dma_wait3A_126 = arith.constant 0 : i32
        %dma_wait3A_127 = tpu.memref_slice %arg9[%add3A_105, %dma_wait3A_126] : memref<10112x128xf32, #tpu.memory_space<hbm>> -> memref<64x128xf32, #tpu.memory_space<hbm>>
        tpu.wait_dma2 semaphore(%run_scoped3A : memref<!tpu.dma_semaphore, #tpu.memory_space<semaphore_mem>>) src(%arg13 : memref<64x128xf32, #tpu.memory_space<vmem>>) dst(%dma_wait3A_127 : memref<64x128xf32, #tpu.memory_space<hbm>>)
        tpu.yield
      }) : () -> ()
      %add3A_106 = arith.constant 128 : i32
      %add3A_107 = arith.addi %mul3A_0, %add3A_106 : i32
      "tpu.region"() ({
        %run_scoped3A = tpu.sem_alloc : memref<!tpu.dma_semaphore, #tpu.memory_space<semaphore_mem>>
        %dma_start3A = arith.constant 0 : i32
        %dma_start3A_122 = tpu.memref_slice %arg15[%add3A_107, %dma_start3A] : memref<10112x128xf32, #tpu.memory_space<vmem_shared>> -> memref<64x128xf32, #tpu.memory_space<vmem_shared>>
        %dma_start3A_123 = arith.constant 0 : i32
        %dma_start3A_124 = tpu.memref_slice %arg15[%add3A_107, %dma_start3A_123] : memref<10112x128xf32, #tpu.memory_space<vmem_shared>> -> memref<64x128xf32, #tpu.memory_space<vmem_shared>>
        tpu.enqueue_dma source(%dma_start3A_124 : memref<64x128xf32, #tpu.memory_space<vmem_shared>>) target(%arg13 : memref<64x128xf32, #tpu.memory_space<vmem>>) target_semaphore(%run_scoped3A : memref<!tpu.dma_semaphore, #tpu.memory_space<semaphore_mem>>)
        %dma_wait3A = arith.constant 0 : i32
        %dma_wait3A_125 = tpu.memref_slice %arg15[%add3A_107, %dma_wait3A] : memref<10112x128xf32, #tpu.memory_space<vmem_shared>> -> memref<64x128xf32, #tpu.memory_space<vmem_shared>>
        %dma_wait3A_126 = arith.constant 0 : i32
        %dma_wait3A_127 = tpu.memref_slice %arg15[%add3A_107, %dma_wait3A_126] : memref<10112x128xf32, #tpu.memory_space<vmem_shared>> -> memref<64x128xf32, #tpu.memory_space<vmem_shared>>
        tpu.wait_dma2 semaphore(%run_scoped3A : memref<!tpu.dma_semaphore, #tpu.memory_space<semaphore_mem>>) src(%dma_wait3A_127 : memref<64x128xf32, #tpu.memory_space<vmem_shared>>) dst(%arg13 : memref<64x128xf32, #tpu.memory_space<vmem>>)
        tpu.yield
      }) : () -> ()
      "tpu.region"() ({
        %run_scoped3A = tpu.sem_alloc : memref<!tpu.dma_semaphore, #tpu.memory_space<semaphore_mem>>
        %dma_start3A = arith.constant 0 : i32
        %dma_start3A_122 = tpu.memref_slice %arg9[%add3A_107, %dma_start3A] : memref<10112x128xf32, #tpu.memory_space<hbm>> -> memref<64x128xf32, #tpu.memory_space<hbm>>
        %dma_start3A_123 = arith.constant 0 : i32
        %dma_start3A_124 = tpu.memref_slice %arg9[%add3A_107, %dma_start3A_123] : memref<10112x128xf32, #tpu.memory_space<hbm>> -> memref<64x128xf32, #tpu.memory_space<hbm>>
        tpu.enqueue_dma source(%arg13 : memref<64x128xf32, #tpu.memory_space<vmem>>) target(%dma_start3A_124 : memref<64x128xf32, #tpu.memory_space<hbm>>) target_semaphore(%run_scoped3A : memref<!tpu.dma_semaphore, #tpu.memory_space<semaphore_mem>>)
        %dma_wait3A = arith.constant 0 : i32
        %dma_wait3A_125 = tpu.memref_slice %arg9[%add3A_107, %dma_wait3A] : memref<10112x128xf32, #tpu.memory_space<hbm>> -> memref<64x128xf32, #tpu.memory_space<hbm>>
        %dma_wait3A_126 = arith.constant 0 : i32
        %dma_wait3A_127 = tpu.memref_slice %arg9[%add3A_107, %dma_wait3A_126] : memref<10112x128xf32, #tpu.memory_space<hbm>> -> memref<64x128xf32, #tpu.memory_space<hbm>>
        tpu.wait_dma2 semaphore(%run_scoped3A : memref<!tpu.dma_semaphore, #tpu.memory_space<semaphore_mem>>) src(%arg13 : memref<64x128xf32, #tpu.memory_space<vmem>>) dst(%dma_wait3A_127 : memref<64x128xf32, #tpu.memory_space<hbm>>)
        tpu.yield
      }) : () -> ()
      %add3A_108 = arith.constant 192 : i32
      %add3A_109 = arith.addi %mul3A_0, %add3A_108 : i32
      "tpu.region"() ({
        %run_scoped3A = tpu.sem_alloc : memref<!tpu.dma_semaphore, #tpu.memory_space<semaphore_mem>>
        %dma_start3A = arith.constant 0 : i32
        %dma_start3A_122 = tpu.memref_slice %arg15[%add3A_109, %dma_start3A] : memref<10112x128xf32, #tpu.memory_space<vmem_shared>> -> memref<64x128xf32, #tpu.memory_space<vmem_shared>>
        %dma_start3A_123 = arith.constant 0 : i32
        %dma_start3A_124 = tpu.memref_slice %arg15[%add3A_109, %dma_start3A_123] : memref<10112x128xf32, #tpu.memory_space<vmem_shared>> -> memref<64x128xf32, #tpu.memory_space<vmem_shared>>
        tpu.enqueue_dma source(%dma_start3A_124 : memref<64x128xf32, #tpu.memory_space<vmem_shared>>) target(%arg13 : memref<64x128xf32, #tpu.memory_space<vmem>>) target_semaphore(%run_scoped3A : memref<!tpu.dma_semaphore, #tpu.memory_space<semaphore_mem>>)
        %dma_wait3A = arith.constant 0 : i32
        %dma_wait3A_125 = tpu.memref_slice %arg15[%add3A_109, %dma_wait3A] : memref<10112x128xf32, #tpu.memory_space<vmem_shared>> -> memref<64x128xf32, #tpu.memory_space<vmem_shared>>
        %dma_wait3A_126 = arith.constant 0 : i32
        %dma_wait3A_127 = tpu.memref_slice %arg15[%add3A_109, %dma_wait3A_126] : memref<10112x128xf32, #tpu.memory_space<vmem_shared>> -> memref<64x128xf32, #tpu.memory_space<vmem_shared>>
        tpu.wait_dma2 semaphore(%run_scoped3A : memref<!tpu.dma_semaphore, #tpu.memory_space<semaphore_mem>>) src(%dma_wait3A_127 : memref<64x128xf32, #tpu.memory_space<vmem_shared>>) dst(%arg13 : memref<64x128xf32, #tpu.memory_space<vmem>>)
        tpu.yield
      }) : () -> ()
      "tpu.region"() ({
        %run_scoped3A = tpu.sem_alloc : memref<!tpu.dma_semaphore, #tpu.memory_space<semaphore_mem>>
        %dma_start3A = arith.constant 0 : i32
        %dma_start3A_122 = tpu.memref_slice %arg9[%add3A_109, %dma_start3A] : memref<10112x128xf32, #tpu.memory_space<hbm>> -> memref<64x128xf32, #tpu.memory_space<hbm>>
        %dma_start3A_123 = arith.constant 0 : i32
        %dma_start3A_124 = tpu.memref_slice %arg9[%add3A_109, %dma_start3A_123] : memref<10112x128xf32, #tpu.memory_space<hbm>> -> memref<64x128xf32, #tpu.memory_space<hbm>>
        tpu.enqueue_dma source(%arg13 : memref<64x128xf32, #tpu.memory_space<vmem>>) target(%dma_start3A_124 : memref<64x128xf32, #tpu.memory_space<hbm>>) target_semaphore(%run_scoped3A : memref<!tpu.dma_semaphore, #tpu.memory_space<semaphore_mem>>)
        %dma_wait3A = arith.constant 0 : i32
        %dma_wait3A_125 = tpu.memref_slice %arg9[%add3A_109, %dma_wait3A] : memref<10112x128xf32, #tpu.memory_space<hbm>> -> memref<64x128xf32, #tpu.memory_space<hbm>>
        %dma_wait3A_126 = arith.constant 0 : i32
        %dma_wait3A_127 = tpu.memref_slice %arg9[%add3A_109, %dma_wait3A_126] : memref<10112x128xf32, #tpu.memory_space<hbm>> -> memref<64x128xf32, #tpu.memory_space<hbm>>
        tpu.wait_dma2 semaphore(%run_scoped3A : memref<!tpu.dma_semaphore, #tpu.memory_space<semaphore_mem>>) src(%arg13 : memref<64x128xf32, #tpu.memory_space<vmem>>) dst(%dma_wait3A_127 : memref<64x128xf32, #tpu.memory_space<hbm>>)
        tpu.yield
      }) : () -> ()
      %add3A_110 = arith.constant 256 : i32
      %add3A_111 = arith.addi %mul3A_0, %add3A_110 : i32
      "tpu.region"() ({
        %run_scoped3A = tpu.sem_alloc : memref<!tpu.dma_semaphore, #tpu.memory_space<semaphore_mem>>
        %dma_start3A = arith.constant 0 : i32
        %dma_start3A_122 = tpu.memref_slice %arg15[%add3A_111, %dma_start3A] : memref<10112x128xf32, #tpu.memory_space<vmem_shared>> -> memref<64x128xf32, #tpu.memory_space<vmem_shared>>
        %dma_start3A_123 = arith.constant 0 : i32
        %dma_start3A_124 = tpu.memref_slice %arg15[%add3A_111, %dma_start3A_123] : memref<10112x128xf32, #tpu.memory_space<vmem_shared>> -> memref<64x128xf32, #tpu.memory_space<vmem_shared>>
        tpu.enqueue_dma source(%dma_start3A_124 : memref<64x128xf32, #tpu.memory_space<vmem_shared>>) target(%arg13 : memref<64x128xf32, #tpu.memory_space<vmem>>) target_semaphore(%run_scoped3A : memref<!tpu.dma_semaphore, #tpu.memory_space<semaphore_mem>>)
        %dma_wait3A = arith.constant 0 : i32
        %dma_wait3A_125 = tpu.memref_slice %arg15[%add3A_111, %dma_wait3A] : memref<10112x128xf32, #tpu.memory_space<vmem_shared>> -> memref<64x128xf32, #tpu.memory_space<vmem_shared>>
        %dma_wait3A_126 = arith.constant 0 : i32
        %dma_wait3A_127 = tpu.memref_slice %arg15[%add3A_111, %dma_wait3A_126] : memref<10112x128xf32, #tpu.memory_space<vmem_shared>> -> memref<64x128xf32, #tpu.memory_space<vmem_shared>>
        tpu.wait_dma2 semaphore(%run_scoped3A : memref<!tpu.dma_semaphore, #tpu.memory_space<semaphore_mem>>) src(%dma_wait3A_127 : memref<64x128xf32, #tpu.memory_space<vmem_shared>>) dst(%arg13 : memref<64x128xf32, #tpu.memory_space<vmem>>)
        tpu.yield
      }) : () -> ()
      "tpu.region"() ({
        %run_scoped3A = tpu.sem_alloc : memref<!tpu.dma_semaphore, #tpu.memory_space<semaphore_mem>>
        %dma_start3A = arith.constant 0 : i32
        %dma_start3A_122 = tpu.memref_slice %arg9[%add3A_111, %dma_start3A] : memref<10112x128xf32, #tpu.memory_space<hbm>> -> memref<64x128xf32, #tpu.memory_space<hbm>>
        %dma_start3A_123 = arith.constant 0 : i32
        %dma_start3A_124 = tpu.memref_slice %arg9[%add3A_111, %dma_start3A_123] : memref<10112x128xf32, #tpu.memory_space<hbm>> -> memref<64x128xf32, #tpu.memory_space<hbm>>
        tpu.enqueue_dma source(%arg13 : memref<64x128xf32, #tpu.memory_space<vmem>>) target(%dma_start3A_124 : memref<64x128xf32, #tpu.memory_space<hbm>>) target_semaphore(%run_scoped3A : memref<!tpu.dma_semaphore, #tpu.memory_space<semaphore_mem>>)
        %dma_wait3A = arith.constant 0 : i32
        %dma_wait3A_125 = tpu.memref_slice %arg9[%add3A_111, %dma_wait3A] : memref<10112x128xf32, #tpu.memory_space<hbm>> -> memref<64x128xf32, #tpu.memory_space<hbm>>
        %dma_wait3A_126 = arith.constant 0 : i32
        %dma_wait3A_127 = tpu.memref_slice %arg9[%add3A_111, %dma_wait3A_126] : memref<10112x128xf32, #tpu.memory_space<hbm>> -> memref<64x128xf32, #tpu.memory_space<hbm>>
        tpu.wait_dma2 semaphore(%run_scoped3A : memref<!tpu.dma_semaphore, #tpu.memory_space<semaphore_mem>>) src(%arg13 : memref<64x128xf32, #tpu.memory_space<vmem>>) dst(%dma_wait3A_127 : memref<64x128xf32, #tpu.memory_space<hbm>>)
        tpu.yield
      }) : () -> ()
      %add3A_112 = arith.constant 320 : i32
      %add3A_113 = arith.addi %mul3A_0, %add3A_112 : i32
      "tpu.region"() ({
        %run_scoped3A = tpu.sem_alloc : memref<!tpu.dma_semaphore, #tpu.memory_space<semaphore_mem>>
        %dma_start3A = arith.constant 0 : i32
        %dma_start3A_122 = tpu.memref_slice %arg15[%add3A_113, %dma_start3A] : memref<10112x128xf32, #tpu.memory_space<vmem_shared>> -> memref<64x128xf32, #tpu.memory_space<vmem_shared>>
        %dma_start3A_123 = arith.constant 0 : i32
        %dma_start3A_124 = tpu.memref_slice %arg15[%add3A_113, %dma_start3A_123] : memref<10112x128xf32, #tpu.memory_space<vmem_shared>> -> memref<64x128xf32, #tpu.memory_space<vmem_shared>>
        tpu.enqueue_dma source(%dma_start3A_124 : memref<64x128xf32, #tpu.memory_space<vmem_shared>>) target(%arg13 : memref<64x128xf32, #tpu.memory_space<vmem>>) target_semaphore(%run_scoped3A : memref<!tpu.dma_semaphore, #tpu.memory_space<semaphore_mem>>)
        %dma_wait3A = arith.constant 0 : i32
        %dma_wait3A_125 = tpu.memref_slice %arg15[%add3A_113, %dma_wait3A] : memref<10112x128xf32, #tpu.memory_space<vmem_shared>> -> memref<64x128xf32, #tpu.memory_space<vmem_shared>>
        %dma_wait3A_126 = arith.constant 0 : i32
        %dma_wait3A_127 = tpu.memref_slice %arg15[%add3A_113, %dma_wait3A_126] : memref<10112x128xf32, #tpu.memory_space<vmem_shared>> -> memref<64x128xf32, #tpu.memory_space<vmem_shared>>
        tpu.wait_dma2 semaphore(%run_scoped3A : memref<!tpu.dma_semaphore, #tpu.memory_space<semaphore_mem>>) src(%dma_wait3A_127 : memref<64x128xf32, #tpu.memory_space<vmem_shared>>) dst(%arg13 : memref<64x128xf32, #tpu.memory_space<vmem>>)
        tpu.yield
      }) : () -> ()
      "tpu.region"() ({
        %run_scoped3A = tpu.sem_alloc : memref<!tpu.dma_semaphore, #tpu.memory_space<semaphore_mem>>
        %dma_start3A = arith.constant 0 : i32
        %dma_start3A_122 = tpu.memref_slice %arg9[%add3A_113, %dma_start3A] : memref<10112x128xf32, #tpu.memory_space<hbm>> -> memref<64x128xf32, #tpu.memory_space<hbm>>
        %dma_start3A_123 = arith.constant 0 : i32
        %dma_start3A_124 = tpu.memref_slice %arg9[%add3A_113, %dma_start3A_123] : memref<10112x128xf32, #tpu.memory_space<hbm>> -> memref<64x128xf32, #tpu.memory_space<hbm>>
        tpu.enqueue_dma source(%arg13 : memref<64x128xf32, #tpu.memory_space<vmem>>) target(%dma_start3A_124 : memref<64x128xf32, #tpu.memory_space<hbm>>) target_semaphore(%run_scoped3A : memref<!tpu.dma_semaphore, #tpu.memory_space<semaphore_mem>>)
        %dma_wait3A = arith.constant 0 : i32
        %dma_wait3A_125 = tpu.memref_slice %arg9[%add3A_113, %dma_wait3A] : memref<10112x128xf32, #tpu.memory_space<hbm>> -> memref<64x128xf32, #tpu.memory_space<hbm>>
        %dma_wait3A_126 = arith.constant 0 : i32
        %dma_wait3A_127 = tpu.memref_slice %arg9[%add3A_113, %dma_wait3A_126] : memref<10112x128xf32, #tpu.memory_space<hbm>> -> memref<64x128xf32, #tpu.memory_space<hbm>>
        tpu.wait_dma2 semaphore(%run_scoped3A : memref<!tpu.dma_semaphore, #tpu.memory_space<semaphore_mem>>) src(%arg13 : memref<64x128xf32, #tpu.memory_space<vmem>>) dst(%dma_wait3A_127 : memref<64x128xf32, #tpu.memory_space<hbm>>)
        tpu.yield
      }) : () -> ()
      %add3A_114 = arith.constant 384 : i32
      %add3A_115 = arith.addi %mul3A_0, %add3A_114 : i32
      "tpu.region"() ({
        %run_scoped3A = tpu.sem_alloc : memref<!tpu.dma_semaphore, #tpu.memory_space<semaphore_mem>>
        %dma_start3A = arith.constant 0 : i32
        %dma_start3A_122 = tpu.memref_slice %arg15[%add3A_115, %dma_start3A] : memref<10112x128xf32, #tpu.memory_space<vmem_shared>> -> memref<64x128xf32, #tpu.memory_space<vmem_shared>>
        %dma_start3A_123 = arith.constant 0 : i32
        %dma_start3A_124 = tpu.memref_slice %arg15[%add3A_115, %dma_start3A_123] : memref<10112x128xf32, #tpu.memory_space<vmem_shared>> -> memref<64x128xf32, #tpu.memory_space<vmem_shared>>
        tpu.enqueue_dma source(%dma_start3A_124 : memref<64x128xf32, #tpu.memory_space<vmem_shared>>) target(%arg13 : memref<64x128xf32, #tpu.memory_space<vmem>>) target_semaphore(%run_scoped3A : memref<!tpu.dma_semaphore, #tpu.memory_space<semaphore_mem>>)
        %dma_wait3A = arith.constant 0 : i32
        %dma_wait3A_125 = tpu.memref_slice %arg15[%add3A_115, %dma_wait3A] : memref<10112x128xf32, #tpu.memory_space<vmem_shared>> -> memref<64x128xf32, #tpu.memory_space<vmem_shared>>
        %dma_wait3A_126 = arith.constant 0 : i32
        %dma_wait3A_127 = tpu.memref_slice %arg15[%add3A_115, %dma_wait3A_126] : memref<10112x128xf32, #tpu.memory_space<vmem_shared>> -> memref<64x128xf32, #tpu.memory_space<vmem_shared>>
        tpu.wait_dma2 semaphore(%run_scoped3A : memref<!tpu.dma_semaphore, #tpu.memory_space<semaphore_mem>>) src(%dma_wait3A_127 : memref<64x128xf32, #tpu.memory_space<vmem_shared>>) dst(%arg13 : memref<64x128xf32, #tpu.memory_space<vmem>>)
        tpu.yield
      }) : () -> ()
      "tpu.region"() ({
        %run_scoped3A = tpu.sem_alloc : memref<!tpu.dma_semaphore, #tpu.memory_space<semaphore_mem>>
        %dma_start3A = arith.constant 0 : i32
        %dma_start3A_122 = tpu.memref_slice %arg9[%add3A_115, %dma_start3A] : memref<10112x128xf32, #tpu.memory_space<hbm>> -> memref<64x128xf32, #tpu.memory_space<hbm>>
        %dma_start3A_123 = arith.constant 0 : i32
        %dma_start3A_124 = tpu.memref_slice %arg9[%add3A_115, %dma_start3A_123] : memref<10112x128xf32, #tpu.memory_space<hbm>> -> memref<64x128xf32, #tpu.memory_space<hbm>>
        tpu.enqueue_dma source(%arg13 : memref<64x128xf32, #tpu.memory_space<vmem>>) target(%dma_start3A_124 : memref<64x128xf32, #tpu.memory_space<hbm>>) target_semaphore(%run_scoped3A : memref<!tpu.dma_semaphore, #tpu.memory_space<semaphore_mem>>)
        %dma_wait3A = arith.constant 0 : i32
        %dma_wait3A_125 = tpu.memref_slice %arg9[%add3A_115, %dma_wait3A] : memref<10112x128xf32, #tpu.memory_space<hbm>> -> memref<64x128xf32, #tpu.memory_space<hbm>>
        %dma_wait3A_126 = arith.constant 0 : i32
        %dma_wait3A_127 = tpu.memref_slice %arg9[%add3A_115, %dma_wait3A_126] : memref<10112x128xf32, #tpu.memory_space<hbm>> -> memref<64x128xf32, #tpu.memory_space<hbm>>
        tpu.wait_dma2 semaphore(%run_scoped3A : memref<!tpu.dma_semaphore, #tpu.memory_space<semaphore_mem>>) src(%arg13 : memref<64x128xf32, #tpu.memory_space<vmem>>) dst(%dma_wait3A_127 : memref<64x128xf32, #tpu.memory_space<hbm>>)
        tpu.yield
      }) : () -> ()
      %add3A_116 = arith.constant 448 : i32
      %add3A_117 = arith.addi %mul3A_0, %add3A_116 : i32
      "tpu.region"() ({
        %run_scoped3A = tpu.sem_alloc : memref<!tpu.dma_semaphore, #tpu.memory_space<semaphore_mem>>
        %dma_start3A = arith.constant 0 : i32
        %dma_start3A_122 = tpu.memref_slice %arg15[%add3A_117, %dma_start3A] : memref<10112x128xf32, #tpu.memory_space<vmem_shared>> -> memref<64x128xf32, #tpu.memory_space<vmem_shared>>
        %dma_start3A_123 = arith.constant 0 : i32
        %dma_start3A_124 = tpu.memref_slice %arg15[%add3A_117, %dma_start3A_123] : memref<10112x128xf32, #tpu.memory_space<vmem_shared>> -> memref<64x128xf32, #tpu.memory_space<vmem_shared>>
        tpu.enqueue_dma source(%dma_start3A_124 : memref<64x128xf32, #tpu.memory_space<vmem_shared>>) target(%arg13 : memref<64x128xf32, #tpu.memory_space<vmem>>) target_semaphore(%run_scoped3A : memref<!tpu.dma_semaphore, #tpu.memory_space<semaphore_mem>>)
        %dma_wait3A = arith.constant 0 : i32
        %dma_wait3A_125 = tpu.memref_slice %arg15[%add3A_117, %dma_wait3A] : memref<10112x128xf32, #tpu.memory_space<vmem_shared>> -> memref<64x128xf32, #tpu.memory_space<vmem_shared>>
        %dma_wait3A_126 = arith.constant 0 : i32
        %dma_wait3A_127 = tpu.memref_slice %arg15[%add3A_117, %dma_wait3A_126] : memref<10112x128xf32, #tpu.memory_space<vmem_shared>> -> memref<64x128xf32, #tpu.memory_space<vmem_shared>>
        tpu.wait_dma2 semaphore(%run_scoped3A : memref<!tpu.dma_semaphore, #tpu.memory_space<semaphore_mem>>) src(%dma_wait3A_127 : memref<64x128xf32, #tpu.memory_space<vmem_shared>>) dst(%arg13 : memref<64x128xf32, #tpu.memory_space<vmem>>)
        tpu.yield
      }) : () -> ()
      "tpu.region"() ({
        %run_scoped3A = tpu.sem_alloc : memref<!tpu.dma_semaphore, #tpu.memory_space<semaphore_mem>>
        %dma_start3A = arith.constant 0 : i32
        %dma_start3A_122 = tpu.memref_slice %arg9[%add3A_117, %dma_start3A] : memref<10112x128xf32, #tpu.memory_space<hbm>> -> memref<64x128xf32, #tpu.memory_space<hbm>>
        %dma_start3A_123 = arith.constant 0 : i32
        %dma_start3A_124 = tpu.memref_slice %arg9[%add3A_117, %dma_start3A_123] : memref<10112x128xf32, #tpu.memory_space<hbm>> -> memref<64x128xf32, #tpu.memory_space<hbm>>
        tpu.enqueue_dma source(%arg13 : memref<64x128xf32, #tpu.memory_space<vmem>>) target(%dma_start3A_124 : memref<64x128xf32, #tpu.memory_space<hbm>>) target_semaphore(%run_scoped3A : memref<!tpu.dma_semaphore, #tpu.memory_space<semaphore_mem>>)
        %dma_wait3A = arith.constant 0 : i32
        %dma_wait3A_125 = tpu.memref_slice %arg9[%add3A_117, %dma_wait3A] : memref<10112x128xf32, #tpu.memory_space<hbm>> -> memref<64x128xf32, #tpu.memory_space<hbm>>
        %dma_wait3A_126 = arith.constant 0 : i32
        %dma_wait3A_127 = tpu.memref_slice %arg9[%add3A_117, %dma_wait3A_126] : memref<10112x128xf32, #tpu.memory_space<hbm>> -> memref<64x128xf32, #tpu.memory_space<hbm>>
        tpu.wait_dma2 semaphore(%run_scoped3A : memref<!tpu.dma_semaphore, #tpu.memory_space<semaphore_mem>>) src(%arg13 : memref<64x128xf32, #tpu.memory_space<vmem>>) dst(%dma_wait3A_127 : memref<64x128xf32, #tpu.memory_space<hbm>>)
        tpu.yield
      }) : () -> ()
      %add3A_118 = arith.constant 512 : i32
      %add3A_119 = arith.addi %mul3A_0, %add3A_118 : i32
      "tpu.region"() ({
        %run_scoped3A = tpu.sem_alloc : memref<!tpu.dma_semaphore, #tpu.memory_space<semaphore_mem>>
        %dma_start3A = arith.constant 0 : i32
        %dma_start3A_122 = tpu.memref_slice %arg15[%add3A_119, %dma_start3A] : memref<10112x128xf32, #tpu.memory_space<vmem_shared>> -> memref<64x128xf32, #tpu.memory_space<vmem_shared>>
        %dma_start3A_123 = arith.constant 0 : i32
        %dma_start3A_124 = tpu.memref_slice %arg15[%add3A_119, %dma_start3A_123] : memref<10112x128xf32, #tpu.memory_space<vmem_shared>> -> memref<64x128xf32, #tpu.memory_space<vmem_shared>>
        tpu.enqueue_dma source(%dma_start3A_124 : memref<64x128xf32, #tpu.memory_space<vmem_shared>>) target(%arg13 : memref<64x128xf32, #tpu.memory_space<vmem>>) target_semaphore(%run_scoped3A : memref<!tpu.dma_semaphore, #tpu.memory_space<semaphore_mem>>)
        %dma_wait3A = arith.constant 0 : i32
        %dma_wait3A_125 = tpu.memref_slice %arg15[%add3A_119, %dma_wait3A] : memref<10112x128xf32, #tpu.memory_space<vmem_shared>> -> memref<64x128xf32, #tpu.memory_space<vmem_shared>>
        %dma_wait3A_126 = arith.constant 0 : i32
        %dma_wait3A_127 = tpu.memref_slice %arg15[%add3A_119, %dma_wait3A_126] : memref<10112x128xf32, #tpu.memory_space<vmem_shared>> -> memref<64x128xf32, #tpu.memory_space<vmem_shared>>
        tpu.wait_dma2 semaphore(%run_scoped3A : memref<!tpu.dma_semaphore, #tpu.memory_space<semaphore_mem>>) src(%dma_wait3A_127 : memref<64x128xf32, #tpu.memory_space<vmem_shared>>) dst(%arg13 : memref<64x128xf32, #tpu.memory_space<vmem>>)
        tpu.yield
      }) : () -> ()
      "tpu.region"() ({
        %run_scoped3A = tpu.sem_alloc : memref<!tpu.dma_semaphore, #tpu.memory_space<semaphore_mem>>
        %dma_start3A = arith.constant 0 : i32
        %dma_start3A_122 = tpu.memref_slice %arg9[%add3A_119, %dma_start3A] : memref<10112x128xf32, #tpu.memory_space<hbm>> -> memref<64x128xf32, #tpu.memory_space<hbm>>
        %dma_start3A_123 = arith.constant 0 : i32
        %dma_start3A_124 = tpu.memref_slice %arg9[%add3A_119, %dma_start3A_123] : memref<10112x128xf32, #tpu.memory_space<hbm>> -> memref<64x128xf32, #tpu.memory_space<hbm>>
        tpu.enqueue_dma source(%arg13 : memref<64x128xf32, #tpu.memory_space<vmem>>) target(%dma_start3A_124 : memref<64x128xf32, #tpu.memory_space<hbm>>) target_semaphore(%run_scoped3A : memref<!tpu.dma_semaphore, #tpu.memory_space<semaphore_mem>>)
        %dma_wait3A = arith.constant 0 : i32
        %dma_wait3A_125 = tpu.memref_slice %arg9[%add3A_119, %dma_wait3A] : memref<10112x128xf32, #tpu.memory_space<hbm>> -> memref<64x128xf32, #tpu.memory_space<hbm>>
        %dma_wait3A_126 = arith.constant 0 : i32
        %dma_wait3A_127 = tpu.memref_slice %arg9[%add3A_119, %dma_wait3A_126] : memref<10112x128xf32, #tpu.memory_space<hbm>> -> memref<64x128xf32, #tpu.memory_space<hbm>>
        tpu.wait_dma2 semaphore(%run_scoped3A : memref<!tpu.dma_semaphore, #tpu.memory_space<semaphore_mem>>) src(%arg13 : memref<64x128xf32, #tpu.memory_space<vmem>>) dst(%dma_wait3A_127 : memref<64x128xf32, #tpu.memory_space<hbm>>)
        tpu.yield
      }) : () -> ()
      %add3A_120 = arith.constant 576 : i32
      %add3A_121 = arith.addi %mul3A_0, %add3A_120 : i32
      "tpu.region"() ({
        %run_scoped3A = tpu.sem_alloc : memref<!tpu.dma_semaphore, #tpu.memory_space<semaphore_mem>>
        %dma_start3A = arith.constant 0 : i32
        %dma_start3A_122 = arith.constant 0 : i32
        %dma_start3A_123 = tpu.memref_slice %arg13[%dma_start3A, %dma_start3A_122] : memref<64x128xf32, #tpu.memory_space<vmem>> -> memref<56x128xf32, #tpu.memory_space<vmem>>
        %dma_start3A_124 = arith.constant 0 : i32
        %dma_start3A_125 = tpu.memref_slice %arg15[%add3A_121, %dma_start3A_124] : memref<10112x128xf32, #tpu.memory_space<vmem_shared>> -> memref<56x128xf32, #tpu.memory_space<vmem_shared>>
        %dma_start3A_126 = arith.constant 0 : i32
        %dma_start3A_127 = arith.constant 0 : i32
        %dma_start3A_128 = tpu.memref_slice %arg13[%dma_start3A_126, %dma_start3A_127] : memref<64x128xf32, #tpu.memory_space<vmem>> -> memref<56x128xf32, #tpu.memory_space<vmem>>
        %dma_start3A_129 = arith.constant 0 : i32
        %dma_start3A_130 = tpu.memref_slice %arg15[%add3A_121, %dma_start3A_129] : memref<10112x128xf32, #tpu.memory_space<vmem_shared>> -> memref<56x128xf32, #tpu.memory_space<vmem_shared>>
        tpu.enqueue_dma source(%dma_start3A_130 : memref<56x128xf32, #tpu.memory_space<vmem_shared>>) target(%dma_start3A_128 : memref<56x128xf32, #tpu.memory_space<vmem>>) target_semaphore(%run_scoped3A : memref<!tpu.dma_semaphore, #tpu.memory_space<semaphore_mem>>)
        %dma_wait3A = arith.constant 0 : i32
        %dma_wait3A_131 = arith.constant 0 : i32
        %dma_wait3A_132 = tpu.memref_slice %arg13[%dma_wait3A, %dma_wait3A_131] : memref<64x128xf32, #tpu.memory_space<vmem>> -> memref<56x128xf32, #tpu.memory_space<vmem>>
        %dma_wait3A_133 = arith.constant 0 : i32
        %dma_wait3A_134 = tpu.memref_slice %arg15[%add3A_121, %dma_wait3A_133] : memref<10112x128xf32, #tpu.memory_space<vmem_shared>> -> memref<56x128xf32, #tpu.memory_space<vmem_shared>>
        %dma_wait3A_135 = arith.constant 0 : i32
        %dma_wait3A_136 = arith.constant 0 : i32
        %dma_wait3A_137 = tpu.memref_slice %arg13[%dma_wait3A_135, %dma_wait3A_136] : memref<64x128xf32, #tpu.memory_space<vmem>> -> memref<56x128xf32, #tpu.memory_space<vmem>>
        %dma_wait3A_138 = arith.constant 0 : i32
        %dma_wait3A_139 = tpu.memref_slice %arg15[%add3A_121, %dma_wait3A_138] : memref<10112x128xf32, #tpu.memory_space<vmem_shared>> -> memref<56x128xf32, #tpu.memory_space<vmem_shared>>
        tpu.wait_dma2 semaphore(%run_scoped3A : memref<!tpu.dma_semaphore, #tpu.memory_space<semaphore_mem>>) src(%dma_wait3A_139 : memref<56x128xf32, #tpu.memory_space<vmem_shared>>) dst(%dma_wait3A_137 : memref<56x128xf32, #tpu.memory_space<vmem>>)
        tpu.yield
      }) : () -> ()
      "tpu.region"() ({
        %run_scoped3A = tpu.sem_alloc : memref<!tpu.dma_semaphore, #tpu.memory_space<semaphore_mem>>
        %dma_start3A = arith.constant 0 : i32
        %dma_start3A_122 = arith.constant 0 : i32
        %dma_start3A_123 = tpu.memref_slice %arg13[%dma_start3A, %dma_start3A_122] : memref<64x128xf32, #tpu.memory_space<vmem>> -> memref<56x128xf32, #tpu.memory_space<vmem>>
        %dma_start3A_124 = arith.constant 0 : i32
        %dma_start3A_125 = tpu.memref_slice %arg9[%add3A_121, %dma_start3A_124] : memref<10112x128xf32, #tpu.memory_space<hbm>> -> memref<56x128xf32, #tpu.memory_space<hbm>>
        %dma_start3A_126 = arith.constant 0 : i32
        %dma_start3A_127 = tpu.memref_slice %arg9[%add3A_121, %dma_start3A_126] : memref<10112x128xf32, #tpu.memory_space<hbm>> -> memref<56x128xf32, #tpu.memory_space<hbm>>
        %dma_start3A_128 = arith.constant 0 : i32
        %dma_start3A_129 = arith.constant 0 : i32
        %dma_start3A_130 = tpu.memref_slice %arg13[%dma_start3A_128, %dma_start3A_129] : memref<64x128xf32, #tpu.memory_space<vmem>> -> memref<56x128xf32, #tpu.memory_space<vmem>>
        tpu.enqueue_dma source(%dma_start3A_130 : memref<56x128xf32, #tpu.memory_space<vmem>>) target(%dma_start3A_127 : memref<56x128xf32, #tpu.memory_space<hbm>>) target_semaphore(%run_scoped3A : memref<!tpu.dma_semaphore, #tpu.memory_space<semaphore_mem>>)
        %dma_wait3A = arith.constant 0 : i32
        %dma_wait3A_131 = arith.constant 0 : i32
        %dma_wait3A_132 = tpu.memref_slice %arg13[%dma_wait3A, %dma_wait3A_131] : memref<64x128xf32, #tpu.memory_space<vmem>> -> memref<56x128xf32, #tpu.memory_space<vmem>>
        %dma_wait3A_133 = arith.constant 0 : i32
        %dma_wait3A_134 = tpu.memref_slice %arg9[%add3A_121, %dma_wait3A_133] : memref<10112x128xf32, #tpu.memory_space<hbm>> -> memref<56x128xf32, #tpu.memory_space<hbm>>
        %dma_wait3A_135 = arith.constant 0 : i32
        %dma_wait3A_136 = tpu.memref_slice %arg9[%add3A_121, %dma_wait3A_135] : memref<10112x128xf32, #tpu.memory_space<hbm>> -> memref<56x128xf32, #tpu.memory_space<hbm>>
        %dma_wait3A_137 = arith.constant 0 : i32
        %dma_wait3A_138 = arith.constant 0 : i32
        %dma_wait3A_139 = tpu.memref_slice %arg13[%dma_wait3A_137, %dma_wait3A_138] : memref<64x128xf32, #tpu.memory_space<vmem>> -> memref<56x128xf32, #tpu.memory_space<vmem>>
        tpu.wait_dma2 semaphore(%run_scoped3A : memref<!tpu.dma_semaphore, #tpu.memory_space<semaphore_mem>>) src(%dma_wait3A_139 : memref<56x128xf32, #tpu.memory_space<vmem>>) dst(%dma_wait3A_136 : memref<56x128xf32, #tpu.memory_space<hbm>>)
        tpu.yield
      }) : () -> ()
    } else {
    }
    return
  }
}

module attributes {stable_mosaic.version = 14 : i64} {
  func.func @_tc_body(%arg0: i32, %arg1: memref<1000x256xf32, #tpu.memory_space<vmem>>, %arg2: memref<1000x128xf32, #tpu.memory_space<vmem>>, %arg3: memref<1000x128xf32, #tpu.memory_space<vmem>>, %arg4: memref<1000x128xf32, #tpu.memory_space<vmem>>, %arg5: memref<1000x128xf32, #tpu.memory_space<vmem>>, %arg6: memref<256x256xf32, #tpu.memory_space<vmem>>, %arg7: memref<256x256xf32, #tpu.memory_space<vmem>>, %arg8: memref<1x256xf32, #tpu.memory_space<vmem>>, %arg9: memref<1000x256xf32, #tpu.memory_space<vmem>>) attributes {dimension_semantics = [#tpu.dimension_semantics<arbitrary>], iteration_bounds = array<i64: 10>, scalar_prefetch = 0 : i64, scratch_operands = 0 : i64, tpu.core_type = #tpu.core_type<tc>, window_params = [{transform_indices = @transform_0, window_bounds = array<i64: 1000, 256>}, {transform_indices = @transform_1, window_bounds = array<i64: 1000, 128>}, {transform_indices = @transform_2, window_bounds = array<i64: 1000, 128>}, {transform_indices = @transform_3, window_bounds = array<i64: 1000, 128>}, {transform_indices = @transform_4, window_bounds = array<i64: 1000, 128>}, {pipeline_mode = #tpu.pipeline_mode<synchronous>, transform_indices = @transform_5, window_bounds = array<i64: 256, 256>}, {pipeline_mode = #tpu.pipeline_mode<synchronous>, transform_indices = @transform_6, window_bounds = array<i64: 256, 256>}, {pipeline_mode = #tpu.pipeline_mode<synchronous>, transform_indices = @transform_7, window_bounds = array<i64: 1, 256>}, {transform_indices = @transform_8, window_bounds = array<i64: 1000, 256>}]} {
    %get3A = arith.constant 0 : index
    %get3A_0 = arith.constant 0 : index
    %get3A_1 = vector.load %arg1[%get3A, %get3A_0] : memref<1000x256xf32, #tpu.memory_space<vmem>>, vector<1000x256xf32>
    %get3A_2 = arith.constant 0 : index
    %get3A_3 = arith.constant 0 : index
    %get3A_4 = vector.load %arg4[%get3A_2, %get3A_3] : memref<1000x128xf32, #tpu.memory_space<vmem>>, vector<1000x128xf32>
    %slice3A = vector.extract_strided_slice %get3A_4 {offsets = [0, 0], sizes = [1000, 1], strides = [1, 1]} : vector<1000x128xf32> to vector<1000x1xf32>
    %get3A_5 = arith.constant 0 : index
    %get3A_6 = arith.constant 0 : index
    %get3A_7 = vector.load %arg5[%get3A_5, %get3A_6] : memref<1000x128xf32, #tpu.memory_space<vmem>>, vector<1000x128xf32>
    %slice3A_8 = vector.extract_strided_slice %get3A_7 {offsets = [0, 0], sizes = [1000, 1], strides = [1, 1]} : vector<1000x128xf32> to vector<1000x1xf32>
    %add3A = arith.addf %slice3A, %slice3A_8 : vector<1000x1xf32>
    %get3A_9 = arith.constant 0 : index
    %get3A_10 = arith.constant 0 : index
    %get3A_11 = vector.load %arg2[%get3A_9, %get3A_10] : memref<1000x128xf32, #tpu.memory_space<vmem>>, vector<1000x128xf32>
    %get3A_12 = arith.constant 0 : index
    %get3A_13 = arith.constant 0 : index
    %get3A_14 = vector.load %arg3[%get3A_12, %get3A_13] : memref<1000x128xf32, #tpu.memory_space<vmem>>, vector<1000x128xf32>
    %concatenate3A = tpu.concatenate %get3A_11, %get3A_14 in 1 : vector<1000x128xf32>, vector<1000x128xf32> -> vector<1000x256xf32>
    %gt3A = arith.constant 0.000000e+00 : f32
    %gt3A_15 = vector.broadcast %gt3A : f32 to vector<1000x1xf32>
    %gt3A_16 = arith.cmpf ogt, %add3A, %gt3A_15 : vector<1000x1xf32>
    %max3A = arith.constant 1.000000e+00 : f32
    %max3A_17 = vector.broadcast %max3A : f32 to vector<1000x1xf32>
    %max3A_18 = arith.maximumf %add3A, %max3A_17 : vector<1000x1xf32>
    %div3A = vector.broadcast %max3A_18 : vector<1000x1xf32> to vector<1000x256xf32>
    %div3A_19 = arith.divf %concatenate3A, %div3A : vector<1000x256xf32>
    %jit3A = arith.constant 0.000000e+00 : f32
    %broadcast_in_dim3A = vector.shape_cast %gt3A_16 : vector<1000x1xi1> to vector<1000x1xi1>
    %broadcast_in_dim3A_20 = vector.broadcast %broadcast_in_dim3A : vector<1000x1xi1> to vector<1000x256xi1>
    %broadcast_in_dim3A_21 = vector.broadcast %jit3A : f32 to vector<1000x256xf32>
    %select_n3A = arith.select %broadcast_in_dim3A_20, %div3A_19, %broadcast_in_dim3A_21 : vector<1000x256xi1>, vector<1000x256xf32>
    %get3A_22 = arith.constant 0 : index
    %get3A_23 = arith.constant 0 : index
    %get3A_24 = vector.load %arg7[%get3A_22, %get3A_23] : memref<256x256xf32, #tpu.memory_space<vmem>>, vector<256x256xf32>
    %dot_general3A = arith.constant dense<0.000000e+00> : vector<1000x256xf32>
    %dot_general3A_25 = tpu.matmul %get3A_1, %get3A_24, %dot_general3A {dimension_numbers = #tpu.dot_dimension_numbers<[1], [1], [0], [0], [0, 0, 1, 0], [], []>, transpose_lhs_hint = false} : vector<1000x256xf32>, vector<256x256xf32>, vector<1000x256xf32> -> vector<1000x256xf32>
    %get3A_26 = arith.constant 0 : index
    %get3A_27 = arith.constant 0 : index
    %get3A_28 = vector.load %arg6[%get3A_26, %get3A_27] : memref<256x256xf32, #tpu.memory_space<vmem>>, vector<256x256xf32>
    %dot_general3A_29 = arith.constant dense<0.000000e+00> : vector<1000x256xf32>
    %dot_general3A_30 = tpu.matmul %select_n3A, %get3A_28, %dot_general3A_29 {dimension_numbers = #tpu.dot_dimension_numbers<[1], [1], [0], [0], [0, 0, 1, 0], [], []>, transpose_lhs_hint = false} : vector<1000x256xf32>, vector<256x256xf32>, vector<1000x256xf32> -> vector<1000x256xf32>
    %add3A_31 = arith.addf %dot_general3A_25, %dot_general3A_30 : vector<1000x256xf32>
    %get3A_32 = arith.constant 0 : index
    %get3A_33 = arith.constant 0 : index
    %get3A_34 = vector.load %arg8[%get3A_32, %get3A_33] : memref<1x256xf32, #tpu.memory_space<vmem>>, vector<1x256xf32>
    %add3A_35 = vector.broadcast %get3A_34 : vector<1x256xf32> to vector<1000x256xf32>
    %add3A_36 = arith.addf %add3A_31, %add3A_35 : vector<1000x256xf32>
    %swap3A = arith.constant 0 : index
    %swap3A_37 = arith.constant 0 : index
    %swap3A_38 = vector.load %arg9[%swap3A, %swap3A_37] : memref<1000x256xf32, #tpu.memory_space<vmem>>, vector<1000x256xf32>
    tpu.vector_store %arg9[%swap3A, %swap3A_37], %add3A_36 {strides = array<i32>} : memref<1000x256xf32, #tpu.memory_space<vmem>>, vector<1000x256xf32>,
    return
  }
  func.func @transform_0(%arg0: i32) -> (i32, i32) {
    %c0_i32 = arith.constant 0 : i32
    %c0_i32_0 = arith.constant 0 : i32
    return %arg0, %c0_i32 : i32, i32
  }
  func.func @transform_1(%arg0: i32) -> (i32, i32) {
    %c0_i32 = arith.constant 0 : i32
    %c0_i32_0 = arith.constant 0 : i32
    return %arg0, %c0_i32 : i32, i32
  }
  func.func @transform_2(%arg0: i32) -> (i32, i32) {
    %c0_i32 = arith.constant 0 : i32
    %c0_i32_0 = arith.constant 0 : i32
    return %arg0, %c0_i32 : i32, i32
  }
  func.func @transform_3(%arg0: i32) -> (i32, i32) {
    %c0_i32 = arith.constant 0 : i32
    %c0_i32_0 = arith.constant 0 : i32
    return %arg0, %c0_i32 : i32, i32
  }
  func.func @transform_4(%arg0: i32) -> (i32, i32) {
    %c0_i32 = arith.constant 0 : i32
    %c0_i32_0 = arith.constant 0 : i32
    return %arg0, %c0_i32 : i32, i32
  }
  func.func @transform_5(%arg0: i32) -> (i32, i32) {
    %c0_i32 = arith.constant 0 : i32
    %c0_i32_0 = arith.constant 0 : i32
    %c0_i32_1 = arith.constant 0 : i32
    return %c0_i32, %c0_i32_0 : i32, i32
  }
  func.func @transform_6(%arg0: i32) -> (i32, i32) {
    %c0_i32 = arith.constant 0 : i32
    %c0_i32_0 = arith.constant 0 : i32
    %c0_i32_1 = arith.constant 0 : i32
    return %c0_i32, %c0_i32_0 : i32, i32
  }
  func.func @transform_7(%arg0: i32) -> (i32, i32) {
    %c0_i32 = arith.constant 0 : i32
    %c0_i32_0 = arith.constant 0 : i32
    %c0_i32_1 = arith.constant 0 : i32
    return %c0_i32, %c0_i32_0 : i32, i32
  }
  func.func @transform_8(%arg0: i32) -> (i32, i32) {
    %c0_i32 = arith.constant 0 : i32
    %c0_i32_0 = arith.constant 0 : i32
    return %arg0, %c0_i32 : i32, i32
  }
}

</mosaic_0001>

<sc_bundles>
// kernel: kernel.4.cloned.1.call-start
scs
__scs_entry_jumppad:
0x0: {  	(pc) =	sbr.rel $0x88, $3  }
0x1: {  	(tag) =	ssettag $0x0;
	lr =	simm.s32 $0x1  }
0x2: {  	[smem:$0x3F9C] =	sst lr;
	_ =	strace $0xD0000000  }
0x3: {  	_ = 	snop  }
0x4: {  	_ = 	snop  }
0x5: {  	_ = 	snop  }
0x6: {  	_ = 	snop  }
0x7: {  	_ = 	snop  }
__scs_overlays_trampoline_lowered:
0x8: {  	[smem:$0x3FAB] =	sst s0  }
0x9: {  	[smem:$0x3FAC] =	sst s1  }
0xa: {  	[smem:$0x3FAD] =	sst s2  }
0xb: {  	[smem:$0x3FAE] =	sst s3  }
0xc: {  	[smem:$0x3FAF] =	sst s4  }
0xd: {  	[smem:$0x3FB0] =	sst s5  }
0xe: {  	[smem:$0x3FB1] =	sst s6  }
0xf: {  	[smem:$0x3FB2] =	sst s7  }
0x10: {  	[smem:$0x3FB3] =	sst s8  }
0x11: {  	[smem:$0x3FB4] =	sst s9;
	s0 =	simm.s32 @!p0 $0x0  }
0x12: {  	s1 =	sld [smem:$0x3F9A];
	s0 =	simm.s32 @p0 $0x1  }
0x13: {  	[smem:$0x3FB5] =	sst s0;
	s0 =	simm.s32 @!p1 $0x0  }
0x14: {  	s2 =	sld [smem:$0x3F99];
	s0 =	simm.s32 @p1 $0x1  }
0x15: {  	[smem:$0x3FB6] =	sst s0;
	s0 =	simm.s32 @!p2 $0x0  }
0x16: {  	s3 =	sld [smem:$0x3FDB];
	s0 =	simm.s32 @p2 $0x1  }
0x17: {  	s4 =	simm.s32 $0x1BF5;
	[smem:$0x3FB8] =	sst s0  }
0x18: {  	s0 =	sld [smem:$0x3F9B];
	_ =	swait.ge [sflag:s4], $0x0  }
0x19: {  	s7 =	sld [smem:$0x3F9C]  }
0x1a: {  	s8 =	sadd.s32 $0xFFFFE003, lr  }
0x1b: {  	s9 =	sadd.s32 $0xFFFFFEF7, lr;
	s5 =	simm.s32 $0xFFFFFFFF;
	p2 =	slt.u32 s8, $0xFFFFF086  }
0x1c: {  	p1 =	slt.u32 s9, $0xF7A;
	s5 =	simm.s32 @!p2 $0x0  }
0x1d: {  	s5 =	simm.s32 @p1 $0x1;
	p0 =	seq.s32 s7, s2  }
0x1e: {  	s7 =	smul.u32 @!p0 $0xF7A, s2;
	p2 =	seq.s32 @!p0 s5, $0x0  }
0x1f: {  	s9 =	smul.u32 $0xF7A, s1;
	s8 =	simm.s32 @!p0 $0x1BF5;
	p2 =	por !p2, p0  }
0x20: {  	[sflag:s8] =	ssyncset.s32 @!p0 $0xFFFFF086;
	s6 =	sadd.s32 @!p0 s3, s7;
	s7 =	simm.s32 @!p0 $0x108  }
0x21: {  	s3 =	sadd.s32 s3, s9;
	s6 =	sadd.s32 @!p0 $0x88, s6;
	s7 =	simm.s32 @p2 $0x1082  }
0x22: {  	[simem:s7], [sflag:s8] =	dma.local @!p0 [hbm:s6], $0xF7A  }
0x23: {  	s9 =	sor.u32 $0xD0000000, s2;
	s6 =	simm.s32 $0x108;
	_ =	swait.ge @!p0 [sflag:s8], $0x0  }
0x24: {  	s3 =	sadd.s32 $0x88, s3;
	s6 =	simm.s32 @!p1 $0x1082;
	[sflag:s4] =	ssyncset.s32 $0xFFFFF086  }
0x25: {  	[simem:s6], [sflag:s4] =	dma.local [hbm:s3], $0xF7A  }
0x26: {  	[smem:$0x3F9C] =	sst s1;
	(tag) =	ssettag s2;
	_ =	strace s9  }
0x27: {  	s1 =	sld [smem:$0x3FAC]  }
0x28: {  	s2 =	sld [smem:$0x3FAD]  }
0x29: {  	s4 =	sld [smem:$0x3FAF]  }
0x2a: {  	p0 =	seq.s32 s5, $0x0;
	s5 =	sld [smem:$0x3FB0]  }
0x2b: {  	s6 =	sld [smem:$0x3FB1]  }
0x2c: {  	s7 =	sld [smem:$0x3FB2]  }
0x2d: {  	s3 =	simm.s32 $0x108;
	s8 =	sld [smem:$0x3FB3]  }
0x2e: {  	s3 =	simm.s32 @!p0 $0x1082;
	s9 =	sld [smem:$0x3FB4]  }
0x2f: {  	lr =	sadd.s32 s0, s3;
	s0 =	sld [smem:$0x3FAB]  }
0x30: {  	s3 =	sld [smem:$0x3FAE]  }
0x31: {  	[smem:$0x3FB7] =	sst s10  }
0x32: {  	s10 =	sld [smem:$0x3FB5];
	_ =	sdelay $0x3  }
0x33: {  	p0 =	seq.s32 s10, $0x1;
	s10 =	sld [smem:$0x3FB7];
	_ =	sdelay $0x3  }
0x34: {  	[smem:$0x3FB7] =	sst s10  }
0x35: {  	s10 =	sld [smem:$0x3FB6];
	_ =	sdelay $0x3  }
0x36: {  	p1 =	seq.s32 s10, $0x1;
	s10 =	sld [smem:$0x3FB7];
	_ =	sdelay $0x3  }
0x37: {  	[smem:$0x3FB7] =	sst s10  }
0x38: {  	s10 =	sld [smem:$0x3FB8]  }
0x39: {  	_ = 	snop;
	(pc) =	sbr.ind lr, $3  }
0x3a: {  	_ = 	snop  }
0x3b: {  	_ = 	snop  }
0x3c: {  	p2 =	seq.s32 s10, $0x1;
	s10 =	sld [smem:$0x3FB7]  }
0x3d: {  	_ =	shalt  }
0x3e: {  	_ =	shalt  }
0x3f: {  	_ =	shalt  }
0x40: {  	_ =	shalt  }
0x41: {  	_ =	shalt  }
0x42: {  	_ =	shalt  }
0x43: {  	_ =	shalt  }
0x44: {  	_ =	shalt  }
0x45: {  	_ =	shalt  }
0x46: {  	_ =	shalt  }
0x47: {  	_ =	shalt  }
0x48: {  	_ =	shalt  }
0x49: {  	_ =	shalt  }
0x4a: {  	_ =	shalt  }
0x4b: {  	_ =	shalt  }
0x4c: {  	_ =	shalt  }
0x4d: {  	_ =	shalt  }
0x4e: {  	_ =	shalt  }
0x4f: {  	_ =	shalt  }
0x50: {  	_ =	shalt  }
0x51: {  	_ =	shalt  }
0x52: {  	_ =	shalt  }
0x53: {  	_ =	shalt  }
0x54: {  	_ =	shalt  }
0x55: {  	_ =	shalt  }
0x56: {  	_ =	shalt  }
0x57: {  	_ =	shalt  }
0x58: {  	_ =	shalt  }
0x59: {  	_ =	shalt  }
0x5a: {  	_ =	shalt  }
0x5b: {  	_ =	shalt  }
0x5c: {  	_ =	shalt  }
0x5d: {  	_ =	shalt  }
0x5e: {  	_ =	shalt  }
0x5f: {  	_ =	shalt  }
0x60: {  	_ =	shalt  }
0x61: {  	_ =	shalt  }
0x62: {  	_ =	shalt  }
0x63: {  	_ =	shalt  }
0x64: {  	_ =	shalt  }
0x65: {  	_ =	shalt  }
0x66: {  	_ =	shalt  }
0x67: {  	_ =	shalt  }
0x68: {  	_ =	shalt  }
0x69: {  	_ =	shalt  }
0x6a: {  	_ =	shalt  }
0x6b: {  	_ =	shalt  }
0x6c: {  	_ =	shalt  }
0x6d: {  	_ =	shalt  }
0x6e: {  	_ =	shalt  }
0x6f: {  	_ =	shalt  }
0x70: {  	_ =	shalt  }
0x71: {  	_ =	shalt  }
0x72: {  	_ =	shalt  }
0x73: {  	_ =	shalt  }
0x74: {  	_ =	shalt  }
0x75: {  	_ =	shalt  }
0x76: {  	_ =	shalt  }
0x77: {  	_ =	shalt  }
0x78: {  	_ =	shalt  }
0x79: {  	_ =	shalt  }
0x7a: {  	_ =	shalt  }
0x7b: {  	_ =	shalt  }
0x7c: {  	_ =	shalt  }
0x7d: {  	_ =	shalt  }
0x7e: {  	_ =	shalt  }
0x7f: {  	_ =	shalt  }
0x80: {  	_ =	shalt  }
0x81: {  	_ =	shalt  }
0x82: {  	_ =	shalt  }
0x83: {  	_ =	shalt  }
0x84: {  	_ =	shalt  }
0x85: {  	_ =	shalt  }
0x86: {  	_ =	shalt  }
0x87: {  	_ =	shalt  }
.Lfunc_end0:
.L_simem_size_0:
called_computation_lowered:
.L_overlay_start_0:
0x88: {  	s2 =	sld [smem:$0x3FD9]  }
0x89: {  	s3 =	sld [smem:$0x3FFE];
	_ =	sdelay $0x1  }
0x8a: {  	s1 =	srdreg.scid  }
0x8b: {  	s0 =	sand.u32 $0x1, s1  }
0x8c: {  	s17 =	sshll.u32 s0, $0xA;
	s2 =	sadd.s32 s3, s2  }
0x8d: {  	s2 =	sadd.s32 s2, s17  }
0x8e: {  	[smem:$0x3FC3] =	sst s2  }
0x8f: {  	_ = 	snop  }
0x90: {  	s2 =	sld [smem:$0x3FD0];
	(tm) =	ssettm $0x1  }
0x91: {  	s18 =	sld [smem:$0x3FFB];
	_ =	sdelay $0x3  }
0x92: {  	_ =	strace s18  }
0x93: {  	s3 =	sld [smem:$0x3FFC];
	_ =	sdelay $0x3  }
0x94: {  	_ =	strace s3  }
0x95: {  	s3 =	sld [smem:$0x3FFD];
	_ =	sdelay $0x3  }
0x96: {  	_ =	strace s3  }
0x97: {  	_ =	strace $0x8FFFFFFF  }
0x98: {  	s19 =	sld [smem:$0x3FDB];
	_ =	sdelay $0x1  }
0x99: {  	s4 =	simm.s32 $_scs_section_size  }
0x9a: {  	s5 =	simm.s32 $_size__tile_overlayer_lowered;
	s6 =	simm.s32 $_tile_overlayer_lowered  }
0x9b: {  	s22 =	simm.s32 $0x1BFF;
	s21 =	sshll.u32 s6, $0x1;
	s3 =	sadd.s32 s4, s19  }
0x9c: {  	s7 =	simm.s32 $0x0;
	s20 =	sshll.u32 s5, $0x1;
	s5 =	sadd.s32 s21, s3  }
0x9d: {  	[timem:s7], [sflag:s22] =	dma.local [hbm:s5], s20  }
0x9e: {  	_ =	swait.ge [sflag:s22], s20  }
0x9f: {  	s4 =	ssub.s32 $0x0, s20;
	[sflag:s22] =	ssyncset.done $0x0  }
0xa0: {  	[sflag:s22] =	ssyncadd.s32 s4;
	_ =	sdelay $0x1  }
0xa1: {  	s23 =	simm.s32 $0x1B8B  }
0xa2: {  	_ =	swait.ge [sflag:s23], $0x1  }
0xa3: {  	[sflag:s23] =	ssyncset.done $0x0  }
0xa4: {  	s25 =	simm.s32 $0x1B8E;
	s24 =	sld [smem:$0x3FFE];
	[sflag:s23] =	ssyncadd.s32 $0xFFFFFFFF  }
0xa5: {  	s26 =	simm.s32 $execute0_lowered;
	[smem:$0x3FD2] =	sst s25  }
0xa6: {  	s5 =	sshll.u32 s26, $0x1;
	_ =	strace $0x80000046;
	[dreg:$0x1] =	wrdreg $0xFFFFFFFF  }
0xa7: {  	s28 =	simm.s32 $_size_execute0_lowered;
	s3 =	sadd.s32 s3, s5;
	[dreg:$0x0] =	wrdreg $0x0  }
0xa8: {  	s5 =	sshll.u32 s28, $0x1;
	[dreg:$0x2] =	wrdreg s3  }
0xa9: {  	[dreg:$0x3] =	wrdreg s5  }
0xaa: {  	[dreg:$0x4] =	wrdreg $0xC0  }
0xab: {  	_ =	task [dreg:s7], $0x5FFFF  }
0xac: {  	[dreg:$0x1] =	wrdreg $0xFFFFFFFF  }
0xad: {  	[dreg:$0x0] =	wrdreg $0x60  }
0xae: {  	[dreg:$0x2] =	wrdreg s24  }
0xaf: {  	[dreg:$0x3] =	wrdreg s2  }
0xb0: {  	[dreg:$0x4] =	wrdreg $0x7C000  }
0xb1: {  	[dreg:$0x5] =	wrdreg $0x9  }
0xb2: {  	_ =	task.clear_ibuf [dreg:s7], $0x6FFFF;
	_ =	strace $0x90000046  }
0xb3: {  	s29 =	simm.s32 $0x9;
	_ =	strace $0x80000048  }
0xb4: {  	_ =	swait.ge [sflag:s29], $0x1  }
0xb5: {  	[sflag:s29] =	ssyncadd.s32 $0xFFFFFFFF  }
0xb6: {  	_ =	strace $0x90000048  }
0xb7: {  	_ =	sfence  }
0xb8: {  	s30 =	sld [smem:$0x0];
	_ =	sdelay $0x2  }
0xb9: {  	s31 =	sshll.u32 s1, $0xD;
	s1 =	sshrl.u32 s1, $0x2  }
0xba: {  	s3 =	sand.u32 $0x4000, s31;
	s1 =	sadd.s32 s1, s30  }
0xbb: {  	s0 =	sor.u32 s3, s0;
	s1 =	sshll.u32 s1, $0x11  }
0xbc: {  	s0 =	sor.u32 s1, s0  }
0xbd: {  	s0 =	sadd.s32 $0x8F2B, s0  }
0xbe: {  	[sflag:s0] =	ssyncadd.remote.s32 $0x1  }
0xbf: {  	_ =	sfence.sel $0xFFFF  }
0xc0: {  	[dreg:$0x0] =	wrdreg $0xFFFFFFFF;
	(pc) =	sbr.abs _section_cstart, $3  }
0xc1: {  	[dreg:$0x1] =	wrdreg $0xFFFFFFFF  }
0xc2: {  	_ =	task.clear_ibuf [dreg:s7], $0x2FFFF;
	_ =	strace $0x9FFFFFFF  }
0xc3: {  	(tm) =	ssettm $0x7FFFFFFF  }
tec
execute0_lowered:
.L_overlay_start_1:
0x0: {  	(tag) =	ssettag $0x1  }
0x1: {  	s0 =	rddreg [dreg:$0x0]  }
0x2: {  	s2 =	rddreg [dreg:$0x2];
	s4 =	simm.s32 $0x0;
	s28 =	stileid.u32  }
0x3: {  	s1 =	srdreg.scid;
	s15 =	simm.s32 $0x8AC00;
	s31 =	simm.s32 $0x3C00  }
0x4: {  	[smem:$0x7FF] =	sst s4;
	s5 =	sadd.s32 $0x3C200, s0;
	s6 =	sadd.s32 $0x15000, s0  }
0x5: {  	s3 =	smul.u32 $0x278, s28;
	s7 =	sadd.s32 $0xB000, s0;
	s1 =	sand.u32 $0x1, s1  }
0x6: {  	s9 =	smul.u32 $0x4F000, s28;
	s8 =	sadd.s32 $0x1000, s0;
	s10 =	sadd.s32 $0x63400, s0  }
0x7: {  	_ =	strace $0x80000047;
	[dreg:$0x4] =	wrdreg s10;
	s25 =	ssub.s32 $0x2, s1  }
0x8: {  	p0 =	seq.s32 s1, $0x0;
	s11 =	sshrl.u32 s25, $0x1;
	s9 =	sshrl.u32 s9, $0x2  }
0x9: {  	s20 =	sadd.s32 $0x40, s3;
	s29 =	sadd.s32 $0x80, s3;
	s21 =	sadd.s32 $0xC0, s3  }
0xa: {  	s22 =	sadd.s32 $0x100, s3;
	s23 =	sadd.s32 $0x140, s3;
	s24 =	sadd.s32 $0x180, s3  }
0xb: {  	s15 =	simm.s32 @!p0 $0xB2400;
	p0 =	sne.s32 s1, $0x0;
	s1 =	sshll.u32 s1, $0x4  }
0xc: {  	s10 =	ssub.s32 s25, s11;
	s11 =	sadd.s32 s9, s2;
	s26 =	sshll.u32 s20, $0x7  }
0xd: {  	s12 =	sshll.u32 s29, $0x7;
	s13 =	sshll.u32 s21, $0x7;
	s20 =	sshll.u32 s20, $0x4  }
0xe: {  	s14 =	sshll.u32 s22, $0x7;
	s9 =	sshll.u32 s29, $0x4;
	[dreg:$0x9] =	wrdreg s20  }
0xf: {  	s0 =	sadd.s32 s15, s0;
	s21 =	sshll.u32 s21, $0x4;
	[dreg:$0xa] =	wrdreg s9  }
0x10: {  	s16 =	sshll.u32 s24, $0x7;
	s22 =	sshll.u32 s22, $0x4;
	[dreg:$0xb] =	wrdreg s21  }
0x11: {  	s25 =	sadd.s32 $0x1C0, s3;
	s24 =	sshll.u32 s24, $0x4;
	[dreg:$0xc] =	wrdreg s22  }
0x12: {  	s1 =	sor.u32 s28, s1;
	s29 =	smul.u32 $0x2780, s28;
	[dreg:$0xe] =	wrdreg s24  }
0x13: {  	s30 =	sadd.s32 s26, s2;
	s10 =	smax.u32 s10, $0x1;
	[dreg:$0x8] =	wrdreg s11  }
0x14: {  	s12 =	sadd.s32 s12, s2;
	s13 =	sadd.s32 s13, s2;
	[dreg:$0x13] =	wrdreg s10  }
0x15: {  	s14 =	sadd.s32 s14, s2;
	s20 =	sadd.s32 s0, s20;
	[dreg:$0x11] =	wrdreg s29  }
0x16: {  	s26 =	sshll.u32 s23, $0x7;
	s9 =	sadd.s32 s0, s9;
	[dreg:$0x16] =	wrdreg s20  }
0x17: {  	s16 =	sadd.s32 s16, s2;
	s21 =	sadd.s32 s0, s21;
	[dreg:$0x17] =	wrdreg s9  }
0x18: {  	s17 =	sshll.u32 s25, $0x7;
	s22 =	sadd.s32 s0, s22;
	[dreg:$0x18] =	wrdreg s21  }
0x19: {  	s23 =	sshll.u32 s23, $0x4;
	s1 =	smul.u32 $0x500, s1;
	[dreg:$0x19] =	wrdreg s22  }
0x1a: {  	s25 =	sshll.u32 s25, $0x4;
	s24 =	sadd.s32 s0, s24;
	[dreg:$0xd] =	wrdreg s23  }
0x1b: {  	s15 =	sadd.s32 s26, s2;
	s26 =	sadd.s32 $0x200, s3;
	[dreg:$0x1b] =	wrdreg s24  }
0x1c: {  	s3 =	sadd.s32 $0x240, s3;
	s17 =	sadd.s32 s17, s2;
	[dreg:$0xf] =	wrdreg s25  }
0x1d: {  	s29 =	sadd.s32 s0, s29;
	s23 =	sadd.s32 s0, s23;
	[dreg:$0x5] =	wrdreg s13  }
0x1e: {  	s25 =	sadd.s32 s0, s25;
	s9 =	smul.u32 $0xA0, s28;
	[dreg:$0x6] =	wrdreg s12  }
0x1f: {  	s20 =	simm.s32 $0x3;
	s21 =	simm.s32 $0x40;
	[dreg:$0x7] =	wrdreg s30  }
0x20: {  	s22 =	simm.s32 $0x1;
	s24 =	simm.s32 $0x1380;
	[dreg:$0x15] =	wrdreg s29  }
0x21: {  	s18 =	sshll.u32 s26, $0x7;
	s19 =	sshll.u32 s3, $0x7;
	[dreg:$0x1a] =	wrdreg s23  }
0x22: {  	s26 =	sshll.u32 s26, $0x4;
	s3 =	sshll.u32 s3, $0x4;
	[dreg:$0x1c] =	wrdreg s25  }
0x23: {  	s1 =	sadd.s32 s8, s1;
	s23 =	simm.s32 $0x2;
	[dreg:$0x10] =	wrdreg s26  }
0x24: {  	s25 =	simm.s32 $0x2700;
	s18 =	sadd.s32 s18, s2;
	[dreg:$0x12] =	wrdreg s3  }
0x25: {  	s19 =	sadd.s32 s19, s2;
	s26 =	sadd.s32 s0, s26;
	[dreg:$0x14] =	wrdreg s1  }
0x26: {  	s0 =	sadd.s32 s0, s3;
	s29 =	sadd.s32 $0x280, s1;
	[dreg:$0x1d] =	wrdreg s26  }
0x27: {  	s3 =	simm.s32 $0x5C00;
	s1 =	simm.s32 $0x1400;
	[dreg:$0x1e] =	wrdreg s0  }
0x28: {  	v0 =	vimm.f32 $0.0e+00;
	v1 =	vimm.f32 $1.000000000e+00;
	[dreg:$0x1f] =	wrdreg s29;
	s26 =	simm.s32 $0x2780;
	s0 =	simm.s32 $0x0  }
.LBB2_1:
0x29: {  	s28 =	simm.s32 $0x0;
	s29 =	simm.s32 $0x200  }
.LBB2_2:
0x2a: {  	p1 =	sne.s32 s29, $0x7E00;
	[tilespmem:s28+$0x5C70] =	vst v0  }
0x2b: {  	[tilespmem:s28+$0x5C00] =	vst v0  }
0x2c: {  	[tilespmem:s28+$0x5C10] =	vst v0  }
.Ltmp0:
0x2d: {  	[tilespmem:s28+$0x5C20] =	vst v0;
	(pc) =	sbr.rel @p1 .LBB2_2-.Ltmp0, $4  }
0x2e: {  	[tilespmem:s28+$0x5C30] =	vst v0  }
0x2f: {  	[tilespmem:s28+$0x5C40] =	vst v0  }
0x30: {  	[tilespmem:s28+$0x5C50] =	vst v0  }
0x31: {  	[tilespmem:s28+$0x5C60] =	vst v0;
	s28 =	sshra.s32 s29, $0x2;
	s29 =	sadd.s32 $0x200, s29  }
0x32: {  	[tilespmem:s28+$0x5C70] =	vst v0  }
0x33: {  	[tilespmem:s28+$0x5C00] =	vst v0  }
0x34: {  	[tilespmem:s28+$0x5C10] =	vst v0  }
0x35: {  	[tilespmem:s28+$0x5C20] =	vst v0  }
0x36: {  	[tilespmem:s28+$0x5C30] =	vst v0  }
0x37: {  	[tilespmem:s28+$0x5C40] =	vst v0  }
0x38: {  	[tilespmem:s28+$0x5C50] =	vst v0  }
0x39: {  	[tilespmem:s28+$0x5C60] =	vst v0  }
0x3a: {  	[spmem:s11] =	stream.linear.scatter [tilespmem:s3], [sflag:$0x3], $0x2000, $0x38;
	[tilespmem:$0x1B800] =	vst v63  }
0x3b: {  	_ =	swait.ge [sflag:s20], $0x2000  }
0x3c: {  	[sflag:s20] =	ssyncset.done $0x0  }
0x3d: {  	[sflag:s20] =	ssyncadd.s32 $0xFFFFE000  }
0x3e: {  	[spmem:s30] =	stream.linear.scatter [tilespmem:s3], [sflag:$0x3], $0x2000, $0x38;
	[tilespmem:$0x1B800] =	vst v63  }
0x3f: {  	_ =	swait.ge [sflag:s20], $0x2000  }
0x40: {  	[sflag:s20] =	ssyncset.done $0x0  }
0x41: {  	[sflag:s20] =	ssyncadd.s32 $0xFFFFE000  }
0x42: {  	[spmem:s12] =	stream.linear.scatter [tilespmem:s3], [sflag:$0x3], $0x2000, $0x38;
	[tilespmem:$0x1B800] =	vst v63  }
0x43: {  	_ =	swait.ge [sflag:s20], $0x2000  }
0x44: {  	[sflag:s20] =	ssyncset.done $0x0  }
0x45: {  	[sflag:s20] =	ssyncadd.s32 $0xFFFFE000  }
0x46: {  	[spmem:s13] =	stream.linear.scatter [tilespmem:s3], [sflag:$0x3], $0x2000, $0x38;
	[tilespmem:$0x1B800] =	vst v63  }
0x47: {  	_ =	swait.ge [sflag:s20], $0x2000  }
0x48: {  	[sflag:s20] =	ssyncset.done $0x0  }
0x49: {  	[sflag:s20] =	ssyncadd.s32 $0xFFFFE000  }
0x4a: {  	[spmem:s14] =	stream.linear.scatter [tilespmem:s3], [sflag:$0x3], $0x2000, $0x38;
	[tilespmem:$0x1B800] =	vst v63  }
0x4b: {  	_ =	swait.ge [sflag:s20], $0x2000  }
0x4c: {  	[sflag:s20] =	ssyncset.done $0x0  }
0x4d: {  	[sflag:s20] =	ssyncadd.s32 $0xFFFFE000  }
0x4e: {  	[spmem:s15] =	stream.linear.scatter [tilespmem:s3], [sflag:$0x3], $0x2000, $0x38;
	[tilespmem:$0x1B800] =	vst v63  }
0x4f: {  	_ =	swait.ge [sflag:s20], $0x2000  }
0x50: {  	[sflag:s20] =	ssyncset.done $0x0  }
0x51: {  	[sflag:s20] =	ssyncadd.s32 $0xFFFFE000  }
0x52: {  	[spmem:s16] =	stream.linear.scatter [tilespmem:s3], [sflag:$0x3], $0x2000, $0x38;
	[tilespmem:$0x1B800] =	vst v63  }
0x53: {  	_ =	swait.ge [sflag:s20], $0x2000  }
0x54: {  	[sflag:s20] =	ssyncset.done $0x0  }
0x55: {  	[sflag:s20] =	ssyncadd.s32 $0xFFFFE000  }
0x56: {  	[spmem:s17] =	stream.linear.scatter [tilespmem:s3], [sflag:$0x3], $0x2000, $0x38;
	[tilespmem:$0x1B800] =	vst v63  }
0x57: {  	_ =	swait.ge [sflag:s20], $0x2000  }
0x58: {  	[sflag:s20] =	ssyncset.done $0x0  }
0x59: {  	[sflag:s20] =	ssyncadd.s32 $0xFFFFE000  }
0x5a: {  	[spmem:s18] =	stream.linear.scatter [tilespmem:s3], [sflag:$0x3], $0x2000, $0x38;
	[tilespmem:$0x1B800] =	vst v63  }
0x5b: {  	_ =	swait.ge [sflag:s20], $0x2000  }
0x5c: {  	[sflag:s20] =	ssyncset.done $0x0  }
0x5d: {  	[sflag:s20] =	ssyncadd.s32 $0xFFFFE000  }
0x5e: {  	[spmem:s19] =	stream.linear.scatter [tilespmem:s3], [sflag:$0x3], $0x1C00, $0x38;
	[tilespmem:$0x1B800] =	vst v63  }
.Ltmp1:
0x5f: {  	_ =	swait.ge [sflag:s20], $0x1C00;
	(pc) =	sbr.rel @p0 .LBB2_8-.Ltmp1, $4  }
0x60: {  	[sflag:s20] =	ssyncset.done $0x0  }
0x61: {  	[sflag:s20] =	ssyncadd.s32 $0xFFFFE400  }
0x62: {  	[bflag:$0x0] =	sbarrier.arrive $0xFFFF  }
0x63: {  	s29 =	simm.s32 $0x0;
	s28 =	simm.s32 $0x0;
	s30 =	simm.s32 $0x0  }
.LBB2_4:
0x64: {  	s10 =	smul.u32 $0x28, s30;
	_ =	sdelay $0x1  }
0x65: {  	s10 =	sadd.s32 s9, s10  }
0x66: {  	s10 =	sshll.u32 s10, $0x4  }
0x67: {  	s28 =	sadd.s32 s7, s10  }
0x68: {  	[tilespmem:s29], [sflag:$0x3] =	stream.linear.gather [hbm4b:s28+s29], $0x1400, $0x38;
	[tilespmem:$0x1B800] =	vst v63  }
0x69: {  	_ =	swait.ge [sflag:s20], $0x1400  }
0x6a: {  	[sflag:s20] =	ssyncset.done $0x0  }
0x6b: {  	s10 =	sadd.s32 s8, s10;
	[sflag:s20] =	ssyncadd.s32 $0xFFFFEC00  }
0x6c: {  	[tilespmem:s1], [sflag:$0x3] =	stream.linear.gather [hbm4b:s10+s29], $0x1400, $0x38;
	[tilespmem:$0x1B800] =	vst v63  }
0x6d: {  	_ =	swait.ge [sflag:s20], $0x1400  }
0x6e: {  	[sflag:s20] =	ssyncset.done $0x0  }
0x6f: {  	[sflag:s20] =	ssyncadd.s32 $0xFFFFEC00  }
0x70: {  	[tilespmem:s31], [sflag:$0x1] =	stream.indirect.gather [hbm4b:s5+s21], $0x80, s29, s21, $0xb8;
	[tilespmem:$0x1B800] =	vst v63  }
0x71: {  	s13 =	simm.s32 $0x80  }
0x72: {  	[tilespmem:s3], [sflag:$0x2] =	stream.indirect.gather [hbm4b:s5+s21], $0x80, s13, s21, $0xb8;
	[tilespmem:$0x1B800] =	vst v63  }
0x73: {  	_ =	swait.ge [sflag:s22], $0x2000  }
0x74: {  	[sflag:s22] =	ssyncset.done $0x0  }
0x75: {  	s11 =	simm.s32 $0x1400;
	[sflag:s22] =	ssyncadd.s32 $0xFFFFE000  }
0x76: {  	[spmem:s2] =	stream.indirect.scatter.add.f32 [tilespmem:s31], [sflag:$0x3], $0x80, s11, s21, $0xb8;
	[tilespmem:$0x1B800] =	vst v63  }
0x77: {  	_ =	swait.ge [sflag:s20], $0x2000  }
0x78: {  	[sflag:s20] =	ssyncset.done $0x0  }
0x79: {  	s12 =	simm.s32 $0x100;
	[sflag:s20] =	ssyncadd.s32 $0xFFFFE000  }
0x7a: {  	[tilespmem:s31], [sflag:$0x1] =	stream.indirect.gather [hbm4b:s5+s21], $0x80, s12, s21, $0xb8;
	[tilespmem:$0x1B800] =	vst v63  }
0x7b: {  	_ =	swait.ge [sflag:s23], $0x2000  }
0x7c: {  	[sflag:s23] =	ssyncset.done $0x0  }
0x7d: {  	s13 =	simm.s32 $0x1480;
	[sflag:s23] =	ssyncadd.s32 $0xFFFFE000  }
0x7e: {  	[spmem:s2] =	stream.indirect.scatter.add.f32 [tilespmem:s3], [sflag:$0x3], $0x80, s13, s21, $0xb8;
	[tilespmem:$0x1B800] =	vst v63  }
0x7f: {  	_ =	swait.ge [sflag:s20], $0x2000  }
0x80: {  	s28 =	simm.s32 $0x100;
	s10 =	simm.s32 $0x800;
	[sflag:s20] =	ssyncset.done $0x0  }
.LBB2_5:
0x81: {  	s11 =	sadd.s32 $0x80, s28  }
0x82: {  	[sflag:s20] =	ssyncadd.s32 $0xFFFFE000;
	s12 =	smov.u32 s10;
	s13 =	sadd.s32 $0x400, s10  }
0x83: {  	[tilespmem:s3], [sflag:$0x2] =	stream.indirect.gather [hbm4b:s5+s21], $0x80, s11, s21, $0xb8;
	[tilespmem:$0x1B800] =	vst v63  }
0x84: {  	p1 =	sne.s32 s10, $0x4800;
	_ =	swait.ge [sflag:s22], $0x2000  }
0x85: {  	[sflag:s22] =	ssyncset.done $0x0  }
0x86: {  	s10 =	sadd.s32 $0x1400, s28;
	[sflag:s22] =	ssyncadd.s32 $0xFFFFE000  }
0x87: {  	[spmem:s2] =	stream.indirect.scatter.add.f32 [tilespmem:s31], [sflag:$0x3], $0x80, s10, s21, $0xb8;
	[tilespmem:$0x1B800] =	vst v63  }
0x88: {  	_ =	swait.ge [sflag:s20], $0x2000  }
0x89: {  	[sflag:s20] =	ssyncset.done $0x0  }
0x8a: {  	s10 =	sadd.s32 $0x100, s28;
	[sflag:s20] =	ssyncadd.s32 $0xFFFFE000  }
0x8b: {  	[tilespmem:s31], [sflag:$0x1] =	stream.indirect.gather [hbm4b:s5+s21], $0x80, s10, s21, $0xb8;
	[tilespmem:$0x1B800] =	vst v63  }
0x8c: {  	_ =	swait.ge [sflag:s23], $0x2000  }
.Ltmp2:
0x8d: {  	[sflag:s23] =	ssyncset.done $0x0;
	(pc) =	sbr.rel @p1 .LBB2_5-.Ltmp2, $4  }
0x8e: {  	s10 =	sadd.s32 $0x1480, s28;
	[sflag:s23] =	ssyncadd.s32 $0xFFFFE000  }
0x8f: {  	[spmem:s2] =	stream.indirect.scatter.add.f32 [tilespmem:s3], [sflag:$0x3], $0x80, s10, s21, $0xb8;
	[tilespmem:$0x1B800] =	vst v63  }
0x90: {  	_ =	swait.ge [sflag:s20], $0x2000  }
0x91: {  	s28 =	sshra.s32 s12, $0x2;
	s10 =	smov.u32 s13;
	[sflag:s20] =	ssyncset.done $0x0  }
0x92: {  	s10 =	sadd.s32 $0x80, s28;
	[sflag:s20] =	ssyncadd.s32 $0xFFFFE000  }
0x93: {  	[tilespmem:s3], [sflag:$0x2] =	stream.indirect.gather [hbm4b:s5+s21], $0x80, s10, s21, $0xb8;
	[tilespmem:$0x1B800] =	vst v63  }
0x94: {  	_ =	swait.ge [sflag:s22], $0x2000  }
0x95: {  	[sflag:s22] =	ssyncset.done $0x0  }
0x96: {  	s12 =	sadd.s32 $0x1400, s28;
	[sflag:s22] =	ssyncadd.s32 $0xFFFFE000  }
0x97: {  	[spmem:s2] =	stream.indirect.scatter.add.f32 [tilespmem:s31], [sflag:$0x3], $0x80, s12, s21, $0xb8;
	[tilespmem:$0x1B800] =	vst v63  }
0x98: {  	_ =	swait.ge [sflag:s20], $0x2000  }
0x99: {  	[sflag:s20] =	ssyncset.done $0x0  }
0x9a: {  	s13 =	sadd.s32 $0x100, s28;
	[sflag:s20] =	ssyncadd.s32 $0xFFFFE000  }
0x9b: {  	[tilespmem:s31], [sflag:$0x1] =	stream.indirect.gather [hbm4b:s5+s21], $0x80, s13, s21, $0xb8;
	[tilespmem:$0x1B800] =	vst v63  }
0x9c: {  	_ =	swait.ge [sflag:s23], $0x2000  }
0x9d: {  	[sflag:s23] =	ssyncset.done $0x0  }
0x9e: {  	s28 =	sadd.s32 $0x1480, s28;
	[sflag:s23] =	ssyncadd.s32 $0xFFFFE000  }
0x9f: {  	[spmem:s2] =	stream.indirect.scatter.add.f32 [tilespmem:s3], [sflag:$0x3], $0x80, s28, s21, $0xb8;
	[tilespmem:$0x1B800] =	vst v63  }
0xa0: {  	_ =	swait.ge [sflag:s20], $0x2000  }
0xa1: {  	[sflag:s20] =	ssyncset.done $0x0  }
0xa2: {  	[sflag:s20] =	ssyncadd.s32 $0xFFFFE000  }
0xa3: {  	[tilespmem:s3], [sflag:$0x2] =	stream.indirect.gather [hbm4b:s5+s21], $0x80, s24, s21, $0xb8;
	[tilespmem:$0x1B800] =	vst v63  }
0xa4: {  	_ =	swait.ge [sflag:s22], $0x2000  }
0xa5: {  	[sflag:s22] =	ssyncset.done $0x0  }
0xa6: {  	[sflag:s22] =	ssyncadd.s32 $0xFFFFE000  }
0xa7: {  	[spmem:s2] =	stream.indirect.scatter.add.f32 [tilespmem:s31], [sflag:$0x3], $0x80, s25, s21, $0xb8;
	[tilespmem:$0x1B800] =	vst v63  }
0xa8: {  	_ =	swait.ge [sflag:s20], $0x2000  }
0xa9: {  	[sflag:s20] =	ssyncset.done $0x0  }
0xaa: {  	[sflag:s20] =	ssyncadd.s32 $0xFFFFE000  }
0xab: {  	s30 =	sadd.s32 $0x1, s30;
	_ =	swait.ge [sflag:s23], $0x2000  }
0xac: {  	p1 =	seq.s32 s30, $0x4;
	[sflag:s23] =	ssyncset.done $0x0  }
.Ltmp3:
0xad: {  	[sflag:s23] =	ssyncadd.s32 $0xFFFFE000;
	(pc) =	sbr.rel @!p1 .LBB2_4-.Ltmp3, $4  }
0xae: {  	[spmem:s2] =	stream.indirect.scatter.add.f32 [tilespmem:s3], [sflag:$0x3], $0x80, s26, s21, $0xb8;
	[tilespmem:$0x1B800] =	vst v63  }
0xaf: {  	_ =	swait.ge [sflag:s20], $0x2000  }
0xb0: {  	[sflag:s20] =	ssyncset.done $0x0  }
0xb1: {  	[sflag:s20] =	ssyncadd.s32 $0xFFFFE000  }
.Ltmp4:
0xb2: {  	(pc) =	sbr.rel .LBB2_12-.Ltmp4, $2  }
0xb3: {  	_ =	sdelay $0x2  }
0xb4: {  	s28 =	rddreg [dreg:$0x1]  }
.LBB2_8:
0xb5: {  	s10 =	smul.u32 $0x28, s28;
	_ =	sdelay $0x1  }
0xb6: {  	s10 =	sadd.s32 s9, s10  }
0xb7: {  	s10 =	sshll.u32 s10, $0x4  }
0xb8: {  	s11 =	sadd.s32 s7, s10  }
0xb9: {  	[tilespmem:s29], [sflag:$0x3] =	stream.linear.gather [hbm4b:s11+s29], $0x1400, $0x38;
	[tilespmem:$0x1B800] =	vst v63  }
0xba: {  	_ =	swait.ge [sflag:s20], $0x1400  }
0xbb: {  	[sflag:s20] =	ssyncset.done $0x0  }
0xbc: {  	s10 =	sadd.s32 s8, s10;
	[sflag:s20] =	ssyncadd.s32 $0xFFFFEC00  }
0xbd: {  	[tilespmem:s1], [sflag:$0x3] =	stream.linear.gather [hbm4b:s10+s29], $0x1400, $0x38;
	[tilespmem:$0x1B800] =	vst v63  }
0xbe: {  	_ =	swait.ge [sflag:s20], $0x1400  }
0xbf: {  	[sflag:s20] =	ssyncset.done $0x0  }
0xc0: {  	[sflag:s20] =	ssyncadd.s32 $0xFFFFEC00  }
0xc1: {  	[tilespmem:s31], [sflag:$0x1] =	stream.indirect.gather [hbm4b:s6+s21], $0x80, s29, s21, $0xb8;
	[tilespmem:$0x1B800] =	vst v63  }
0xc2: {  	s13 =	simm.s32 $0x80  }
0xc3: {  	[tilespmem:s3], [sflag:$0x2] =	stream.indirect.gather [hbm4b:s6+s21], $0x80, s13, s21, $0xb8;
	[tilespmem:$0x1B800] =	vst v63  }
0xc4: {  	_ =	swait.ge [sflag:s22], $0x2000  }
0xc5: {  	[sflag:s22] =	ssyncset.done $0x0  }
0xc6: {  	s11 =	simm.s32 $0x1400;
	[sflag:s22] =	ssyncadd.s32 $0xFFFFE000  }
0xc7: {  	[spmem:s2] =	stream.indirect.scatter.add.f32 [tilespmem:s31], [sflag:$0x3], $0x80, s11, s21, $0xb8;
	[tilespmem:$0x1B800] =	vst v63  }
0xc8: {  	_ =	swait.ge [sflag:s20], $0x2000  }
0xc9: {  	[sflag:s20] =	ssyncset.done $0x0  }
0xca: {  	s12 =	simm.s32 $0x100;
	[sflag:s20] =	ssyncadd.s32 $0xFFFFE000  }
0xcb: {  	[tilespmem:s31], [sflag:$0x1] =	stream.indirect.gather [hbm4b:s6+s21], $0x80, s12, s21, $0xb8;
	[tilespmem:$0x1B800] =	vst v63  }
0xcc: {  	_ =	swait.ge [sflag:s23], $0x2000  }
0xcd: {  	[sflag:s23] =	ssyncset.done $0x0  }
0xce: {  	s13 =	simm.s32 $0x1480;
	[sflag:s23] =	ssyncadd.s32 $0xFFFFE000  }
0xcf: {  	[spmem:s2] =	stream.indirect.scatter.add.f32 [tilespmem:s3], [sflag:$0x3], $0x80, s13, s21, $0xb8;
	[tilespmem:$0x1B800] =	vst v63  }
0xd0: {  	_ =	swait.ge [sflag:s20], $0x2000  }
0xd1: {  	s30 =	simm.s32 $0x100;
	s10 =	simm.s32 $0x800;
	[sflag:s20] =	ssyncset.done $0x0  }
.LBB2_9:
0xd2: {  	s11 =	sadd.s32 $0x80, s30  }
0xd3: {  	[sflag:s20] =	ssyncadd.s32 $0xFFFFE000;
	s12 =	smov.u32 s10;
	s13 =	sadd.s32 $0x400, s10  }
0xd4: {  	[tilespmem:s3], [sflag:$0x2] =	stream.indirect.gather [hbm4b:s6+s21], $0x80, s11, s21, $0xb8;
	[tilespmem:$0x1B800] =	vst v63  }
0xd5: {  	p1 =	sne.s32 s10, $0x4800;
	_ =	swait.ge [sflag:s22], $0x2000  }
0xd6: {  	[sflag:s22] =	ssyncset.done $0x0  }
0xd7: {  	s10 =	sadd.s32 $0x1400, s30;
	[sflag:s22] =	ssyncadd.s32 $0xFFFFE000  }
0xd8: {  	[spmem:s2] =	stream.indirect.scatter.add.f32 [tilespmem:s31], [sflag:$0x3], $0x80, s10, s21, $0xb8;
	[tilespmem:$0x1B800] =	vst v63  }
0xd9: {  	_ =	swait.ge [sflag:s20], $0x2000  }
0xda: {  	[sflag:s20] =	ssyncset.done $0x0  }
0xdb: {  	s10 =	sadd.s32 $0x100, s30;
	[sflag:s20] =	ssyncadd.s32 $0xFFFFE000  }
0xdc: {  	[tilespmem:s31], [sflag:$0x1] =	stream.indirect.gather [hbm4b:s6+s21], $0x80, s10, s21, $0xb8;
	[tilespmem:$0x1B800] =	vst v63  }
0xdd: {  	_ =	swait.ge [sflag:s23], $0x2000  }
.Ltmp5:
0xde: {  	[sflag:s23] =	ssyncset.done $0x0;
	(pc) =	sbr.rel @p1 .LBB2_9-.Ltmp5, $4  }
0xdf: {  	s10 =	sadd.s32 $0x1480, s30;
	[sflag:s23] =	ssyncadd.s32 $0xFFFFE000  }
0xe0: {  	[spmem:s2] =	stream.indirect.scatter.add.f32 [tilespmem:s3], [sflag:$0x3], $0x80, s10, s21, $0xb8;
	[tilespmem:$0x1B800] =	vst v63  }
0xe1: {  	_ =	swait.ge [sflag:s20], $0x2000  }
0xe2: {  	s30 =	sshra.s32 s12, $0x2;
	s10 =	smov.u32 s13;
	[sflag:s20] =	ssyncset.done $0x0  }
0xe3: {  	s10 =	sadd.s32 $0x80, s30;
	[sflag:s20] =	ssyncadd.s32 $0xFFFFE000  }
0xe4: {  	[tilespmem:s3], [sflag:$0x2] =	stream.indirect.gather [hbm4b:s6+s21], $0x80, s10, s21, $0xb8;
	[tilespmem:$0x1B800] =	vst v63  }
0xe5: {  	_ =	swait.ge [sflag:s22], $0x2000  }
0xe6: {  	[sflag:s22] =	ssyncset.done $0x0  }
0xe7: {  	s12 =	sadd.s32 $0x1400, s30;
	[sflag:s22] =	ssyncadd.s32 $0xFFFFE000  }
0xe8: {  	[spmem:s2] =	stream.indirect.scatter.add.f32 [tilespmem:s31], [sflag:$0x3], $0x80, s12, s21, $0xb8;
	[tilespmem:$0x1B800] =	vst v63  }
0xe9: {  	_ =	swait.ge [sflag:s20], $0x2000  }
0xea: {  	[sflag:s20] =	ssyncset.done $0x0  }
0xeb: {  	s13 =	sadd.s32 $0x100, s30;
	[sflag:s20] =	ssyncadd.s32 $0xFFFFE000  }
0xec: {  	[tilespmem:s31], [sflag:$0x1] =	stream.indirect.gather [hbm4b:s6+s21], $0x80, s13, s21, $0xb8;
	[tilespmem:$0x1B800] =	vst v63  }
0xed: {  	_ =	swait.ge [sflag:s23], $0x2000  }
0xee: {  	[sflag:s23] =	ssyncset.done $0x0  }
0xef: {  	s30 =	sadd.s32 $0x1480, s30;
	[sflag:s23] =	ssyncadd.s32 $0xFFFFE000  }
0xf0: {  	[spmem:s2] =	stream.indirect.scatter.add.f32 [tilespmem:s3], [sflag:$0x3], $0x80, s30, s21, $0xb8;
	[tilespmem:$0x1B800] =	vst v63  }
0xf1: {  	_ =	swait.ge [sflag:s20], $0x2000  }
0xf2: {  	[sflag:s20] =	ssyncset.done $0x0  }
0xf3: {  	[sflag:s20] =	ssyncadd.s32 $0xFFFFE000  }
0xf4: {  	[tilespmem:s3], [sflag:$0x2] =	stream.indirect.gather [hbm4b:s6+s21], $0x80, s24, s21, $0xb8;
	[tilespmem:$0x1B800] =	vst v63  }
0xf5: {  	_ =	swait.ge [sflag:s22], $0x2000  }
0xf6: {  	[sflag:s22] =	ssyncset.done $0x0  }
0xf7: {  	[sflag:s22] =	ssyncadd.s32 $0xFFFFE000  }
0xf8: {  	[spmem:s2] =	stream.indirect.scatter.add.f32 [tilespmem:s31], [sflag:$0x3], $0x80, s25, s21, $0xb8;
	[tilespmem:$0x1B800] =	vst v63  }
0xf9: {  	_ =	swait.ge [sflag:s20], $0x2000  }
0xfa: {  	[sflag:s20] =	ssyncset.done $0x0  }
0xfb: {  	[sflag:s20] =	ssyncadd.s32 $0xFFFFE000  }
0xfc: {  	s28 =	sadd.s32 $0x1, s28;
	_ =	swait.ge [sflag:s23], $0x2000  }
0xfd: {  	p1 =	sne.s32 s28, $0x4;
	[sflag:s23] =	ssyncset.done $0x0  }
.Ltmp6:
0xfe: {  	[sflag:s23] =	ssyncadd.s32 $0xFFFFE000;
	(pc) =	sbr.rel @p1 .LBB2_8-.Ltmp6, $4  }
0xff: {  	[spmem:s2] =	stream.indirect.scatter.add.f32 [tilespmem:s3], [sflag:$0x3], $0x80, s26, s21, $0xb8;
	[tilespmem:$0x1B800] =	vst v63  }
0x100: {  	_ =	swait.ge [sflag:s20], $0x2000  }
0x101: {  	[sflag:s20] =	ssyncset.done $0x0  }
0x102: {  	[sflag:s20] =	ssyncadd.s32 $0xFFFFE000  }
0x103: {  	s28 =	rddreg [dreg:$0x4]  }
.LBB2_12:
0x104: {  	[bflag:$0x0] =	sbarrier.arrive $0xFFFF  }
0x105: {  	s11 =	rddreg [dreg:$0x8]  }
0x106: {  	[tilespmem:s31], [sflag:$0x3] =	stream.linear.gather [spmem:s11], $0x2000, $0x38;
	[tilespmem:$0x1B800] =	vst v63  }
0x107: {  	_ =	swait.ge [sflag:s20], $0x2000  }
0x108: {  	[sflag:s20] =	ssyncset.done $0x0;
	s10 =	rddreg [dreg:$0x11]  }
0x109: {  	s29 =	simm.s32 $0x0;
	s10 =	sadd.s32 s28, s10;
	[sflag:s20] =	ssyncadd.s32 $0xFFFFE000  }
0x10a: {  	[hbm4b:s10+s29] =	stream.linear.scatter [tilespmem:s31], [sflag:$0x3], $0x2000, $0x38;
	[tilespmem:$0x1B800] =	vst v63  }
0x10b: {  	_ =	swait.ge [sflag:s20], $0x2000  }
0x10c: {  	[sflag:s20] =	ssyncset.done $0x0  }
0x10d: {  	s30 =	rddreg [dreg:$0x7];
	[sflag:s20] =	ssyncadd.s32 $0xFFFFE000  }
0x10e: {  	[tilespmem:s31], [sflag:$0x3] =	stream.linear.gather [spmem:s30], $0x2000, $0x38;
	[tilespmem:$0x1B800] =	vst v63  }
0x10f: {  	_ =	swait.ge [sflag:s20], $0x2000  }
0x110: {  	[sflag:s20] =	ssyncset.done $0x0;
	s12 =	rddreg [dreg:$0x9]  }
0x111: {  	s10 =	sadd.s32 s28, s12;
	[sflag:s20] =	ssyncadd.s32 $0xFFFFE000  }
0x112: {  	[hbm4b:s10+s29] =	stream.linear.scatter [tilespmem:s31], [sflag:$0x3], $0x2000, $0x38;
	[tilespmem:$0x1B800] =	vst v63  }
0x113: {  	_ =	swait.ge [sflag:s20], $0x2000  }
0x114: {  	[sflag:s20] =	ssyncset.done $0x0  }
0x115: {  	s12 =	rddreg [dreg:$0x6];
	[sflag:s20] =	ssyncadd.s32 $0xFFFFE000  }
0x116: {  	[tilespmem:s31], [sflag:$0x3] =	stream.linear.gather [spmem:s12], $0x2000, $0x38;
	[tilespmem:$0x1B800] =	vst v63  }
0x117: {  	_ =	swait.ge [sflag:s20], $0x2000  }
0x118: {  	[sflag:s20] =	ssyncset.done $0x0;
	s13 =	rddreg [dreg:$0xa]  }
0x119: {  	s10 =	sadd.s32 s28, s13;
	[sflag:s20] =	ssyncadd.s32 $0xFFFFE000  }
0x11a: {  	[hbm4b:s10+s29] =	stream.linear.scatter [tilespmem:s31], [sflag:$0x3], $0x2000, $0x38;
	[tilespmem:$0x1B800] =	vst v63  }
0x11b: {  	_ =	swait.ge [sflag:s20], $0x2000  }
0x11c: {  	[sflag:s20] =	ssyncset.done $0x0  }
0x11d: {  	s13 =	rddreg [dreg:$0x5];
	[sflag:s20] =	ssyncadd.s32 $0xFFFFE000  }
0x11e: {  	[tilespmem:s31], [sflag:$0x3] =	stream.linear.gather [spmem:s13], $0x2000, $0x38;
	[tilespmem:$0x1B800] =	vst v63  }
0x11f: {  	_ =	swait.ge [sflag:s20], $0x2000  }
0x120: {  	[sflag:s20] =	ssyncset.done $0x0;
	s10 =	rddreg [dreg:$0xb]  }
0x121: {  	s10 =	sadd.s32 s28, s10;
	[sflag:s20] =	ssyncadd.s32 $0xFFFFE000  }
0x122: {  	[hbm4b:s10+s29] =	stream.linear.scatter [tilespmem:s31], [sflag:$0x3], $0x2000, $0x38;
	[tilespmem:$0x1B800] =	vst v63  }
0x123: {  	_ =	swait.ge [sflag:s20], $0x2000  }
0x124: {  	[sflag:s20] =	ssyncset.done $0x0  }
0x125: {  	[sflag:s20] =	ssyncadd.s32 $0xFFFFE000  }
0x126: {  	[tilespmem:s31], [sflag:$0x3] =	stream.linear.gather [spmem:s14], $0x2000, $0x38;
	[tilespmem:$0x1B800] =	vst v63  }
0x127: {  	_ =	swait.ge [sflag:s20], $0x2000  }
0x128: {  	[sflag:s20] =	ssyncset.done $0x0;
	s10 =	rddreg [dreg:$0xc]  }
0x129: {  	s10 =	sadd.s32 s28, s10;
	[sflag:s20] =	ssyncadd.s32 $0xFFFFE000  }
0x12a: {  	[hbm4b:s10+s29] =	stream.linear.scatter [tilespmem:s31], [sflag:$0x3], $0x2000, $0x38;
	[tilespmem:$0x1B800] =	vst v63  }
0x12b: {  	_ =	swait.ge [sflag:s20], $0x2000  }
0x12c: {  	[sflag:s20] =	ssyncset.done $0x0  }
0x12d: {  	[sflag:s20] =	ssyncadd.s32 $0xFFFFE000  }
0x12e: {  	[tilespmem:s31], [sflag:$0x3] =	stream.linear.gather [spmem:s15], $0x2000, $0x38;
	[tilespmem:$0x1B800] =	vst v63  }
0x12f: {  	_ =	swait.ge [sflag:s20], $0x2000  }
0x130: {  	[sflag:s20] =	ssyncset.done $0x0;
	s10 =	rddreg [dreg:$0xd]  }
0x131: {  	s10 =	sadd.s32 s28, s10;
	[sflag:s20] =	ssyncadd.s32 $0xFFFFE000  }
0x132: {  	[hbm4b:s10+s29] =	stream.linear.scatter [tilespmem:s31], [sflag:$0x3], $0x2000, $0x38;
	[tilespmem:$0x1B800] =	vst v63  }
0x133: {  	_ =	swait.ge [sflag:s20], $0x2000  }
0x134: {  	[sflag:s20] =	ssyncset.done $0x0  }
0x135: {  	[sflag:s20] =	ssyncadd.s32 $0xFFFFE000  }
0x136: {  	[tilespmem:s31], [sflag:$0x3] =	stream.linear.gather [spmem:s16], $0x2000, $0x38;
	[tilespmem:$0x1B800] =	vst v63  }
0x137: {  	_ =	swait.ge [sflag:s20], $0x2000  }
0x138: {  	[sflag:s20] =	ssyncset.done $0x0;
	s10 =	rddreg [dreg:$0xe]  }
0x139: {  	s10 =	sadd.s32 s28, s10;
	[sflag:s20] =	ssyncadd.s32 $0xFFFFE000  }
0x13a: {  	[hbm4b:s10+s29] =	stream.linear.scatter [tilespmem:s31], [sflag:$0x3], $0x2000, $0x38;
	[tilespmem:$0x1B800] =	vst v63  }
0x13b: {  	_ =	swait.ge [sflag:s20], $0x2000  }
0x13c: {  	[sflag:s20] =	ssyncset.done $0x0  }
0x13d: {  	[sflag:s20] =	ssyncadd.s32 $0xFFFFE000  }
0x13e: {  	[tilespmem:s31], [sflag:$0x3] =	stream.linear.gather [spmem:s17], $0x2000, $0x38;
	[tilespmem:$0x1B800] =	vst v63  }
0x13f: {  	_ =	swait.ge [sflag:s20], $0x2000  }
0x140: {  	[sflag:s20] =	ssyncset.done $0x0;
	s10 =	rddreg [dreg:$0xf]  }
0x141: {  	s10 =	sadd.s32 s28, s10;
	[sflag:s20] =	ssyncadd.s32 $0xFFFFE000  }
0x142: {  	[hbm4b:s10+s29] =	stream.linear.scatter [tilespmem:s31], [sflag:$0x3], $0x2000, $0x38;
	[tilespmem:$0x1B800] =	vst v63  }
0x143: {  	_ =	swait.ge [sflag:s20], $0x2000  }
0x144: {  	[sflag:s20] =	ssyncset.done $0x0  }
0x145: {  	[sflag:s20] =	ssyncadd.s32 $0xFFFFE000  }
0x146: {  	[tilespmem:s31], [sflag:$0x3] =	stream.linear.gather [spmem:s18], $0x2000, $0x38;
	[tilespmem:$0x1B800] =	vst v63  }
0x147: {  	_ =	swait.ge [sflag:s20], $0x2000  }
0x148: {  	[sflag:s20] =	ssyncset.done $0x0;
	s10 =	rddreg [dreg:$0x10]  }
0x149: {  	s10 =	sadd.s32 s28, s10;
	[sflag:s20] =	ssyncadd.s32 $0xFFFFE000  }
0x14a: {  	[hbm4b:s10+s29] =	stream.linear.scatter [tilespmem:s31], [sflag:$0x3], $0x2000, $0x38;
	[tilespmem:$0x1B800] =	vst v63  }
0x14b: {  	_ =	swait.ge [sflag:s20], $0x2000  }
0x14c: {  	[sflag:s20] =	ssyncset.done $0x0  }
0x14d: {  	[sflag:s20] =	ssyncadd.s32 $0xFFFFE000  }
0x14e: {  	[tilespmem:s31], [sflag:$0x3] =	stream.linear.gather [spmem:s19], $0x1C00, $0x38;
	[tilespmem:$0x1B800] =	vst v63  }
0x14f: {  	_ =	swait.ge [sflag:s20], $0x1C00  }
0x150: {  	[sflag:s20] =	ssyncset.done $0x0;
	s10 =	rddreg [dreg:$0x12]  }
0x151: {  	s10 =	sadd.s32 s28, s10;
	[sflag:s20] =	ssyncadd.s32 $0xFFFFE400  }
0x152: {  	[hbm4b:s10+s29] =	stream.linear.scatter [tilespmem:s31], [sflag:$0x3], $0x1C00, $0x38;
	[tilespmem:$0x1B800] =	vst v63  }
0x153: {  	_ =	swait.ge [sflag:s20], $0x1C00  }
0x154: {  	[sflag:s20] =	ssyncset.done $0x0  }
0x155: {  	[sflag:s20] =	ssyncadd.s32 $0xFFFFE400  }
0x156: {  	s28 =	simm.s32 $0x0;
	s29 =	simm.s32 $0x200;
	[bflag:$0x0] =	sbarrier.arrive $0xFFFF  }
.LBB2_13:
0x157: {  	p1 =	sne.s32 s29, $0x7E00;
	[tilespmem:s28+$0x5C70] =	vst v0  }
0x158: {  	[tilespmem:s28+$0x5C00] =	vst v0  }
0x159: {  	[tilespmem:s28+$0x5C10] =	vst v0  }
.Ltmp7:
0x15a: {  	[tilespmem:s28+$0x5C20] =	vst v0;
	(pc) =	sbr.rel @p1 .LBB2_13-.Ltmp7, $4  }
0x15b: {  	[tilespmem:s28+$0x5C30] =	vst v0  }
0x15c: {  	[tilespmem:s28+$0x5C40] =	vst v0  }
0x15d: {  	[tilespmem:s28+$0x5C50] =	vst v0  }
0x15e: {  	[tilespmem:s28+$0x5C60] =	vst v0;
	s28 =	sshra.s32 s29, $0x2;
	s29 =	sadd.s32 $0x200, s29  }
0x15f: {  	[tilespmem:s28+$0x5C70] =	vst v0  }
0x160: {  	[tilespmem:s28+$0x5C00] =	vst v0  }
0x161: {  	[tilespmem:s28+$0x5C10] =	vst v0  }
0x162: {  	[tilespmem:s28+$0x5C20] =	vst v0  }
0x163: {  	[tilespmem:s28+$0x5C30] =	vst v0  }
0x164: {  	[tilespmem:s28+$0x5C40] =	vst v0  }
0x165: {  	[tilespmem:s28+$0x5C50] =	vst v0  }
0x166: {  	[tilespmem:s28+$0x5C60] =	vst v0  }
0x167: {  	[spmem:s11] =	stream.linear.scatter [tilespmem:s3], [sflag:$0x3], $0x2000, $0x38;
	[tilespmem:$0x1B800] =	vst v63  }
0x168: {  	_ =	swait.ge [sflag:s20], $0x2000  }
0x169: {  	[sflag:s20] =	ssyncset.done $0x0  }
0x16a: {  	[sflag:s20] =	ssyncadd.s32 $0xFFFFE000  }
0x16b: {  	[spmem:s30] =	stream.linear.scatter [tilespmem:s3], [sflag:$0x3], $0x2000, $0x38;
	[tilespmem:$0x1B800] =	vst v63  }
0x16c: {  	_ =	swait.ge [sflag:s20], $0x2000  }
0x16d: {  	[sflag:s20] =	ssyncset.done $0x0  }
0x16e: {  	[sflag:s20] =	ssyncadd.s32 $0xFFFFE000  }
0x16f: {  	[spmem:s12] =	stream.linear.scatter [tilespmem:s3], [sflag:$0x3], $0x2000, $0x38;
	[tilespmem:$0x1B800] =	vst v63  }
0x170: {  	_ =	swait.ge [sflag:s20], $0x2000  }
0x171: {  	[sflag:s20] =	ssyncset.done $0x0  }
0x172: {  	[sflag:s20] =	ssyncadd.s32 $0xFFFFE000  }
0x173: {  	[spmem:s13] =	stream.linear.scatter [tilespmem:s3], [sflag:$0x3], $0x2000, $0x38;
	[tilespmem:$0x1B800] =	vst v63  }
0x174: {  	_ =	swait.ge [sflag:s20], $0x2000  }
0x175: {  	[sflag:s20] =	ssyncset.done $0x0  }
0x176: {  	[sflag:s20] =	ssyncadd.s32 $0xFFFFE000  }
0x177: {  	[spmem:s14] =	stream.linear.scatter [tilespmem:s3], [sflag:$0x3], $0x2000, $0x38;
	[tilespmem:$0x1B800] =	vst v63  }
0x178: {  	_ =	swait.ge [sflag:s20], $0x2000  }
0x179: {  	[sflag:s20] =	ssyncset.done $0x0  }
0x17a: {  	[sflag:s20] =	ssyncadd.s32 $0xFFFFE000  }
0x17b: {  	[spmem:s15] =	stream.linear.scatter [tilespmem:s3], [sflag:$0x3], $0x2000, $0x38;
	[tilespmem:$0x1B800] =	vst v63  }
0x17c: {  	_ =	swait.ge [sflag:s20], $0x2000  }
0x17d: {  	[sflag:s20] =	ssyncset.done $0x0  }
0x17e: {  	[sflag:s20] =	ssyncadd.s32 $0xFFFFE000  }
0x17f: {  	[spmem:s16] =	stream.linear.scatter [tilespmem:s3], [sflag:$0x3], $0x2000, $0x38;
	[tilespmem:$0x1B800] =	vst v63  }
0x180: {  	_ =	swait.ge [sflag:s20], $0x2000  }
0x181: {  	[sflag:s20] =	ssyncset.done $0x0  }
0x182: {  	[sflag:s20] =	ssyncadd.s32 $0xFFFFE000  }
0x183: {  	[spmem:s17] =	stream.linear.scatter [tilespmem:s3], [sflag:$0x3], $0x2000, $0x38;
	[tilespmem:$0x1B800] =	vst v63  }
0x184: {  	_ =	swait.ge [sflag:s20], $0x2000  }
0x185: {  	[sflag:s20] =	ssyncset.done $0x0  }
0x186: {  	[sflag:s20] =	ssyncadd.s32 $0xFFFFE000  }
0x187: {  	[spmem:s18] =	stream.linear.scatter [tilespmem:s3], [sflag:$0x3], $0x2000, $0x38;
	[tilespmem:$0x1B800] =	vst v63  }
0x188: {  	_ =	swait.ge [sflag:s20], $0x2000  }
0x189: {  	[sflag:s20] =	ssyncset.done $0x0  }
0x18a: {  	[sflag:s20] =	ssyncadd.s32 $0xFFFFE000  }
0x18b: {  	[spmem:s19] =	stream.linear.scatter [tilespmem:s3], [sflag:$0x3], $0x1C00, $0x38;
	[tilespmem:$0x1B800] =	vst v63  }
0x18c: {  	_ =	swait.ge [sflag:s20], $0x1C00  }
0x18d: {  	[sflag:s20] =	ssyncset.done $0x0  }
0x18e: {  	s28 =	simm.s32 $0x0;
	s29 =	simm.s32 $0x200;
	[sflag:s20] =	ssyncadd.s32 $0xFFFFE400  }
.LBB2_15:
0x18f: {  	p1 =	sne.s32 s29, $0x7E00;
	[tilespmem:s28+$0x5C70] =	vst v1  }
0x190: {  	[tilespmem:s28+$0x5C00] =	vst v1  }
0x191: {  	[tilespmem:s28+$0x5C10] =	vst v1  }
.Ltmp8:
0x192: {  	[tilespmem:s28+$0x5C20] =	vst v1;
	(pc) =	sbr.rel @p1 .LBB2_15-.Ltmp8, $4  }
0x193: {  	[tilespmem:s28+$0x5C30] =	vst v1  }
0x194: {  	[tilespmem:s28+$0x5C40] =	vst v1  }
0x195: {  	[tilespmem:s28+$0x5C50] =	vst v1  }
0x196: {  	[tilespmem:s28+$0x5C60] =	vst v1;
	s28 =	sshra.s32 s29, $0x2;
	s29 =	sadd.s32 $0x200, s29  }
0x197: {  	[tilespmem:s28+$0x5C70] =	vst v1  }
0x198: {  	[tilespmem:s28+$0x5C00] =	vst v1  }
0x199: {  	[tilespmem:s28+$0x5C10] =	vst v1  }
0x19a: {  	[tilespmem:s28+$0x5C20] =	vst v1  }
0x19b: {  	[tilespmem:s28+$0x5C30] =	vst v1  }
0x19c: {  	[tilespmem:s28+$0x5C40] =	vst v1  }
0x19d: {  	[tilespmem:s28+$0x5C50] =	vst v1  }
0x19e: {  	[tilespmem:s28+$0x5C60] =	vst v1  }
0x19f: {  	[bflag:$0x0] =	sbarrier.arrive $0xFFFF  }
0x1a0: {  	s29 =	simm.s32 $0x2800;
	s10 =	rddreg [dreg:$0x14]  }
0x1a1: {  	[tilespmem:s29], [sflag:$0x3] =	stream.linear.gather [hbm4b:s10+s4], $0x1400, $0x38;
	[tilespmem:$0x1B800] =	vst v63  }
0x1a2: {  	_ =	swait.ge [sflag:s20], $0x1400  }
0x1a3: {  	[sflag:s20] =	ssyncset.done $0x0  }
0x1a4: {  	[sflag:s20] =	ssyncadd.s32 $0xFFFFEC00  }
0x1a5: {  	[spmem:s2] =	stream.indirect.scatter.add.f32 [tilespmem:s3], [sflag:$0x2], $0x80, s29, s21, $0xb8;
	[tilespmem:$0x1B800] =	vst v63  }
0x1a6: {  	s10 =	simm.s32 $0x2880  }
0x1a7: {  	[spmem:s2] =	stream.indirect.scatter.add.f32 [tilespmem:s3], [sflag:$0x2], $0x80, s10, s21, $0xb8;
	[tilespmem:$0x1B800] =	vst v63  }
0x1a8: {  	s10 =	simm.s32 $0x2900  }
0x1a9: {  	[spmem:s2] =	stream.indirect.scatter.add.f32 [tilespmem:s3], [sflag:$0x2], $0x80, s10, s21, $0xb8;
	[tilespmem:$0x1B800] =	vst v63  }
0x1aa: {  	s10 =	simm.s32 $0x2980  }
0x1ab: {  	[spmem:s2] =	stream.indirect.scatter.add.f32 [tilespmem:s3], [sflag:$0x2], $0x80, s10, s21, $0xb8;
	[tilespmem:$0x1B800] =	vst v63  }
0x1ac: {  	s10 =	simm.s32 $0x2A00  }
0x1ad: {  	[spmem:s2] =	stream.indirect.scatter.add.f32 [tilespmem:s3], [sflag:$0x2], $0x80, s10, s21, $0xb8;
	[tilespmem:$0x1B800] =	vst v63  }
0x1ae: {  	s10 =	simm.s32 $0x2A80  }
0x1af: {  	[spmem:s2] =	stream.indirect.scatter.add.f32 [tilespmem:s3], [sflag:$0x2], $0x80, s10, s21, $0xb8;
	[tilespmem:$0x1B800] =	vst v63  }
0x1b0: {  	s10 =	simm.s32 $0x2B00  }
0x1b1: {  	[spmem:s2] =	stream.indirect.scatter.add.f32 [tilespmem:s3], [sflag:$0x2], $0x80, s10, s21, $0xb8;
	[tilespmem:$0x1B800] =	vst v63  }
0x1b2: {  	s10 =	simm.s32 $0x2B80  }
0x1b3: {  	[spmem:s2] =	stream.indirect.scatter.add.f32 [tilespmem:s3], [sflag:$0x2], $0x80, s10, s21, $0xb8;
	[tilespmem:$0x1B800] =	vst v63  }
0x1b4: {  	s10 =	simm.s32 $0x2C00  }
0x1b5: {  	[spmem:s2] =	stream.indirect.scatter.add.f32 [tilespmem:s3], [sflag:$0x2], $0x80, s10, s21, $0xb8;
	[tilespmem:$0x1B800] =	vst v63  }
0x1b6: {  	s10 =	simm.s32 $0x2C80  }
0x1b7: {  	[spmem:s2] =	stream.indirect.scatter.add.f32 [tilespmem:s3], [sflag:$0x2], $0x80, s10, s21, $0xb8;
	[tilespmem:$0x1B800] =	vst v63  }
0x1b8: {  	s10 =	simm.s32 $0x2D00  }
0x1b9: {  	[spmem:s2] =	stream.indirect.scatter.add.f32 [tilespmem:s3], [sflag:$0x2], $0x80, s10, s21, $0xb8;
	[tilespmem:$0x1B800] =	vst v63  }
0x1ba: {  	s10 =	simm.s32 $0x2D80  }
0x1bb: {  	[spmem:s2] =	stream.indirect.scatter.add.f32 [tilespmem:s3], [sflag:$0x2], $0x80, s10, s21, $0xb8;
	[tilespmem:$0x1B800] =	vst v63  }
0x1bc: {  	s10 =	simm.s32 $0x2E00  }
0x1bd: {  	[spmem:s2] =	stream.indirect.scatter.add.f32 [tilespmem:s3], [sflag:$0x2], $0x80, s10, s21, $0xb8;
	[tilespmem:$0x1B800] =	vst v63  }
0x1be: {  	s10 =	simm.s32 $0x2E80  }
0x1bf: {  	[spmem:s2] =	stream.indirect.scatter.add.f32 [tilespmem:s3], [sflag:$0x2], $0x80, s10, s21, $0xb8;
	[tilespmem:$0x1B800] =	vst v63  }
0x1c0: {  	s10 =	simm.s32 $0x2F00  }
0x1c1: {  	[spmem:s2] =	stream.indirect.scatter.add.f32 [tilespmem:s3], [sflag:$0x2], $0x80, s10, s21, $0xb8;
	[tilespmem:$0x1B800] =	vst v63  }
0x1c2: {  	s10 =	simm.s32 $0x2F80  }
0x1c3: {  	[spmem:s2] =	stream.indirect.scatter.add.f32 [tilespmem:s3], [sflag:$0x2], $0x80, s10, s21, $0xb8;
	[tilespmem:$0x1B800] =	vst v63  }
0x1c4: {  	s10 =	simm.s32 $0x3000  }
0x1c5: {  	[spmem:s2] =	stream.indirect.scatter.add.f32 [tilespmem:s3], [sflag:$0x2], $0x80, s10, s21, $0xb8;
	[tilespmem:$0x1B800] =	vst v63  }
0x1c6: {  	s10 =	simm.s32 $0x3080  }
0x1c7: {  	[spmem:s2] =	stream.indirect.scatter.add.f32 [tilespmem:s3], [sflag:$0x2], $0x80, s10, s21, $0xb8;
	[tilespmem:$0x1B800] =	vst v63  }
0x1c8: {  	s10 =	simm.s32 $0x3100  }
0x1c9: {  	[spmem:s2] =	stream.indirect.scatter.add.f32 [tilespmem:s3], [sflag:$0x2], $0x80, s10, s21, $0xb8;
	[tilespmem:$0x1B800] =	vst v63  }
0x1ca: {  	s10 =	simm.s32 $0x3180  }
0x1cb: {  	[spmem:s2] =	stream.indirect.scatter.add.f32 [tilespmem:s3], [sflag:$0x2], $0x80, s10, s21, $0xb8;
	[tilespmem:$0x1B800] =	vst v63  }
0x1cc: {  	s10 =	simm.s32 $0x3200  }
0x1cd: {  	[spmem:s2] =	stream.indirect.scatter.add.f32 [tilespmem:s3], [sflag:$0x2], $0x80, s10, s21, $0xb8;
	[tilespmem:$0x1B800] =	vst v63  }
0x1ce: {  	s10 =	simm.s32 $0x3280  }
0x1cf: {  	[spmem:s2] =	stream.indirect.scatter.add.f32 [tilespmem:s3], [sflag:$0x2], $0x80, s10, s21, $0xb8;
	[tilespmem:$0x1B800] =	vst v63  }
0x1d0: {  	s10 =	simm.s32 $0x3300  }
0x1d1: {  	[spmem:s2] =	stream.indirect.scatter.add.f32 [tilespmem:s3], [sflag:$0x2], $0x80, s10, s21, $0xb8;
	[tilespmem:$0x1B800] =	vst v63  }
0x1d2: {  	s10 =	simm.s32 $0x3380  }
0x1d3: {  	[spmem:s2] =	stream.indirect.scatter.add.f32 [tilespmem:s3], [sflag:$0x2], $0x80, s10, s21, $0xb8;
	[tilespmem:$0x1B800] =	vst v63  }
0x1d4: {  	s10 =	simm.s32 $0x3400  }
0x1d5: {  	[spmem:s2] =	stream.indirect.scatter.add.f32 [tilespmem:s3], [sflag:$0x2], $0x80, s10, s21, $0xb8;
	[tilespmem:$0x1B800] =	vst v63  }
0x1d6: {  	s10 =	simm.s32 $0x3480  }
0x1d7: {  	[spmem:s2] =	stream.indirect.scatter.add.f32 [tilespmem:s3], [sflag:$0x2], $0x80, s10, s21, $0xb8;
	[tilespmem:$0x1B800] =	vst v63  }
0x1d8: {  	s10 =	simm.s32 $0x3500  }
0x1d9: {  	[spmem:s2] =	stream.indirect.scatter.add.f32 [tilespmem:s3], [sflag:$0x2], $0x80, s10, s21, $0xb8;
	[tilespmem:$0x1B800] =	vst v63  }
0x1da: {  	s10 =	simm.s32 $0x3580  }
0x1db: {  	[spmem:s2] =	stream.indirect.scatter.add.f32 [tilespmem:s3], [sflag:$0x2], $0x80, s10, s21, $0xb8;
	[tilespmem:$0x1B800] =	vst v63  }
0x1dc: {  	s10 =	simm.s32 $0x3600  }
0x1dd: {  	[spmem:s2] =	stream.indirect.scatter.add.f32 [tilespmem:s3], [sflag:$0x2], $0x80, s10, s21, $0xb8;
	[tilespmem:$0x1B800] =	vst v63  }
0x1de: {  	s10 =	simm.s32 $0x3680  }
0x1df: {  	[spmem:s2] =	stream.indirect.scatter.add.f32 [tilespmem:s3], [sflag:$0x2], $0x80, s10, s21, $0xb8;
	[tilespmem:$0x1B800] =	vst v63  }
0x1e0: {  	s10 =	simm.s32 $0x3700  }
0x1e1: {  	[spmem:s2] =	stream.indirect.scatter.add.f32 [tilespmem:s3], [sflag:$0x2], $0x80, s10, s21, $0xb8;
	[tilespmem:$0x1B800] =	vst v63  }
0x1e2: {  	s10 =	simm.s32 $0x3780  }
0x1e3: {  	[spmem:s2] =	stream.indirect.scatter.add.f32 [tilespmem:s3], [sflag:$0x2], $0x80, s10, s21, $0xb8;
	[tilespmem:$0x1B800] =	vst v63  }
0x1e4: {  	s10 =	simm.s32 $0x3800  }
0x1e5: {  	[spmem:s2] =	stream.indirect.scatter.add.f32 [tilespmem:s3], [sflag:$0x2], $0x80, s10, s21, $0xb8;
	[tilespmem:$0x1B800] =	vst v63  }
0x1e6: {  	s10 =	simm.s32 $0x3880  }
0x1e7: {  	[spmem:s2] =	stream.indirect.scatter.add.f32 [tilespmem:s3], [sflag:$0x2], $0x80, s10, s21, $0xb8;
	[tilespmem:$0x1B800] =	vst v63  }
0x1e8: {  	s10 =	simm.s32 $0x3900  }
0x1e9: {  	[spmem:s2] =	stream.indirect.scatter.add.f32 [tilespmem:s3], [sflag:$0x2], $0x80, s10, s21, $0xb8;
	[tilespmem:$0x1B800] =	vst v63  }
0x1ea: {  	s10 =	simm.s32 $0x3980  }
0x1eb: {  	[spmem:s2] =	stream.indirect.scatter.add.f32 [tilespmem:s3], [sflag:$0x2], $0x80, s10, s21, $0xb8;
	[tilespmem:$0x1B800] =	vst v63  }
0x1ec: {  	s10 =	simm.s32 $0x3A00  }
0x1ed: {  	[spmem:s2] =	stream.indirect.scatter.add.f32 [tilespmem:s3], [sflag:$0x2], $0x80, s10, s21, $0xb8;
	[tilespmem:$0x1B800] =	vst v63  }
0x1ee: {  	s10 =	simm.s32 $0x3A80  }
0x1ef: {  	[spmem:s2] =	stream.indirect.scatter.add.f32 [tilespmem:s3], [sflag:$0x2], $0x80, s10, s21, $0xb8;
	[tilespmem:$0x1B800] =	vst v63  }
0x1f0: {  	s10 =	simm.s32 $0x3B00  }
0x1f1: {  	[spmem:s2] =	stream.indirect.scatter.add.f32 [tilespmem:s3], [sflag:$0x2], $0x80, s10, s21, $0xb8;
	[tilespmem:$0x1B800] =	vst v63  }
0x1f2: {  	s10 =	simm.s32 $0x3B80  }
0x1f3: {  	[spmem:s2] =	stream.indirect.scatter.add.f32 [tilespmem:s3], [sflag:$0x2], $0x80, s10, s21, $0xb8;
	[tilespmem:$0x1B800] =	vst v63  }
0x1f4: {  	_ =	swait.ge [sflag:s23], $0x2000  }
0x1f5: {  	s28 =	simm.s32 $0x27;
	[sflag:s23] =	ssyncset.done $0x0  }
.LBB2_17:
0x1f6: {  	p1 =	sne.s32 s28, $0x1;
	s28 =	sadd.s32 $0xFFFFFFFF, s28;
	[sflag:s23] =	ssyncadd.s32 $0xFFFFE000  }
.Ltmp9:
0x1f7: {  	(pc) =	sbr.rel @p1 .LBB2_17-.Ltmp9, $3  }
0x1f8: {  	_ =	sdelay $0x1  }
0x1f9: {  	_ =	swait.ge [sflag:s23], $0x2000  }
0x1fa: {  	[sflag:s23] =	ssyncset.done $0x0  }
0x1fb: {  	[sflag:s23] =	ssyncadd.s32 $0xFFFFE000;
	s10 =	rddreg [dreg:$0x1f]  }
0x1fc: {  	[tilespmem:s29], [sflag:$0x3] =	stream.linear.gather [hbm4b:s10+s4], $0x1400, $0x38;
	[tilespmem:$0x1B800] =	vst v63  }
0x1fd: {  	_ =	swait.ge [sflag:s20], $0x1400  }
0x1fe: {  	[sflag:s20] =	ssyncset.done $0x0  }
0x1ff: {  	[sflag:s20] =	ssyncadd.s32 $0xFFFFEC00  }
0x200: {  	[spmem:s2] =	stream.indirect.scatter.add.f32 [tilespmem:s3], [sflag:$0x2], $0x80, s29, s21, $0xb8;
	[tilespmem:$0x1B800] =	vst v63  }
0x201: {  	s29 =	simm.s32 $0x2880  }
0x202: {  	[spmem:s2] =	stream.indirect.scatter.add.f32 [tilespmem:s3], [sflag:$0x2], $0x80, s29, s21, $0xb8;
	[tilespmem:$0x1B800] =	vst v63  }
0x203: {  	s29 =	simm.s32 $0x2900  }
0x204: {  	[spmem:s2] =	stream.indirect.scatter.add.f32 [tilespmem:s3], [sflag:$0x2], $0x80, s29, s21, $0xb8;
	[tilespmem:$0x1B800] =	vst v63  }
0x205: {  	s29 =	simm.s32 $0x2980  }
0x206: {  	[spmem:s2] =	stream.indirect.scatter.add.f32 [tilespmem:s3], [sflag:$0x2], $0x80, s29, s21, $0xb8;
	[tilespmem:$0x1B800] =	vst v63  }
0x207: {  	s29 =	simm.s32 $0x2A00  }
0x208: {  	[spmem:s2] =	stream.indirect.scatter.add.f32 [tilespmem:s3], [sflag:$0x2], $0x80, s29, s21, $0xb8;
	[tilespmem:$0x1B800] =	vst v63  }
0x209: {  	s29 =	simm.s32 $0x2A80  }
0x20a: {  	[spmem:s2] =	stream.indirect.scatter.add.f32 [tilespmem:s3], [sflag:$0x2], $0x80, s29, s21, $0xb8;
	[tilespmem:$0x1B800] =	vst v63  }
0x20b: {  	s29 =	simm.s32 $0x2B00  }
0x20c: {  	[spmem:s2] =	stream.indirect.scatter.add.f32 [tilespmem:s3], [sflag:$0x2], $0x80, s29, s21, $0xb8;
	[tilespmem:$0x1B800] =	vst v63  }
0x20d: {  	s29 =	simm.s32 $0x2B80  }
0x20e: {  	[spmem:s2] =	stream.indirect.scatter.add.f32 [tilespmem:s3], [sflag:$0x2], $0x80, s29, s21, $0xb8;
	[tilespmem:$0x1B800] =	vst v63  }
0x20f: {  	s29 =	simm.s32 $0x2C00  }
0x210: {  	[spmem:s2] =	stream.indirect.scatter.add.f32 [tilespmem:s3], [sflag:$0x2], $0x80, s29, s21, $0xb8;
	[tilespmem:$0x1B800] =	vst v63  }
0x211: {  	s29 =	simm.s32 $0x2C80  }
0x212: {  	[spmem:s2] =	stream.indirect.scatter.add.f32 [tilespmem:s3], [sflag:$0x2], $0x80, s29, s21, $0xb8;
	[tilespmem:$0x1B800] =	vst v63  }
0x213: {  	s29 =	simm.s32 $0x2D00  }
0x214: {  	[spmem:s2] =	stream.indirect.scatter.add.f32 [tilespmem:s3], [sflag:$0x2], $0x80, s29, s21, $0xb8;
	[tilespmem:$0x1B800] =	vst v63  }
0x215: {  	s29 =	simm.s32 $0x2D80  }
0x216: {  	[spmem:s2] =	stream.indirect.scatter.add.f32 [tilespmem:s3], [sflag:$0x2], $0x80, s29, s21, $0xb8;
	[tilespmem:$0x1B800] =	vst v63  }
0x217: {  	s29 =	simm.s32 $0x2E00  }
0x218: {  	[spmem:s2] =	stream.indirect.scatter.add.f32 [tilespmem:s3], [sflag:$0x2], $0x80, s29, s21, $0xb8;
	[tilespmem:$0x1B800] =	vst v63  }
0x219: {  	s29 =	simm.s32 $0x2E80  }
0x21a: {  	[spmem:s2] =	stream.indirect.scatter.add.f32 [tilespmem:s3], [sflag:$0x2], $0x80, s29, s21, $0xb8;
	[tilespmem:$0x1B800] =	vst v63  }
0x21b: {  	s29 =	simm.s32 $0x2F00  }
0x21c: {  	[spmem:s2] =	stream.indirect.scatter.add.f32 [tilespmem:s3], [sflag:$0x2], $0x80, s29, s21, $0xb8;
	[tilespmem:$0x1B800] =	vst v63  }
0x21d: {  	s29 =	simm.s32 $0x2F80  }
0x21e: {  	[spmem:s2] =	stream.indirect.scatter.add.f32 [tilespmem:s3], [sflag:$0x2], $0x80, s29, s21, $0xb8;
	[tilespmem:$0x1B800] =	vst v63  }
0x21f: {  	s29 =	simm.s32 $0x3000  }
0x220: {  	[spmem:s2] =	stream.indirect.scatter.add.f32 [tilespmem:s3], [sflag:$0x2], $0x80, s29, s21, $0xb8;
	[tilespmem:$0x1B800] =	vst v63  }
0x221: {  	s29 =	simm.s32 $0x3080  }
0x222: {  	[spmem:s2] =	stream.indirect.scatter.add.f32 [tilespmem:s3], [sflag:$0x2], $0x80, s29, s21, $0xb8;
	[tilespmem:$0x1B800] =	vst v63  }
0x223: {  	s29 =	simm.s32 $0x3100  }
0x224: {  	[spmem:s2] =	stream.indirect.scatter.add.f32 [tilespmem:s3], [sflag:$0x2], $0x80, s29, s21, $0xb8;
	[tilespmem:$0x1B800] =	vst v63  }
0x225: {  	s29 =	simm.s32 $0x3180  }
0x226: {  	[spmem:s2] =	stream.indirect.scatter.add.f32 [tilespmem:s3], [sflag:$0x2], $0x80, s29, s21, $0xb8;
	[tilespmem:$0x1B800] =	vst v63  }
0x227: {  	s29 =	simm.s32 $0x3200  }
0x228: {  	[spmem:s2] =	stream.indirect.scatter.add.f32 [tilespmem:s3], [sflag:$0x2], $0x80, s29, s21, $0xb8;
	[tilespmem:$0x1B800] =	vst v63  }
0x229: {  	s29 =	simm.s32 $0x3280  }
0x22a: {  	[spmem:s2] =	stream.indirect.scatter.add.f32 [tilespmem:s3], [sflag:$0x2], $0x80, s29, s21, $0xb8;
	[tilespmem:$0x1B800] =	vst v63  }
0x22b: {  	s29 =	simm.s32 $0x3300  }
0x22c: {  	[spmem:s2] =	stream.indirect.scatter.add.f32 [tilespmem:s3], [sflag:$0x2], $0x80, s29, s21, $0xb8;
	[tilespmem:$0x1B800] =	vst v63  }
0x22d: {  	s29 =	simm.s32 $0x3380  }
0x22e: {  	[spmem:s2] =	stream.indirect.scatter.add.f32 [tilespmem:s3], [sflag:$0x2], $0x80, s29, s21, $0xb8;
	[tilespmem:$0x1B800] =	vst v63  }
0x22f: {  	s29 =	simm.s32 $0x3400  }
0x230: {  	[spmem:s2] =	stream.indirect.scatter.add.f32 [tilespmem:s3], [sflag:$0x2], $0x80, s29, s21, $0xb8;
	[tilespmem:$0x1B800] =	vst v63  }
0x231: {  	s29 =	simm.s32 $0x3480  }
0x232: {  	[spmem:s2] =	stream.indirect.scatter.add.f32 [tilespmem:s3], [sflag:$0x2], $0x80, s29, s21, $0xb8;
	[tilespmem:$0x1B800] =	vst v63  }
0x233: {  	s29 =	simm.s32 $0x3500  }
0x234: {  	[spmem:s2] =	stream.indirect.scatter.add.f32 [tilespmem:s3], [sflag:$0x2], $0x80, s29, s21, $0xb8;
	[tilespmem:$0x1B800] =	vst v63  }
0x235: {  	s29 =	simm.s32 $0x3580  }
0x236: {  	[spmem:s2] =	stream.indirect.scatter.add.f32 [tilespmem:s3], [sflag:$0x2], $0x80, s29, s21, $0xb8;
	[tilespmem:$0x1B800] =	vst v63  }
0x237: {  	s29 =	simm.s32 $0x3600  }
0x238: {  	[spmem:s2] =	stream.indirect.scatter.add.f32 [tilespmem:s3], [sflag:$0x2], $0x80, s29, s21, $0xb8;
	[tilespmem:$0x1B800] =	vst v63  }
0x239: {  	s29 =	simm.s32 $0x3680  }
0x23a: {  	[spmem:s2] =	stream.indirect.scatter.add.f32 [tilespmem:s3], [sflag:$0x2], $0x80, s29, s21, $0xb8;
	[tilespmem:$0x1B800] =	vst v63  }
0x23b: {  	s29 =	simm.s32 $0x3700  }
0x23c: {  	[spmem:s2] =	stream.indirect.scatter.add.f32 [tilespmem:s3], [sflag:$0x2], $0x80, s29, s21, $0xb8;
	[tilespmem:$0x1B800] =	vst v63  }
0x23d: {  	s29 =	simm.s32 $0x3780  }
0x23e: {  	[spmem:s2] =	stream.indirect.scatter.add.f32 [tilespmem:s3], [sflag:$0x2], $0x80, s29, s21, $0xb8;
	[tilespmem:$0x1B800] =	vst v63  }
0x23f: {  	s29 =	simm.s32 $0x3800  }
0x240: {  	[spmem:s2] =	stream.indirect.scatter.add.f32 [tilespmem:s3], [sflag:$0x2], $0x80, s29, s21, $0xb8;
	[tilespmem:$0x1B800] =	vst v63  }
0x241: {  	s29 =	simm.s32 $0x3880  }
0x242: {  	[spmem:s2] =	stream.indirect.scatter.add.f32 [tilespmem:s3], [sflag:$0x2], $0x80, s29, s21, $0xb8;
	[tilespmem:$0x1B800] =	vst v63  }
0x243: {  	s29 =	simm.s32 $0x3900  }
0x244: {  	[spmem:s2] =	stream.indirect.scatter.add.f32 [tilespmem:s3], [sflag:$0x2], $0x80, s29, s21, $0xb8;
	[tilespmem:$0x1B800] =	vst v63  }
0x245: {  	s29 =	simm.s32 $0x3980  }
0x246: {  	[spmem:s2] =	stream.indirect.scatter.add.f32 [tilespmem:s3], [sflag:$0x2], $0x80, s29, s21, $0xb8;
	[tilespmem:$0x1B800] =	vst v63  }
0x247: {  	s29 =	simm.s32 $0x3A00  }
0x248: {  	[spmem:s2] =	stream.indirect.scatter.add.f32 [tilespmem:s3], [sflag:$0x2], $0x80, s29, s21, $0xb8;
	[tilespmem:$0x1B800] =	vst v63  }
0x249: {  	s29 =	simm.s32 $0x3A80  }
0x24a: {  	[spmem:s2] =	stream.indirect.scatter.add.f32 [tilespmem:s3], [sflag:$0x2], $0x80, s29, s21, $0xb8;
	[tilespmem:$0x1B800] =	vst v63  }
0x24b: {  	s29 =	simm.s32 $0x3B00  }
0x24c: {  	[spmem:s2] =	stream.indirect.scatter.add.f32 [tilespmem:s3], [sflag:$0x2], $0x80, s29, s21, $0xb8;
	[tilespmem:$0x1B800] =	vst v63  }
0x24d: {  	s29 =	simm.s32 $0x3B80  }
0x24e: {  	[spmem:s2] =	stream.indirect.scatter.add.f32 [tilespmem:s3], [sflag:$0x2], $0x80, s29, s21, $0xb8;
	[tilespmem:$0x1B800] =	vst v63  }
0x24f: {  	_ =	swait.ge [sflag:s23], $0x2000  }
0x250: {  	s28 =	simm.s32 $0x27;
	[sflag:s23] =	ssyncset.done $0x0  }
.LBB2_19:
0x251: {  	p1 =	sne.s32 s28, $0x1;
	s28 =	sadd.s32 $0xFFFFFFFF, s28;
	[sflag:s23] =	ssyncadd.s32 $0xFFFFE000  }
.Ltmp10:
0x252: {  	(pc) =	sbr.rel @p1 .LBB2_19-.Ltmp10, $3  }
0x253: {  	_ =	sdelay $0x1  }
0x254: {  	_ =	swait.ge [sflag:s23], $0x2000  }
0x255: {  	[sflag:s23] =	ssyncset.done $0x0  }
0x256: {  	[sflag:s23] =	ssyncadd.s32 $0xFFFFE000  }
0x257: {  	[bflag:$0x0] =	sbarrier.arrive $0xFFFF  }
0x258: {  	[tilespmem:s31], [sflag:$0x3] =	stream.linear.gather [spmem:s11], $0x2000, $0x38;
	[tilespmem:$0x1B800] =	vst v63  }
0x259: {  	_ =	swait.ge [sflag:s20], $0x2000  }
0x25a: {  	[sflag:s20] =	ssyncset.done $0x0  }
0x25b: {  	s10 =	rddreg [dreg:$0x15];
	[sflag:s20] =	ssyncadd.s32 $0xFFFFE000  }
0x25c: {  	[hbm4b:s10+s4] =	stream.linear.scatter [tilespmem:s31], [sflag:$0x3], $0x2000, $0x38;
	[tilespmem:$0x1B800] =	vst v63  }
0x25d: {  	_ =	swait.ge [sflag:s20], $0x2000  }
0x25e: {  	[sflag:s20] =	ssyncset.done $0x0  }
0x25f: {  	[sflag:s20] =	ssyncadd.s32 $0xFFFFE000  }
0x260: {  	[tilespmem:s31], [sflag:$0x3] =	stream.linear.gather [spmem:s30], $0x2000, $0x38;
	[tilespmem:$0x1B800] =	vst v63  }
0x261: {  	_ =	swait.ge [sflag:s20], $0x2000  }
0x262: {  	[sflag:s20] =	ssyncset.done $0x0  }
0x263: {  	s28 =	rddreg [dreg:$0x16];
	[sflag:s20] =	ssyncadd.s32 $0xFFFFE000  }
0x264: {  	[hbm4b:s28+s4] =	stream.linear.scatter [tilespmem:s31], [sflag:$0x3], $0x2000, $0x38;
	[tilespmem:$0x1B800] =	vst v63  }
0x265: {  	_ =	swait.ge [sflag:s20], $0x2000  }
0x266: {  	[sflag:s20] =	ssyncset.done $0x0  }
0x267: {  	[sflag:s20] =	ssyncadd.s32 $0xFFFFE000  }
0x268: {  	[tilespmem:s31], [sflag:$0x3] =	stream.linear.gather [spmem:s12], $0x2000, $0x38;
	[tilespmem:$0x1B800] =	vst v63  }
0x269: {  	_ =	swait.ge [sflag:s20], $0x2000  }
0x26a: {  	[sflag:s20] =	ssyncset.done $0x0  }
0x26b: {  	s29 =	rddreg [dreg:$0x17];
	[sflag:s20] =	ssyncadd.s32 $0xFFFFE000  }
0x26c: {  	[hbm4b:s29+s4] =	stream.linear.scatter [tilespmem:s31], [sflag:$0x3], $0x2000, $0x38;
	[tilespmem:$0x1B800] =	vst v63  }
0x26d: {  	_ =	swait.ge [sflag:s20], $0x2000  }
0x26e: {  	[sflag:s20] =	ssyncset.done $0x0  }
0x26f: {  	[sflag:s20] =	ssyncadd.s32 $0xFFFFE000  }
0x270: {  	[tilespmem:s31], [sflag:$0x3] =	stream.linear.gather [spmem:s13], $0x2000, $0x38;
	[tilespmem:$0x1B800] =	vst v63  }
0x271: {  	_ =	swait.ge [sflag:s20], $0x2000  }
0x272: {  	[sflag:s20] =	ssyncset.done $0x0  }
0x273: {  	s28 =	rddreg [dreg:$0x18];
	[sflag:s20] =	ssyncadd.s32 $0xFFFFE000  }
0x274: {  	[hbm4b:s28+s4] =	stream.linear.scatter [tilespmem:s31], [sflag:$0x3], $0x2000, $0x38;
	[tilespmem:$0x1B800] =	vst v63  }
0x275: {  	_ =	swait.ge [sflag:s20], $0x2000  }
0x276: {  	[sflag:s20] =	ssyncset.done $0x0  }
0x277: {  	[sflag:s20] =	ssyncadd.s32 $0xFFFFE000  }
0x278: {  	[tilespmem:s31], [sflag:$0x3] =	stream.linear.gather [spmem:s14], $0x2000, $0x38;
	[tilespmem:$0x1B800] =	vst v63  }
0x279: {  	_ =	swait.ge [sflag:s20], $0x2000  }
0x27a: {  	[sflag:s20] =	ssyncset.done $0x0  }
0x27b: {  	s29 =	rddreg [dreg:$0x19];
	[sflag:s20] =	ssyncadd.s32 $0xFFFFE000  }
0x27c: {  	[hbm4b:s29+s4] =	stream.linear.scatter [tilespmem:s31], [sflag:$0x3], $0x2000, $0x38;
	[tilespmem:$0x1B800] =	vst v63  }
0x27d: {  	_ =	swait.ge [sflag:s20], $0x2000  }
0x27e: {  	[sflag:s20] =	ssyncset.done $0x0  }
0x27f: {  	[sflag:s20] =	ssyncadd.s32 $0xFFFFE000  }
0x280: {  	[tilespmem:s31], [sflag:$0x3] =	stream.linear.gather [spmem:s15], $0x2000, $0x38;
	[tilespmem:$0x1B800] =	vst v63  }
0x281: {  	_ =	swait.ge [sflag:s20], $0x2000  }
0x282: {  	[sflag:s20] =	ssyncset.done $0x0  }
0x283: {  	s28 =	rddreg [dreg:$0x1a];
	[sflag:s20] =	ssyncadd.s32 $0xFFFFE000  }
0x284: {  	[hbm4b:s28+s4] =	stream.linear.scatter [tilespmem:s31], [sflag:$0x3], $0x2000, $0x38;
	[tilespmem:$0x1B800] =	vst v63  }
0x285: {  	_ =	swait.ge [sflag:s20], $0x2000  }
0x286: {  	[sflag:s20] =	ssyncset.done $0x0  }
0x287: {  	[sflag:s20] =	ssyncadd.s32 $0xFFFFE000  }
0x288: {  	[tilespmem:s31], [sflag:$0x3] =	stream.linear.gather [spmem:s16], $0x2000, $0x38;
	[tilespmem:$0x1B800] =	vst v63  }
0x289: {  	_ =	swait.ge [sflag:s20], $0x2000  }
0x28a: {  	[sflag:s20] =	ssyncset.done $0x0  }
0x28b: {  	s29 =	rddreg [dreg:$0x1b];
	[sflag:s20] =	ssyncadd.s32 $0xFFFFE000  }
0x28c: {  	[hbm4b:s29+s4] =	stream.linear.scatter [tilespmem:s31], [sflag:$0x3], $0x2000, $0x38;
	[tilespmem:$0x1B800] =	vst v63  }
0x28d: {  	_ =	swait.ge [sflag:s20], $0x2000  }
0x28e: {  	[sflag:s20] =	ssyncset.done $0x0  }
0x28f: {  	[sflag:s20] =	ssyncadd.s32 $0xFFFFE000  }
0x290: {  	[tilespmem:s31], [sflag:$0x3] =	stream.linear.gather [spmem:s17], $0x2000, $0x38;
	[tilespmem:$0x1B800] =	vst v63  }
0x291: {  	_ =	swait.ge [sflag:s20], $0x2000  }
0x292: {  	[sflag:s20] =	ssyncset.done $0x0  }
0x293: {  	s28 =	rddreg [dreg:$0x1c];
	[sflag:s20] =	ssyncadd.s32 $0xFFFFE000  }
0x294: {  	[hbm4b:s28+s4] =	stream.linear.scatter [tilespmem:s31], [sflag:$0x3], $0x2000, $0x38;
	[tilespmem:$0x1B800] =	vst v63  }
0x295: {  	_ =	swait.ge [sflag:s20], $0x2000  }
0x296: {  	[sflag:s20] =	ssyncset.done $0x0  }
0x297: {  	[sflag:s20] =	ssyncadd.s32 $0xFFFFE000  }
0x298: {  	[tilespmem:s31], [sflag:$0x3] =	stream.linear.gather [spmem:s18], $0x2000, $0x38;
	[tilespmem:$0x1B800] =	vst v63  }
0x299: {  	_ =	swait.ge [sflag:s20], $0x2000  }
0x29a: {  	[sflag:s20] =	ssyncset.done $0x0  }
0x29b: {  	s29 =	rddreg [dreg:$0x1d];
	[sflag:s20] =	ssyncadd.s32 $0xFFFFE000  }
0x29c: {  	[hbm4b:s29+s4] =	stream.linear.scatter [tilespmem:s31], [sflag:$0x3], $0x2000, $0x38;
	[tilespmem:$0x1B800] =	vst v63  }
0x29d: {  	_ =	swait.ge [sflag:s20], $0x2000  }
0x29e: {  	[sflag:s20] =	ssyncset.done $0x0  }
0x29f: {  	[sflag:s20] =	ssyncadd.s32 $0xFFFFE000  }
0x2a0: {  	[tilespmem:s31], [sflag:$0x3] =	stream.linear.gather [spmem:s19], $0x1C00, $0x38;
	[tilespmem:$0x1B800] =	vst v63  }
0x2a1: {  	_ =	swait.ge [sflag:s20], $0x1C00  }
0x2a2: {  	[sflag:s20] =	ssyncset.done $0x0  }
0x2a3: {  	s28 =	rddreg [dreg:$0x1e];
	[sflag:s20] =	ssyncadd.s32 $0xFFFFE400  }
0x2a4: {  	[hbm4b:s28+s4] =	stream.linear.scatter [tilespmem:s31], [sflag:$0x3], $0x1C00, $0x38;
	[tilespmem:$0x1B800] =	vst v63  }
0x2a5: {  	_ =	swait.ge [sflag:s20], $0x1C00  }
0x2a6: {  	s0 =	sadd.s32 $0x1, s0;
	s29 =	rddreg [dreg:$0x13]  }
0x2a7: {  	p1 =	sne.s32 s0, s29  }
.Ltmp11:
0x2a8: {  	_ = 	snop;
	(pc) =	sbr.rel @p1 .LBB2_1-.Ltmp11, $3  }
0x2a9: {  	_ =	sdelay $0x1  }
0x2aa: {  	[sflag:s20] =	ssyncset.done $0x0  }
0x2ab: {  	[sflag:s20] =	ssyncadd.s32 $0xFFFFE400  }
0x2ac: {  	_ =	sfence.sel $0x180000  }
0x2ad: {  	[bflag:$0x0] =	sbarrier.arrive $0xFFFF  }
0x2ae: {  	_ =	strace $0x90000047  }
0x2af: {  	s0 =	stileid.u32;
	[bflag:$0x2] =	sbarrier.arrive $0xFFFF  }
0x2b0: {  	p0 =	sne.s32 s0, $0x0;
	s0 =	rddreg [dreg:$0x3]  }
0x2b1: {  	s0 =	sadd.s32 @!p0 $0x100000, s0  }
0x2b2: {  	[sflag:s0] =	ssyncadd.tile.s32 @!p0 $0x1;
	_ =	shalt  }
.Lfunc_end2:
_tile_overlayer_lowered:
.L_overlay_start_2:
0x2b3: {  	(tag) =	ssettag $0x2  }
0x2b4: {  	s0 =	rddreg [dreg:$0x0];
	s2 =	stileid.u32  }
0x2b5: {  	s1 =	rddreg [dreg:$0x1];
	p0 =	sne.s32 s2, $0x0  }
0x2b6: {  	s3 =	rddreg [dreg:$0x2];
	[bflag:$0x3] =	sbarrier.arrive $0xFFFF;
	s2 =	simm.s32 @!p0 $0x1C03  }
0x2b7: {  	[timem:s3], [sflag:s2] =	dma.local @!p0 [hbm:s0], s1  }
0x2b8: {  	s0 =	simm.s32 @!p0 $0x3  }
0x2b9: {  	_ =	swait.ge @!p0 [sflag:s0], s1  }
0x2ba: {  	s1 =	ssub.s32 @!p0 $0x0, s1;
	[sflag:s0] =	ssyncset.done @!p0 $0x0  }
0x2bb: {  	[sflag:s0] =	ssyncadd.s32 @!p0 s1  }
0x2bc: {  	[bflag:$0x3] =	sbarrier.arrive $0xFFFF  }
0x2bd: {  	_ =	shalt  }

</sc_bundles>
